<compile_context>
chip_gen: v7x
topology: tpu7x:2x2x1
jax: 0.10.2.dev20260603
libtpu: 0.0.44.dev20260713+nightly
codegen_flags: <defaults>
</compile_context>

<pallas_src>
import functools
import math

import jax
import jax.numpy as jnp
from jax import lax
from jax.experimental import pallas as pl
from jax.experimental.pallas import tpu as pltpu
from jax.experimental.pallas import tpu_sc as plsc

NUM_POS = 2000
MAX_POS = 1000.0
SCALE_FACTOR = 0.1
POS_DIM = 32
SIN_DIM = 16
LN_EPS = 1e-5
LDIM = POS_DIM // 2


def _sc_learned(position_flat, table_t_flat, tok):
    nw = 32
    per_w = tok // nw
    n_chunks = max(1, per_w // 3200)
    half = per_w // n_chunks
    assert half % 128 == 0 and half * n_chunks == per_w
    mesh = plsc.VectorSubcoreMesh(core_axis_name="c", subcore_axis_name="s")

    @functools.partial(
        pl.kernel,
        mesh=mesh,
        out_type=jax.ShapeDtypeStruct((LDIM, tok), jnp.float32),
        scratch_types=[
            pltpu.VMEM((half,), jnp.float32),
            pltpu.VMEM((NUM_POS * LDIM,), jnp.float32),
            pltpu.VMEM((LDIM, half), jnp.float32),
        ],
        compiler_params=pltpu.CompilerParams(needs_layout_passes=False),
    )
    def sc_kernel(pos_hbm, tab_hbm, out_hbm, pos_v, tab_v, out_v):
        cid = lax.axis_index("c")
        sid = lax.axis_index("s")
        base = (cid * 16 + sid) * per_w
        pltpu.sync_copy(tab_hbm, tab_v)
        for hh in range(n_chunks):
            start = base + hh * half
            pltpu.sync_copy(pos_hbm.at[pl.ds(start, half)], pos_v)

            @plsc.parallel_loop(0, half // 16, unroll=8)
            def body(g):
                p = pos_v[pl.ds(g * 16, 16)]
                sp = jnp.clip(p, 0.0, MAX_POS) * ((NUM_POS - 1) / MAX_POS)
                low = sp.astype(jnp.int32)
                alpha = sp - low.astype(jnp.float32)
                up = jnp.minimum(low + 1, NUM_POS - 1)
                for d in range(LDIM):
                    le = plsc.load_gather(tab_v, [low + (d * NUM_POS)])
                    ue = plsc.load_gather(tab_v, [up + (d * NUM_POS)])
                    out_v[d, pl.ds(g * 16, 16)] = le * (1.0 - alpha) + ue * alpha
            pltpu.sync_copy(out_v, out_hbm.at[:, pl.ds(start, half)])

    return sc_kernel(position_flat, table_t_flat)


def _tc_body(pit_r, vel_r, dur_r, pos_r, lrn_r, wpit_r, wvel_r, w2_r, wproj_r,
             m16_r, m32_r, bp_r, out_r, wc_r, g_r):
    i = pl.program_id(0)
    cols = out_r.shape[0]

    @pl.when(i == 0)
    def _():
        wproj = wproj_r[...]
        tp = jnp.dot(wpit_r[...], wproj[0:128, :], preferred_element_type=jnp.float32)
        tv = jnp.dot(wvel_r[...], wproj[128:256, :], preferred_element_type=jnp.float32)
        sc = POS_DIM ** -0.5
        wc_r[0:128, :] = tp.astype(jnp.bfloat16)
        wc_r[128:256, :] = tv.astype(jnp.bfloat16)
        wc_r[256:288, :] = wproj[256:288, :].astype(jnp.bfloat16)
        wc_r[288:320, :] = (wproj[288:320, :] * sc).astype(jnp.bfloat16)
        r8 = lax.broadcasted_iota(jnp.int32, (8, 512), 0)
        wc_r[320:328, :] = jnp.where(r8 == 0, bp_r[...], 0.0).astype(jnp.bfloat16)
        g_r[320:328, :] = (lax.broadcasted_iota(jnp.int32, (8, cols), 0)
                           == 0).astype(jnp.bfloat16)

    pit = pit_r[0]
    vel = vel_r[0]
    dur = dur_r[0]
    pos = pos_r[0]

    rows1 = lax.broadcasted_iota(
        jnp.int32, (128, 1), 0).astype(jnp.float32).astype(jnp.bfloat16)
    one = jnp.bfloat16(1.0)
    zero = jnp.bfloat16(0.0)
    pit_b = jnp.clip(pit, 0, 127).astype(jnp.float32).astype(jnp.bfloat16)
    vel_b = jnp.clip(vel, 0, 127).astype(jnp.float32).astype(jnp.bfloat16)
    g_r[0:128, :] = jnp.where(rows1 == pit_b, one, zero)
    g_r[128:256, :] = jnp.where(rows1 == vel_b, one, zero)

    t = jnp.clip(dur * 0.25 - 1.0, -1.0, 1.0)
    w1 = m16_r[:, 0:1]
    b1 = m16_r[:, 1:2]
    g1 = m16_r[:, 2:3]
    bt1 = m16_r[:, 3:4]
    h = w1 * t + b1
    m = jnp.mean(h, axis=0, keepdims=True)
    v = jnp.mean((h - m) * (h - m), axis=0, keepdims=True)
    h = (h - m) * lax.rsqrt(v + LN_EPS) * g1 + bt1
    h = jnp.maximum(h, 0.0)
    e2 = lax.dot_general(w2_r[...], h, (((0,), (0,)), ((), ())),
                         preferred_element_type=jnp.float32)
    e2 = e2 + m32_r[:, 0:1]
    m2 = jnp.mean(e2, axis=0, keepdims=True)
    v2 = jnp.mean((e2 - m2) * (e2 - m2), axis=0, keepdims=True)
    edur = (e2 - m2) * lax.rsqrt(v2 + LN_EPS) * m32_r[:, 1:2] + m32_r[:, 2:3]
    g_r[256:288, :] = edur.astype(jnp.bfloat16)
    g_r[288:304, :] = lrn_r[...].astype(jnp.bfloat16)

    spp = jnp.clip(pos, 0.0, MAX_POS) * SCALE_FACTOR
    k8 = lax.broadcasted_iota(jnp.int32, (SIN_DIM // 2, 1), 0)
    freq = jnp.exp((k8 * 2).astype(jnp.float32)
                   * (-(math.log(10000.0) / SIN_DIM)))
    x = freq * spp
    sn = jnp.sin(x)
    q = jnp.floor(x * (1.0 / math.pi) + 0.5)
    par = q - 2.0 * jnp.floor(q * 0.5)
    cs = (1.0 - 2.0 * par) * jnp.sqrt(jnp.maximum(1.0 - sn * sn, 0.0))
    se = jnp.stack([sn, cs], axis=1).reshape(SIN_DIM, cols)
    g_r[304:320, :] = se.astype(jnp.bfloat16)

    out_r[...] = lax.dot_general(g_r[...], wc_r[...], (((0,), (0,)), ((), ())),
                                 preferred_element_type=jnp.float32)


def _tc_forward(pitch_int, velocity, duration, position, W_pitch, W_vel, dW1,
                db1, dg1, dbt1, dW2, db2, dg2, dbt2, Wp, bp, lrn_t):
    b, s = pitch_int.shape
    tok = b * s
    blk = 4096
    r = tok // blk

    m16 = jnp.pad(jnp.stack([dW1[0], db1, dg1, dbt1], axis=1), ((0, 0), (0, 4)))
    m32 = jnp.pad(jnp.stack([db2, dg2, dbt2], axis=1), ((0, 0), (0, 5)))
    bp2 = bp.reshape(1, 512)
    pit3, vel3, dur3, pos3 = (x.reshape(r, 1, blk) for x in
                              (pitch_int, velocity, duration, position))

    tok_spec = pl.BlockSpec((1, 1, blk), lambda i: (i, 0, 0))
    full = lambda shp: pl.BlockSpec(shp, lambda i: tuple(0 for _ in shp))
    out = pl.pallas_call(
        _tc_body,
        grid=(r,),
        in_specs=[
            tok_spec, tok_spec, tok_spec, tok_spec,
            pl.BlockSpec((LDIM, blk), lambda i: (0, i)),
            full((128, 128)), full((128, 128)), full((16, 32)),
            full((320, 512)), full((16, 8)), full((32, 8)), full((1, 512)),
        ],
        out_specs=pl.BlockSpec((blk, 512), lambda i: (i, 0)),
        out_shape=jax.ShapeDtypeStruct((tok, 512), jnp.float32),
        scratch_shapes=[pltpu.VMEM((328, 512), jnp.bfloat16),
                        pltpu.VMEM((328, blk), jnp.bfloat16)],
        compiler_params=pltpu.CompilerParams(
            dimension_semantics=("arbitrary",)),
    )(pit3, vel3, dur3, pos3, lrn_t, W_pitch, W_vel, dW2, Wp, m16, m32, bp2)
    return out.reshape(b, s, 512)


def kernel(pitch_int, velocity, duration, position, W_pitch, W_vel, dW1, db1,
           dg1, dbt1, dW2, db2, dg2, dbt2, pos_emb, Wp, bp):
    b, s = pitch_int.shape
    tok = b * s
    pos_flat = position.reshape(tok)
    table_t = pos_emb.T.reshape(NUM_POS * LDIM)
    lrn_t = _sc_learned(pos_flat, table_t, tok)
    return _tc_forward(pitch_int, velocity, duration, position, W_pitch,
                       W_vel, dW1, db1, dg1, dbt1, dW2, db2, dg2, dbt2, Wp,
                       bp, lrn_t)

# --- scband reference (transcript-rebuilt; emitter-appended) ---
"""Pipeline reference for scband-enhanced-tuple-token-embeddings-43722767073423 (READ-ONLY COPY).

The authoritative reference and input builder live on the scoring server;
editing this copy changes nothing except your own understanding.
"""

import jax, jax.numpy as jnp
import numpy as np
import math

B, S = 1024, 200
NUM_POS = 2000
MAX_POS = 1000.0
SCALE_FACTOR = 0.1
POS_DIM = 32
SIN_DIM = 16


def layer_norm(x, g, b, eps=1e-5):
    m = jnp.mean(x, axis=-1, keepdims=True)
    v = jnp.var(x, axis=-1, keepdims=True)
    return (x - m) / jnp.sqrt(v + eps) * g + b


def setup_inputs(seed: int = 0) -> dict:
    key = jax.random.key(seed)
    ks = jax.random.split(key, 20)
    inp = {}
    inp['pitch_int'] = jax.random.randint(ks[0], (B, S), 0, 128)
    inp['velocity'] = jax.random.randint(ks[1], (B, S), 0, 128)
    inp['duration'] = jax.random.uniform(ks[2], (B, S), dtype=jnp.float32)
    inp['position'] = jax.random.uniform(ks[3], (B, S), dtype=jnp.float32)
    # discrete embedding tables
    inp['W_pitch'] = 0.02 * jax.random.normal(ks[4], (128, 128), dtype=jnp.float32)
    inp['W_vel'] = 0.02 * jax.random.normal(ks[5], (128, 128), dtype=jnp.float32)
    # continuous-duration MLP: Linear(1,16) -> LN -> ReLU -> Linear(16,32) -> LN
    inp['dW1'] = 0.02 * jax.random.normal(ks[6], (1, 16), dtype=jnp.float32)
    inp['db1'] = jnp.zeros((16,), dtype=jnp.float32)
    inp['dg1'] = jnp.ones((16,), dtype=jnp.float32)
    inp['dbt1'] = jnp.zeros((16,), dtype=jnp.float32)
    inp['dW2'] = 0.02 * jax.random.normal(ks[7], (16, 32), dtype=jnp.float32)
    inp['db2'] = jnp.zeros((32,), dtype=jnp.float32)
    inp['dg2'] = jnp.ones((32,), dtype=jnp.float32)
    inp['dbt2'] = jnp.zeros((32,), dtype=jnp.float32)
    # musical positional hybrid: learned half (dim 16) table
    inp['pos_emb'] = 0.02 * jax.random.normal(ks[8], (NUM_POS, POS_DIM // 2), dtype=jnp.float32)
    # output projection 320 -> 512
    inp['Wp'] = 0.02 * jax.random.normal(ks[9], (320, 512), dtype=jnp.float32)
    inp['bp'] = jnp.zeros((512,), dtype=jnp.float32)
    return inp


def reference(pitch_int, velocity, duration, position, W_pitch, W_vel, dW1, db1, dg1, dbt1, dW2, db2, dg2, dbt2, pos_emb, Wp, bp):
    # discrete lookups (DefaultEmbedding: clamp then gather)
    pi = jnp.clip(pitch_int, 0, W_pitch.shape[0] - 1)
    e_pitch = jnp.take(W_pitch, pi, axis=0)
    vi = jnp.clip(velocity, 0, W_vel.shape[0] - 1)
    e_vel = jnp.take(W_vel, vi, axis=0)
    # continuous duration (LearnedContinuousEmbedding, range (0, 8), normalized)
    t = jnp.clip(2.0 * (duration - 0.0) / 8.0 - 1.0, -1.0, 1.0)
    x = t[..., None]
    h = layer_norm(x @ dW1 + db1, dg1, dbt1)
    h = jax.nn.relu(h)
    e_dur = layer_norm(h @ dW2 + db2, dg2, dbt2)
    # musical positional embedding, hybrid
    pos = jnp.clip(position, 0.0, MAX_POS)
    position_scale = (NUM_POS - 1) / MAX_POS
    sp = pos * position_scale
    lower = jnp.clip(jnp.floor(sp).astype(jnp.int32), 0, NUM_POS - 1)
    upper = jnp.clip(jnp.ceil(sp).astype(jnp.int32), 0, NUM_POS - 1)
    le = jnp.take(pos_emb, lower, axis=0)
    ue = jnp.take(pos_emb, upper, axis=0)
    alpha = (sp - lower.astype(sp.dtype))[..., None]
    learned = le * (1.0 - alpha) + ue * alpha
    div_term = jnp.exp(jnp.arange(0, SIN_DIM, 2, dtype=jnp.float32) * (-(math.log(10000.0) / SIN_DIM)))
    spp = pos * SCALE_FACTOR
    se = jnp.zeros(pos.shape + (SIN_DIM,), dtype=jnp.float32)
    se = se.at[..., 0::2].set(jnp.sin(spp[..., None] * div_term))
    se = se.at[..., 1::2].set(jnp.cos(spp[..., None] * div_term))
    e_pos = jnp.concatenate([learned, se], axis=-1) * (POS_DIM ** -0.5)
    # concat mode + output projection
    feat = jnp.concatenate([e_pitch, e_vel, e_dur, e_pos], axis=-1)
    return feat @ Wp + bp

if __name__ == "__main__":
    import jax
    _d = setup_inputs()
    print(jax.jit(kernel)(*tuple(_d.values())))

</pallas_src>

<mosaic_0001>
#map = affine_map<(d0, d1) -> (0)>
#map1 = affine_map<(d0, d1) -> (0, 0)>
module attributes {stable_mosaic.version = 14 : i64} {
  func.func @sc_kernel(%arg0: i32, %arg1: i32, %arg2: memref<204800xf32, #tpu.memory_space<hbm>>, %arg3: memref<32000xf32, #tpu.memory_space<hbm>>, %arg4: memref<16x204800xf32, #tpu.memory_space<hbm>>, %arg5: memref<3200xf32, #tpu.memory_space<vmem>>, %arg6: memref<32000xf32, #tpu.memory_space<vmem>>, %arg7: memref<16x3200xf32, #tpu.memory_space<vmem>>) attributes {dimension_semantics = [#tpu.dimension_semantics<core_parallel>, #tpu.dimension_semantics<subcore_parallel>], iteration_bounds = array<i64: 2, 16>, scalar_prefetch = 0 : i64, scratch_operands = 3 : i64, tpu.core_type = #tpu.core_type<sc_vector_subcore>, window_params = [{transform_indices = #map}, {transform_indices = #map}, {transform_indices = #map1}]} {
    %mul3A = arith.constant 16 : i32
    %mul3A_0 = arith.muli %arg0, %mul3A : i32
    %add3A = arith.addi %mul3A_0, %arg1 : i32
    %mul3A_1 = arith.constant 6400 : i32
    %mul3A_2 = arith.muli %add3A, %mul3A_1 : i32
    "tpu.region"() ({
      %run_scoped3A = tpu.sem_alloc : memref<!tpu.dma_semaphore, #tpu.memory_space<semaphore_mem>>
      tpu.enqueue_dma source(%arg3 : memref<32000xf32, #tpu.memory_space<hbm>>) target(%arg6 : memref<32000xf32, #tpu.memory_space<vmem>>) target_semaphore(%run_scoped3A : memref<!tpu.dma_semaphore, #tpu.memory_space<semaphore_mem>>)
      tpu.wait_dma2 semaphore(%run_scoped3A : memref<!tpu.dma_semaphore, #tpu.memory_space<semaphore_mem>>) src(%arg3 : memref<32000xf32, #tpu.memory_space<hbm>>) dst(%arg6 : memref<32000xf32, #tpu.memory_space<vmem>>)
      tpu.yield
    }) : () -> ()
    %add3A_3 = arith.constant 0 : i32
    %add3A_4 = arith.addi %mul3A_2, %add3A_3 : i32
    "tpu.region"() ({
      %run_scoped3A = tpu.sem_alloc : memref<!tpu.dma_semaphore, #tpu.memory_space<semaphore_mem>>
      %dma_start3A = tpu.memref_slice %arg2[%add3A_4] : memref<204800xf32, #tpu.memory_space<hbm>> -> memref<3200xf32, #tpu.memory_space<hbm>>
      %dma_start3A_12 = tpu.memref_slice %arg2[%add3A_4] : memref<204800xf32, #tpu.memory_space<hbm>> -> memref<3200xf32, #tpu.memory_space<hbm>>
      tpu.enqueue_dma source(%dma_start3A_12 : memref<3200xf32, #tpu.memory_space<hbm>>) target(%arg5 : memref<3200xf32, #tpu.memory_space<vmem>>) target_semaphore(%run_scoped3A : memref<!tpu.dma_semaphore, #tpu.memory_space<semaphore_mem>>)
      %dma_wait3A = tpu.memref_slice %arg2[%add3A_4] : memref<204800xf32, #tpu.memory_space<hbm>> -> memref<3200xf32, #tpu.memory_space<hbm>>
      %dma_wait3A_13 = tpu.memref_slice %arg2[%add3A_4] : memref<204800xf32, #tpu.memory_space<hbm>> -> memref<3200xf32, #tpu.memory_space<hbm>>
      tpu.wait_dma2 semaphore(%run_scoped3A : memref<!tpu.dma_semaphore, #tpu.memory_space<semaphore_mem>>) src(%dma_wait3A_13 : memref<3200xf32, #tpu.memory_space<hbm>>) dst(%arg5 : memref<3200xf32, #tpu.memory_space<vmem>>)
      tpu.yield
    }) : () -> ()
    %parallel_loop3A = arith.constant 0 : i32
    %parallel_loop3A_5 = arith.constant 200 : i32
    %parallel_loop3A_6 = arith.constant 1 : i32
    scf.for %parallel_loop3A_12 = %parallel_loop3A to %parallel_loop3A_5 step %parallel_loop3A_6  : i32 {
      %parallel_loop3A_13 = arith.constant 16 : i32
      %parallel_loop3A_14 = arith.muli %parallel_loop3A_12, %parallel_loop3A_13 : i32
      %parallel_loop3A_15 = arith.index_cast %parallel_loop3A_14 : i32 to index
      %parallel_loop3A_16 = tpu.vector_load %arg5[%parallel_loop3A_15] {strides = array<i32>} : memref<3200xf32, #tpu.memory_space<vmem>>, vector<16xf32>,
      %parallel_loop3A_17 = arith.constant 0.000000e+00 : f32
      %parallel_loop3A_18 = arith.constant 1.000000e+03 : f32
      %parallel_loop3A_19 = vector.broadcast %parallel_loop3A_17 : f32 to vector<16xf32>
      %parallel_loop3A_20 = arith.maximumf %parallel_loop3A_19, %parallel_loop3A_16 : vector<16xf32>
      %parallel_loop3A_21 = vector.broadcast %parallel_loop3A_18 : f32 to vector<16xf32>
      %parallel_loop3A_22 = arith.minimumf %parallel_loop3A_21, %parallel_loop3A_20 : vector<16xf32>
      %parallel_loop3A_23 = arith.constant 1.999000e+00 : f32
      %parallel_loop3A_24 = vector.broadcast %parallel_loop3A_23 : f32 to vector<16xf32>
      %parallel_loop3A_25 = arith.mulf %parallel_loop3A_22, %parallel_loop3A_24 : vector<16xf32>
      %parallel_loop3A_26 = arith.fptosi %parallel_loop3A_25 : vector<16xf32> to vector<16xi32>
      %parallel_loop3A_27 = arith.sitofp %parallel_loop3A_26 : vector<16xi32> to vector<16xf32>
      %parallel_loop3A_28 = arith.subf %parallel_loop3A_25, %parallel_loop3A_27 : vector<16xf32>
      %parallel_loop3A_29 = arith.constant 1 : i32
      %parallel_loop3A_30 = vector.broadcast %parallel_loop3A_29 : i32 to vector<16xi32>
      %parallel_loop3A_31 = arith.addi %parallel_loop3A_26, %parallel_loop3A_30 : vector<16xi32>
      %parallel_loop3A_32 = arith.constant 1999 : i32
      %parallel_loop3A_33 = vector.broadcast %parallel_loop3A_32 : i32 to vector<16xi32>
      %parallel_loop3A_34 = arith.minsi %parallel_loop3A_31, %parallel_loop3A_33 : vector<16xi32>
      %parallel_loop3A_35 = arith.constant 0 : i32
      %parallel_loop3A_36 = vector.broadcast %parallel_loop3A_35 : i32 to vector<16xi32>
      %parallel_loop3A_37 = arith.addi %parallel_loop3A_26, %parallel_loop3A_36 : vector<16xi32>
      %parallel_loop3A_38 = tpu.vector_load_idx %arg6[%parallel_loop3A_37] : memref<32000xf32, #tpu.memory_space<vmem>>[vector<16xi32>], vector<16xf32>,
      %parallel_loop3A_39 = arith.constant 0 : i32
      %parallel_loop3A_40 = vector.broadcast %parallel_loop3A_39 : i32 to vector<16xi32>
      %parallel_loop3A_41 = arith.addi %parallel_loop3A_34, %parallel_loop3A_40 : vector<16xi32>
      %parallel_loop3A_42 = tpu.vector_load_idx %arg6[%parallel_loop3A_41] : memref<32000xf32, #tpu.memory_space<vmem>>[vector<16xi32>], vector<16xf32>,
      %parallel_loop3A_43 = arith.constant 1.000000e+00 : f32
      %parallel_loop3A_44 = vector.broadcast %parallel_loop3A_43 : f32 to vector<16xf32>
      %parallel_loop3A_45 = arith.subf %parallel_loop3A_44, %parallel_loop3A_28 : vector<16xf32>
      %parallel_loop3A_46 = arith.mulf %parallel_loop3A_38, %parallel_loop3A_45 : vector<16xf32>
      %parallel_loop3A_47 = arith.mulf %parallel_loop3A_42, %parallel_loop3A_28 : vector<16xf32>
      %parallel_loop3A_48 = arith.addf %parallel_loop3A_46, %parallel_loop3A_47 : vector<16xf32>
      %parallel_loop3A_49 = arith.constant 16 : i32
      %parallel_loop3A_50 = arith.muli %parallel_loop3A_12, %parallel_loop3A_49 : i32
      %parallel_loop3A_51 = arith.constant 0 : i32
      %parallel_loop3A_52 = arith.index_cast %parallel_loop3A_51 : i32 to index
      %parallel_loop3A_53 = arith.index_cast %parallel_loop3A_50 : i32 to index
      %parallel_loop3A_54 = tpu.vector_load %arg7[%parallel_loop3A_52, %parallel_loop3A_53] {strides = array<i32>} : memref<16x3200xf32, #tpu.memory_space<vmem>>, vector<16xf32>,
      tpu.vector_store %arg7[%parallel_loop3A_52, %parallel_loop3A_53], %parallel_loop3A_48 {strides = array<i32>} : memref<16x3200xf32, #tpu.memory_space<vmem>>, vector<16xf32>,
      %parallel_loop3A_55 = arith.constant 2000 : i32
      %parallel_loop3A_56 = vector.broadcast %parallel_loop3A_55 : i32 to vector<16xi32>
      %parallel_loop3A_57 = arith.addi %parallel_loop3A_26, %parallel_loop3A_56 : vector<16xi32>
      %parallel_loop3A_58 = tpu.vector_load_idx %arg6[%parallel_loop3A_57] : memref<32000xf32, #tpu.memory_space<vmem>>[vector<16xi32>], vector<16xf32>,
      %parallel_loop3A_59 = arith.constant 2000 : i32
      %parallel_loop3A_60 = vector.broadcast %parallel_loop3A_59 : i32 to vector<16xi32>
      %parallel_loop3A_61 = arith.addi %parallel_loop3A_34, %parallel_loop3A_60 : vector<16xi32>
      %parallel_loop3A_62 = tpu.vector_load_idx %arg6[%parallel_loop3A_61] : memref<32000xf32, #tpu.memory_space<vmem>>[vector<16xi32>], vector<16xf32>,
      %parallel_loop3A_63 = arith.constant 1.000000e+00 : f32
      %parallel_loop3A_64 = vector.broadcast %parallel_loop3A_63 : f32 to vector<16xf32>
      %parallel_loop3A_65 = arith.subf %parallel_loop3A_64, %parallel_loop3A_28 : vector<16xf32>
      %parallel_loop3A_66 = arith.mulf %parallel_loop3A_58, %parallel_loop3A_65 : vector<16xf32>
      %parallel_loop3A_67 = arith.mulf %parallel_loop3A_62, %parallel_loop3A_28 : vector<16xf32>
      %parallel_loop3A_68 = arith.addf %parallel_loop3A_66, %parallel_loop3A_67 : vector<16xf32>
      %parallel_loop3A_69 = arith.constant 16 : i32
      %parallel_loop3A_70 = arith.muli %parallel_loop3A_12, %parallel_loop3A_69 : i32
      %parallel_loop3A_71 = arith.constant 1 : i32
      %parallel_loop3A_72 = arith.index_cast %parallel_loop3A_71 : i32 to index
      %parallel_loop3A_73 = arith.index_cast %parallel_loop3A_70 : i32 to index
      %parallel_loop3A_74 = tpu.vector_load %arg7[%parallel_loop3A_72, %parallel_loop3A_73] {strides = array<i32>} : memref<16x3200xf32, #tpu.memory_space<vmem>>, vector<16xf32>,
      tpu.vector_store %arg7[%parallel_loop3A_72, %parallel_loop3A_73], %parallel_loop3A_68 {strides = array<i32>} : memref<16x3200xf32, #tpu.memory_space<vmem>>, vector<16xf32>,
      %parallel_loop3A_75 = arith.constant 4000 : i32
      %parallel_loop3A_76 = vector.broadcast %parallel_loop3A_75 : i32 to vector<16xi32>
      %parallel_loop3A_77 = arith.addi %parallel_loop3A_26, %parallel_loop3A_76 : vector<16xi32>
      %parallel_loop3A_78 = tpu.vector_load_idx %arg6[%parallel_loop3A_77] : memref<32000xf32, #tpu.memory_space<vmem>>[vector<16xi32>], vector<16xf32>,
      %parallel_loop3A_79 = arith.constant 4000 : i32
      %parallel_loop3A_80 = vector.broadcast %parallel_loop3A_79 : i32 to vector<16xi32>
      %parallel_loop3A_81 = arith.addi %parallel_loop3A_34, %parallel_loop3A_80 : vector<16xi32>
      %parallel_loop3A_82 = tpu.vector_load_idx %arg6[%parallel_loop3A_81] : memref<32000xf32, #tpu.memory_space<vmem>>[vector<16xi32>], vector<16xf32>,
      %parallel_loop3A_83 = arith.constant 1.000000e+00 : f32
      %parallel_loop3A_84 = vector.broadcast %parallel_loop3A_83 : f32 to vector<16xf32>
      %parallel_loop3A_85 = arith.subf %parallel_loop3A_84, %parallel_loop3A_28 : vector<16xf32>
      %parallel_loop3A_86 = arith.mulf %parallel_loop3A_78, %parallel_loop3A_85 : vector<16xf32>
      %parallel_loop3A_87 = arith.mulf %parallel_loop3A_82, %parallel_loop3A_28 : vector<16xf32>
      %parallel_loop3A_88 = arith.addf %parallel_loop3A_86, %parallel_loop3A_87 : vector<16xf32>
      %parallel_loop3A_89 = arith.constant 16 : i32
      %parallel_loop3A_90 = arith.muli %parallel_loop3A_12, %parallel_loop3A_89 : i32
      %parallel_loop3A_91 = arith.constant 2 : i32
      %parallel_loop3A_92 = arith.index_cast %parallel_loop3A_91 : i32 to index
      %parallel_loop3A_93 = arith.index_cast %parallel_loop3A_90 : i32 to index
      %parallel_loop3A_94 = tpu.vector_load %arg7[%parallel_loop3A_92, %parallel_loop3A_93] {strides = array<i32>} : memref<16x3200xf32, #tpu.memory_space<vmem>>, vector<16xf32>,
      tpu.vector_store %arg7[%parallel_loop3A_92, %parallel_loop3A_93], %parallel_loop3A_88 {strides = array<i32>} : memref<16x3200xf32, #tpu.memory_space<vmem>>, vector<16xf32>,
      %parallel_loop3A_95 = arith.constant 6000 : i32
      %parallel_loop3A_96 = vector.broadcast %parallel_loop3A_95 : i32 to vector<16xi32>
      %parallel_loop3A_97 = arith.addi %parallel_loop3A_26, %parallel_loop3A_96 : vector<16xi32>
      %parallel_loop3A_98 = tpu.vector_load_idx %arg6[%parallel_loop3A_97] : memref<32000xf32, #tpu.memory_space<vmem>>[vector<16xi32>], vector<16xf32>,
      %parallel_loop3A_99 = arith.constant 6000 : i32
      %parallel_loop3A_100 = vector.broadcast %parallel_loop3A_99 : i32 to vector<16xi32>
      %parallel_loop3A_101 = arith.addi %parallel_loop3A_34, %parallel_loop3A_100 : vector<16xi32>
      %parallel_loop3A_102 = tpu.vector_load_idx %arg6[%parallel_loop3A_101] : memref<32000xf32, #tpu.memory_space<vmem>>[vector<16xi32>], vector<16xf32>,
      %parallel_loop3A_103 = arith.constant 1.000000e+00 : f32
      %parallel_loop3A_104 = vector.broadcast %parallel_loop3A_103 : f32 to vector<16xf32>
      %parallel_loop3A_105 = arith.subf %parallel_loop3A_104, %parallel_loop3A_28 : vector<16xf32>
      %parallel_loop3A_106 = arith.mulf %parallel_loop3A_98, %parallel_loop3A_105 : vector<16xf32>
      %parallel_loop3A_107 = arith.mulf %parallel_loop3A_102, %parallel_loop3A_28 : vector<16xf32>
      %parallel_loop3A_108 = arith.addf %parallel_loop3A_106, %parallel_loop3A_107 : vector<16xf32>
      %parallel_loop3A_109 = arith.constant 16 : i32
      %parallel_loop3A_110 = arith.muli %parallel_loop3A_12, %parallel_loop3A_109 : i32
      %parallel_loop3A_111 = arith.constant 3 : i32
      %parallel_loop3A_112 = arith.index_cast %parallel_loop3A_111 : i32 to index
      %parallel_loop3A_113 = arith.index_cast %parallel_loop3A_110 : i32 to index
      %parallel_loop3A_114 = tpu.vector_load %arg7[%parallel_loop3A_112, %parallel_loop3A_113] {strides = array<i32>} : memref<16x3200xf32, #tpu.memory_space<vmem>>, vector<16xf32>,
      tpu.vector_store %arg7[%parallel_loop3A_112, %parallel_loop3A_113], %parallel_loop3A_108 {strides = array<i32>} : memref<16x3200xf32, #tpu.memory_space<vmem>>, vector<16xf32>,
      %parallel_loop3A_115 = arith.constant 8000 : i32
      %parallel_loop3A_116 = vector.broadcast %parallel_loop3A_115 : i32 to vector<16xi32>
      %parallel_loop3A_117 = arith.addi %parallel_loop3A_26, %parallel_loop3A_116 : vector<16xi32>
      %parallel_loop3A_118 = tpu.vector_load_idx %arg6[%parallel_loop3A_117] : memref<32000xf32, #tpu.memory_space<vmem>>[vector<16xi32>], vector<16xf32>,
      %parallel_loop3A_119 = arith.constant 8000 : i32
      %parallel_loop3A_120 = vector.broadcast %parallel_loop3A_119 : i32 to vector<16xi32>
      %parallel_loop3A_121 = arith.addi %parallel_loop3A_34, %parallel_loop3A_120 : vector<16xi32>
      %parallel_loop3A_122 = tpu.vector_load_idx %arg6[%parallel_loop3A_121] : memref<32000xf32, #tpu.memory_space<vmem>>[vector<16xi32>], vector<16xf32>,
      %parallel_loop3A_123 = arith.constant 1.000000e+00 : f32
      %parallel_loop3A_124 = vector.broadcast %parallel_loop3A_123 : f32 to vector<16xf32>
      %parallel_loop3A_125 = arith.subf %parallel_loop3A_124, %parallel_loop3A_28 : vector<16xf32>
      %parallel_loop3A_126 = arith.mulf %parallel_loop3A_118, %parallel_loop3A_125 : vector<16xf32>
      %parallel_loop3A_127 = arith.mulf %parallel_loop3A_122, %parallel_loop3A_28 : vector<16xf32>
      %parallel_loop3A_128 = arith.addf %parallel_loop3A_126, %parallel_loop3A_127 : vector<16xf32>
      %parallel_loop3A_129 = arith.constant 16 : i32
      %parallel_loop3A_130 = arith.muli %parallel_loop3A_12, %parallel_loop3A_129 : i32
      %parallel_loop3A_131 = arith.constant 4 : i32
      %parallel_loop3A_132 = arith.index_cast %parallel_loop3A_131 : i32 to index
      %parallel_loop3A_133 = arith.index_cast %parallel_loop3A_130 : i32 to index
      %parallel_loop3A_134 = tpu.vector_load %arg7[%parallel_loop3A_132, %parallel_loop3A_133] {strides = array<i32>} : memref<16x3200xf32, #tpu.memory_space<vmem>>, vector<16xf32>,
      tpu.vector_store %arg7[%parallel_loop3A_132, %parallel_loop3A_133], %parallel_loop3A_128 {strides = array<i32>} : memref<16x3200xf32, #tpu.memory_space<vmem>>, vector<16xf32>,
      %parallel_loop3A_135 = arith.constant 10000 : i32
      %parallel_loop3A_136 = vector.broadcast %parallel_loop3A_135 : i32 to vector<16xi32>
      %parallel_loop3A_137 = arith.addi %parallel_loop3A_26, %parallel_loop3A_136 : vector<16xi32>
      %parallel_loop3A_138 = tpu.vector_load_idx %arg6[%parallel_loop3A_137] : memref<32000xf32, #tpu.memory_space<vmem>>[vector<16xi32>], vector<16xf32>,
      %parallel_loop3A_139 = arith.constant 10000 : i32
      %parallel_loop3A_140 = vector.broadcast %parallel_loop3A_139 : i32 to vector<16xi32>
      %parallel_loop3A_141 = arith.addi %parallel_loop3A_34, %parallel_loop3A_140 : vector<16xi32>
      %parallel_loop3A_142 = tpu.vector_load_idx %arg6[%parallel_loop3A_141] : memref<32000xf32, #tpu.memory_space<vmem>>[vector<16xi32>], vector<16xf32>,
      %parallel_loop3A_143 = arith.constant 1.000000e+00 : f32
      %parallel_loop3A_144 = vector.broadcast %parallel_loop3A_143 : f32 to vector<16xf32>
      %parallel_loop3A_145 = arith.subf %parallel_loop3A_144, %parallel_loop3A_28 : vector<16xf32>
      %parallel_loop3A_146 = arith.mulf %parallel_loop3A_138, %parallel_loop3A_145 : vector<16xf32>
      %parallel_loop3A_147 = arith.mulf %parallel_loop3A_142, %parallel_loop3A_28 : vector<16xf32>
      %parallel_loop3A_148 = arith.addf %parallel_loop3A_146, %parallel_loop3A_147 : vector<16xf32>
      %parallel_loop3A_149 = arith.constant 16 : i32
      %parallel_loop3A_150 = arith.muli %parallel_loop3A_12, %parallel_loop3A_149 : i32
      %parallel_loop3A_151 = arith.constant 5 : i32
      %parallel_loop3A_152 = arith.index_cast %parallel_loop3A_151 : i32 to index
      %parallel_loop3A_153 = arith.index_cast %parallel_loop3A_150 : i32 to index
      %parallel_loop3A_154 = tpu.vector_load %arg7[%parallel_loop3A_152, %parallel_loop3A_153] {strides = array<i32>} : memref<16x3200xf32, #tpu.memory_space<vmem>>, vector<16xf32>,
      tpu.vector_store %arg7[%parallel_loop3A_152, %parallel_loop3A_153], %parallel_loop3A_148 {strides = array<i32>} : memref<16x3200xf32, #tpu.memory_space<vmem>>, vector<16xf32>,
      %parallel_loop3A_155 = arith.constant 12000 : i32
      %parallel_loop3A_156 = vector.broadcast %parallel_loop3A_155 : i32 to vector<16xi32>
      %parallel_loop3A_157 = arith.addi %parallel_loop3A_26, %parallel_loop3A_156 : vector<16xi32>
      %parallel_loop3A_158 = tpu.vector_load_idx %arg6[%parallel_loop3A_157] : memref<32000xf32, #tpu.memory_space<vmem>>[vector<16xi32>], vector<16xf32>,
      %parallel_loop3A_159 = arith.constant 12000 : i32
      %parallel_loop3A_160 = vector.broadcast %parallel_loop3A_159 : i32 to vector<16xi32>
      %parallel_loop3A_161 = arith.addi %parallel_loop3A_34, %parallel_loop3A_160 : vector<16xi32>
      %parallel_loop3A_162 = tpu.vector_load_idx %arg6[%parallel_loop3A_161] : memref<32000xf32, #tpu.memory_space<vmem>>[vector<16xi32>], vector<16xf32>,
      %parallel_loop3A_163 = arith.constant 1.000000e+00 : f32
      %parallel_loop3A_164 = vector.broadcast %parallel_loop3A_163 : f32 to vector<16xf32>
      %parallel_loop3A_165 = arith.subf %parallel_loop3A_164, %parallel_loop3A_28 : vector<16xf32>
      %parallel_loop3A_166 = arith.mulf %parallel_loop3A_158, %parallel_loop3A_165 : vector<16xf32>
      %parallel_loop3A_167 = arith.mulf %parallel_loop3A_162, %parallel_loop3A_28 : vector<16xf32>
      %parallel_loop3A_168 = arith.addf %parallel_loop3A_166, %parallel_loop3A_167 : vector<16xf32>
      %parallel_loop3A_169 = arith.constant 16 : i32
      %parallel_loop3A_170 = arith.muli %parallel_loop3A_12, %parallel_loop3A_169 : i32
      %parallel_loop3A_171 = arith.constant 6 : i32
      %parallel_loop3A_172 = arith.index_cast %parallel_loop3A_171 : i32 to index
      %parallel_loop3A_173 = arith.index_cast %parallel_loop3A_170 : i32 to index
      %parallel_loop3A_174 = tpu.vector_load %arg7[%parallel_loop3A_172, %parallel_loop3A_173] {strides = array<i32>} : memref<16x3200xf32, #tpu.memory_space<vmem>>, vector<16xf32>,
      tpu.vector_store %arg7[%parallel_loop3A_172, %parallel_loop3A_173], %parallel_loop3A_168 {strides = array<i32>} : memref<16x3200xf32, #tpu.memory_space<vmem>>, vector<16xf32>,
      %parallel_loop3A_175 = arith.constant 14000 : i32
      %parallel_loop3A_176 = vector.broadcast %parallel_loop3A_175 : i32 to vector<16xi32>
      %parallel_loop3A_177 = arith.addi %parallel_loop3A_26, %parallel_loop3A_176 : vector<16xi32>
      %parallel_loop3A_178 = tpu.vector_load_idx %arg6[%parallel_loop3A_177] : memref<32000xf32, #tpu.memory_space<vmem>>[vector<16xi32>], vector<16xf32>,
      %parallel_loop3A_179 = arith.constant 14000 : i32
      %parallel_loop3A_180 = vector.broadcast %parallel_loop3A_179 : i32 to vector<16xi32>
      %parallel_loop3A_181 = arith.addi %parallel_loop3A_34, %parallel_loop3A_180 : vector<16xi32>
      %parallel_loop3A_182 = tpu.vector_load_idx %arg6[%parallel_loop3A_181] : memref<32000xf32, #tpu.memory_space<vmem>>[vector<16xi32>], vector<16xf32>,
      %parallel_loop3A_183 = arith.constant 1.000000e+00 : f32
      %parallel_loop3A_184 = vector.broadcast %parallel_loop3A_183 : f32 to vector<16xf32>
      %parallel_loop3A_185 = arith.subf %parallel_loop3A_184, %parallel_loop3A_28 : vector<16xf32>
      %parallel_loop3A_186 = arith.mulf %parallel_loop3A_178, %parallel_loop3A_185 : vector<16xf32>
      %parallel_loop3A_187 = arith.mulf %parallel_loop3A_182, %parallel_loop3A_28 : vector<16xf32>
      %parallel_loop3A_188 = arith.addf %parallel_loop3A_186, %parallel_loop3A_187 : vector<16xf32>
      %parallel_loop3A_189 = arith.constant 16 : i32
      %parallel_loop3A_190 = arith.muli %parallel_loop3A_12, %parallel_loop3A_189 : i32
      %parallel_loop3A_191 = arith.constant 7 : i32
      %parallel_loop3A_192 = arith.index_cast %parallel_loop3A_191 : i32 to index
      %parallel_loop3A_193 = arith.index_cast %parallel_loop3A_190 : i32 to index
      %parallel_loop3A_194 = tpu.vector_load %arg7[%parallel_loop3A_192, %parallel_loop3A_193] {strides = array<i32>} : memref<16x3200xf32, #tpu.memory_space<vmem>>, vector<16xf32>,
      tpu.vector_store %arg7[%parallel_loop3A_192, %parallel_loop3A_193], %parallel_loop3A_188 {strides = array<i32>} : memref<16x3200xf32, #tpu.memory_space<vmem>>, vector<16xf32>,
      %parallel_loop3A_195 = arith.constant 16000 : i32
      %parallel_loop3A_196 = vector.broadcast %parallel_loop3A_195 : i32 to vector<16xi32>
      %parallel_loop3A_197 = arith.addi %parallel_loop3A_26, %parallel_loop3A_196 : vector<16xi32>
      %parallel_loop3A_198 = tpu.vector_load_idx %arg6[%parallel_loop3A_197] : memref<32000xf32, #tpu.memory_space<vmem>>[vector<16xi32>], vector<16xf32>,
      %parallel_loop3A_199 = arith.constant 16000 : i32
      %parallel_loop3A_200 = vector.broadcast %parallel_loop3A_199 : i32 to vector<16xi32>
      %parallel_loop3A_201 = arith.addi %parallel_loop3A_34, %parallel_loop3A_200 : vector<16xi32>
      %parallel_loop3A_202 = tpu.vector_load_idx %arg6[%parallel_loop3A_201] : memref<32000xf32, #tpu.memory_space<vmem>>[vector<16xi32>], vector<16xf32>,
      %parallel_loop3A_203 = arith.constant 1.000000e+00 : f32
      %parallel_loop3A_204 = vector.broadcast %parallel_loop3A_203 : f32 to vector<16xf32>
      %parallel_loop3A_205 = arith.subf %parallel_loop3A_204, %parallel_loop3A_28 : vector<16xf32>
      %parallel_loop3A_206 = arith.mulf %parallel_loop3A_198, %parallel_loop3A_205 : vector<16xf32>
      %parallel_loop3A_207 = arith.mulf %parallel_loop3A_202, %parallel_loop3A_28 : vector<16xf32>
      %parallel_loop3A_208 = arith.addf %parallel_loop3A_206, %parallel_loop3A_207 : vector<16xf32>
      %parallel_loop3A_209 = arith.constant 16 : i32
      %parallel_loop3A_210 = arith.muli %parallel_loop3A_12, %parallel_loop3A_209 : i32
      %parallel_loop3A_211 = arith.constant 8 : i32
      %parallel_loop3A_212 = arith.index_cast %parallel_loop3A_211 : i32 to index
      %parallel_loop3A_213 = arith.index_cast %parallel_loop3A_210 : i32 to index
      %parallel_loop3A_214 = tpu.vector_load %arg7[%parallel_loop3A_212, %parallel_loop3A_213] {strides = array<i32>} : memref<16x3200xf32, #tpu.memory_space<vmem>>, vector<16xf32>,
      tpu.vector_store %arg7[%parallel_loop3A_212, %parallel_loop3A_213], %parallel_loop3A_208 {strides = array<i32>} : memref<16x3200xf32, #tpu.memory_space<vmem>>, vector<16xf32>,
      %parallel_loop3A_215 = arith.constant 18000 : i32
      %parallel_loop3A_216 = vector.broadcast %parallel_loop3A_215 : i32 to vector<16xi32>
      %parallel_loop3A_217 = arith.addi %parallel_loop3A_26, %parallel_loop3A_216 : vector<16xi32>
      %parallel_loop3A_218 = tpu.vector_load_idx %arg6[%parallel_loop3A_217] : memref<32000xf32, #tpu.memory_space<vmem>>[vector<16xi32>], vector<16xf32>,
      %parallel_loop3A_219 = arith.constant 18000 : i32
      %parallel_loop3A_220 = vector.broadcast %parallel_loop3A_219 : i32 to vector<16xi32>
      %parallel_loop3A_221 = arith.addi %parallel_loop3A_34, %parallel_loop3A_220 : vector<16xi32>
      %parallel_loop3A_222 = tpu.vector_load_idx %arg6[%parallel_loop3A_221] : memref<32000xf32, #tpu.memory_space<vmem>>[vector<16xi32>], vector<16xf32>,
      %parallel_loop3A_223 = arith.constant 1.000000e+00 : f32
      %parallel_loop3A_224 = vector.broadcast %parallel_loop3A_223 : f32 to vector<16xf32>
      %parallel_loop3A_225 = arith.subf %parallel_loop3A_224, %parallel_loop3A_28 : vector<16xf32>
      %parallel_loop3A_226 = arith.mulf %parallel_loop3A_218, %parallel_loop3A_225 : vector<16xf32>
      %parallel_loop3A_227 = arith.mulf %parallel_loop3A_222, %parallel_loop3A_28 : vector<16xf32>
      %parallel_loop3A_228 = arith.addf %parallel_loop3A_226, %parallel_loop3A_227 : vector<16xf32>
      %parallel_loop3A_229 = arith.constant 16 : i32
      %parallel_loop3A_230 = arith.muli %parallel_loop3A_12, %parallel_loop3A_229 : i32
      %parallel_loop3A_231 = arith.constant 9 : i32
      %parallel_loop3A_232 = arith.index_cast %parallel_loop3A_231 : i32 to index
      %parallel_loop3A_233 = arith.index_cast %parallel_loop3A_230 : i32 to index
      %parallel_loop3A_234 = tpu.vector_load %arg7[%parallel_loop3A_232, %parallel_loop3A_233] {strides = array<i32>} : memref<16x3200xf32, #tpu.memory_space<vmem>>, vector<16xf32>,
      tpu.vector_store %arg7[%parallel_loop3A_232, %parallel_loop3A_233], %parallel_loop3A_228 {strides = array<i32>} : memref<16x3200xf32, #tpu.memory_space<vmem>>, vector<16xf32>,
      %parallel_loop3A_235 = arith.constant 20000 : i32
      %parallel_loop3A_236 = vector.broadcast %parallel_loop3A_235 : i32 to vector<16xi32>
      %parallel_loop3A_237 = arith.addi %parallel_loop3A_26, %parallel_loop3A_236 : vector<16xi32>
      %parallel_loop3A_238 = tpu.vector_load_idx %arg6[%parallel_loop3A_237] : memref<32000xf32, #tpu.memory_space<vmem>>[vector<16xi32>], vector<16xf32>,
      %parallel_loop3A_239 = arith.constant 20000 : i32
      %parallel_loop3A_240 = vector.broadcast %parallel_loop3A_239 : i32 to vector<16xi32>
      %parallel_loop3A_241 = arith.addi %parallel_loop3A_34, %parallel_loop3A_240 : vector<16xi32>
      %parallel_loop3A_242 = tpu.vector_load_idx %arg6[%parallel_loop3A_241] : memref<32000xf32, #tpu.memory_space<vmem>>[vector<16xi32>], vector<16xf32>,
      %parallel_loop3A_243 = arith.constant 1.000000e+00 : f32
      %parallel_loop3A_244 = vector.broadcast %parallel_loop3A_243 : f32 to vector<16xf32>
      %parallel_loop3A_245 = arith.subf %parallel_loop3A_244, %parallel_loop3A_28 : vector<16xf32>
      %parallel_loop3A_246 = arith.mulf %parallel_loop3A_238, %parallel_loop3A_245 : vector<16xf32>
      %parallel_loop3A_247 = arith.mulf %parallel_loop3A_242, %parallel_loop3A_28 : vector<16xf32>
      %parallel_loop3A_248 = arith.addf %parallel_loop3A_246, %parallel_loop3A_247 : vector<16xf32>
      %parallel_loop3A_249 = arith.constant 16 : i32
      %parallel_loop3A_250 = arith.muli %parallel_loop3A_12, %parallel_loop3A_249 : i32
      %parallel_loop3A_251 = arith.constant 10 : i32
      %parallel_loop3A_252 = arith.index_cast %parallel_loop3A_251 : i32 to index
      %parallel_loop3A_253 = arith.index_cast %parallel_loop3A_250 : i32 to index
      %parallel_loop3A_254 = tpu.vector_load %arg7[%parallel_loop3A_252, %parallel_loop3A_253] {strides = array<i32>} : memref<16x3200xf32, #tpu.memory_space<vmem>>, vector<16xf32>,
      tpu.vector_store %arg7[%parallel_loop3A_252, %parallel_loop3A_253], %parallel_loop3A_248 {strides = array<i32>} : memref<16x3200xf32, #tpu.memory_space<vmem>>, vector<16xf32>,
      %parallel_loop3A_255 = arith.constant 22000 : i32
      %parallel_loop3A_256 = vector.broadcast %parallel_loop3A_255 : i32 to vector<16xi32>
      %parallel_loop3A_257 = arith.addi %parallel_loop3A_26, %parallel_loop3A_256 : vector<16xi32>
      %parallel_loop3A_258 = tpu.vector_load_idx %arg6[%parallel_loop3A_257] : memref<32000xf32, #tpu.memory_space<vmem>>[vector<16xi32>], vector<16xf32>,
      %parallel_loop3A_259 = arith.constant 22000 : i32
      %parallel_loop3A_260 = vector.broadcast %parallel_loop3A_259 : i32 to vector<16xi32>
      %parallel_loop3A_261 = arith.addi %parallel_loop3A_34, %parallel_loop3A_260 : vector<16xi32>
      %parallel_loop3A_262 = tpu.vector_load_idx %arg6[%parallel_loop3A_261] : memref<32000xf32, #tpu.memory_space<vmem>>[vector<16xi32>], vector<16xf32>,
      %parallel_loop3A_263 = arith.constant 1.000000e+00 : f32
      %parallel_loop3A_264 = vector.broadcast %parallel_loop3A_263 : f32 to vector<16xf32>
      %parallel_loop3A_265 = arith.subf %parallel_loop3A_264, %parallel_loop3A_28 : vector<16xf32>
      %parallel_loop3A_266 = arith.mulf %parallel_loop3A_258, %parallel_loop3A_265 : vector<16xf32>
      %parallel_loop3A_267 = arith.mulf %parallel_loop3A_262, %parallel_loop3A_28 : vector<16xf32>
      %parallel_loop3A_268 = arith.addf %parallel_loop3A_266, %parallel_loop3A_267 : vector<16xf32>
      %parallel_loop3A_269 = arith.constant 16 : i32
      %parallel_loop3A_270 = arith.muli %parallel_loop3A_12, %parallel_loop3A_269 : i32
      %parallel_loop3A_271 = arith.constant 11 : i32
      %parallel_loop3A_272 = arith.index_cast %parallel_loop3A_271 : i32 to index
      %parallel_loop3A_273 = arith.index_cast %parallel_loop3A_270 : i32 to index
      %parallel_loop3A_274 = tpu.vector_load %arg7[%parallel_loop3A_272, %parallel_loop3A_273] {strides = array<i32>} : memref<16x3200xf32, #tpu.memory_space<vmem>>, vector<16xf32>,
      tpu.vector_store %arg7[%parallel_loop3A_272, %parallel_loop3A_273], %parallel_loop3A_268 {strides = array<i32>} : memref<16x3200xf32, #tpu.memory_space<vmem>>, vector<16xf32>,
      %parallel_loop3A_275 = arith.constant 24000 : i32
      %parallel_loop3A_276 = vector.broadcast %parallel_loop3A_275 : i32 to vector<16xi32>
      %parallel_loop3A_277 = arith.addi %parallel_loop3A_26, %parallel_loop3A_276 : vector<16xi32>
      %parallel_loop3A_278 = tpu.vector_load_idx %arg6[%parallel_loop3A_277] : memref<32000xf32, #tpu.memory_space<vmem>>[vector<16xi32>], vector<16xf32>,
      %parallel_loop3A_279 = arith.constant 24000 : i32
      %parallel_loop3A_280 = vector.broadcast %parallel_loop3A_279 : i32 to vector<16xi32>
      %parallel_loop3A_281 = arith.addi %parallel_loop3A_34, %parallel_loop3A_280 : vector<16xi32>
      %parallel_loop3A_282 = tpu.vector_load_idx %arg6[%parallel_loop3A_281] : memref<32000xf32, #tpu.memory_space<vmem>>[vector<16xi32>], vector<16xf32>,
      %parallel_loop3A_283 = arith.constant 1.000000e+00 : f32
      %parallel_loop3A_284 = vector.broadcast %parallel_loop3A_283 : f32 to vector<16xf32>
      %parallel_loop3A_285 = arith.subf %parallel_loop3A_284, %parallel_loop3A_28 : vector<16xf32>
      %parallel_loop3A_286 = arith.mulf %parallel_loop3A_278, %parallel_loop3A_285 : vector<16xf32>
      %parallel_loop3A_287 = arith.mulf %parallel_loop3A_282, %parallel_loop3A_28 : vector<16xf32>
      %parallel_loop3A_288 = arith.addf %parallel_loop3A_286, %parallel_loop3A_287 : vector<16xf32>
      %parallel_loop3A_289 = arith.constant 16 : i32
      %parallel_loop3A_290 = arith.muli %parallel_loop3A_12, %parallel_loop3A_289 : i32
      %parallel_loop3A_291 = arith.constant 12 : i32
      %parallel_loop3A_292 = arith.index_cast %parallel_loop3A_291 : i32 to index
      %parallel_loop3A_293 = arith.index_cast %parallel_loop3A_290 : i32 to index
      %parallel_loop3A_294 = tpu.vector_load %arg7[%parallel_loop3A_292, %parallel_loop3A_293] {strides = array<i32>} : memref<16x3200xf32, #tpu.memory_space<vmem>>, vector<16xf32>,
      tpu.vector_store %arg7[%parallel_loop3A_292, %parallel_loop3A_293], %parallel_loop3A_288 {strides = array<i32>} : memref<16x3200xf32, #tpu.memory_space<vmem>>, vector<16xf32>,
      %parallel_loop3A_295 = arith.constant 26000 : i32
      %parallel_loop3A_296 = vector.broadcast %parallel_loop3A_295 : i32 to vector<16xi32>
      %parallel_loop3A_297 = arith.addi %parallel_loop3A_26, %parallel_loop3A_296 : vector<16xi32>
      %parallel_loop3A_298 = tpu.vector_load_idx %arg6[%parallel_loop3A_297] : memref<32000xf32, #tpu.memory_space<vmem>>[vector<16xi32>], vector<16xf32>,
      %parallel_loop3A_299 = arith.constant 26000 : i32
      %parallel_loop3A_300 = vector.broadcast %parallel_loop3A_299 : i32 to vector<16xi32>
      %parallel_loop3A_301 = arith.addi %parallel_loop3A_34, %parallel_loop3A_300 : vector<16xi32>
      %parallel_loop3A_302 = tpu.vector_load_idx %arg6[%parallel_loop3A_301] : memref<32000xf32, #tpu.memory_space<vmem>>[vector<16xi32>], vector<16xf32>,
      %parallel_loop3A_303 = arith.constant 1.000000e+00 : f32
      %parallel_loop3A_304 = vector.broadcast %parallel_loop3A_303 : f32 to vector<16xf32>
      %parallel_loop3A_305 = arith.subf %parallel_loop3A_304, %parallel_loop3A_28 : vector<16xf32>
      %parallel_loop3A_306 = arith.mulf %parallel_loop3A_298, %parallel_loop3A_305 : vector<16xf32>
      %parallel_loop3A_307 = arith.mulf %parallel_loop3A_302, %parallel_loop3A_28 : vector<16xf32>
      %parallel_loop3A_308 = arith.addf %parallel_loop3A_306, %parallel_loop3A_307 : vector<16xf32>
      %parallel_loop3A_309 = arith.constant 16 : i32
      %parallel_loop3A_310 = arith.muli %parallel_loop3A_12, %parallel_loop3A_309 : i32
      %parallel_loop3A_311 = arith.constant 13 : i32
      %parallel_loop3A_312 = arith.index_cast %parallel_loop3A_311 : i32 to index
      %parallel_loop3A_313 = arith.index_cast %parallel_loop3A_310 : i32 to index
      %parallel_loop3A_314 = tpu.vector_load %arg7[%parallel_loop3A_312, %parallel_loop3A_313] {strides = array<i32>} : memref<16x3200xf32, #tpu.memory_space<vmem>>, vector<16xf32>,
      tpu.vector_store %arg7[%parallel_loop3A_312, %parallel_loop3A_313], %parallel_loop3A_308 {strides = array<i32>} : memref<16x3200xf32, #tpu.memory_space<vmem>>, vector<16xf32>,
      %parallel_loop3A_315 = arith.constant 28000 : i32
      %parallel_loop3A_316 = vector.broadcast %parallel_loop3A_315 : i32 to vector<16xi32>
      %parallel_loop3A_317 = arith.addi %parallel_loop3A_26, %parallel_loop3A_316 : vector<16xi32>
      %parallel_loop3A_318 = tpu.vector_load_idx %arg6[%parallel_loop3A_317] : memref<32000xf32, #tpu.memory_space<vmem>>[vector<16xi32>], vector<16xf32>,
      %parallel_loop3A_319 = arith.constant 28000 : i32
      %parallel_loop3A_320 = vector.broadcast %parallel_loop3A_319 : i32 to vector<16xi32>
      %parallel_loop3A_321 = arith.addi %parallel_loop3A_34, %parallel_loop3A_320 : vector<16xi32>
      %parallel_loop3A_322 = tpu.vector_load_idx %arg6[%parallel_loop3A_321] : memref<32000xf32, #tpu.memory_space<vmem>>[vector<16xi32>], vector<16xf32>,
      %parallel_loop3A_323 = arith.constant 1.000000e+00 : f32
      %parallel_loop3A_324 = vector.broadcast %parallel_loop3A_323 : f32 to vector<16xf32>
      %parallel_loop3A_325 = arith.subf %parallel_loop3A_324, %parallel_loop3A_28 : vector<16xf32>
      %parallel_loop3A_326 = arith.mulf %parallel_loop3A_318, %parallel_loop3A_325 : vector<16xf32>
      %parallel_loop3A_327 = arith.mulf %parallel_loop3A_322, %parallel_loop3A_28 : vector<16xf32>
      %parallel_loop3A_328 = arith.addf %parallel_loop3A_326, %parallel_loop3A_327 : vector<16xf32>
      %parallel_loop3A_329 = arith.constant 16 : i32
      %parallel_loop3A_330 = arith.muli %parallel_loop3A_12, %parallel_loop3A_329 : i32
      %parallel_loop3A_331 = arith.constant 14 : i32
      %parallel_loop3A_332 = arith.index_cast %parallel_loop3A_331 : i32 to index
      %parallel_loop3A_333 = arith.index_cast %parallel_loop3A_330 : i32 to index
      %parallel_loop3A_334 = tpu.vector_load %arg7[%parallel_loop3A_332, %parallel_loop3A_333] {strides = array<i32>} : memref<16x3200xf32, #tpu.memory_space<vmem>>, vector<16xf32>,
      tpu.vector_store %arg7[%parallel_loop3A_332, %parallel_loop3A_333], %parallel_loop3A_328 {strides = array<i32>} : memref<16x3200xf32, #tpu.memory_space<vmem>>, vector<16xf32>,
      %parallel_loop3A_335 = arith.constant 30000 : i32
      %parallel_loop3A_336 = vector.broadcast %parallel_loop3A_335 : i32 to vector<16xi32>
      %parallel_loop3A_337 = arith.addi %parallel_loop3A_26, %parallel_loop3A_336 : vector<16xi32>
      %parallel_loop3A_338 = tpu.vector_load_idx %arg6[%parallel_loop3A_337] : memref<32000xf32, #tpu.memory_space<vmem>>[vector<16xi32>], vector<16xf32>,
      %parallel_loop3A_339 = arith.constant 30000 : i32
      %parallel_loop3A_340 = vector.broadcast %parallel_loop3A_339 : i32 to vector<16xi32>
      %parallel_loop3A_341 = arith.addi %parallel_loop3A_34, %parallel_loop3A_340 : vector<16xi32>
      %parallel_loop3A_342 = tpu.vector_load_idx %arg6[%parallel_loop3A_341] : memref<32000xf32, #tpu.memory_space<vmem>>[vector<16xi32>], vector<16xf32>,
      %parallel_loop3A_343 = arith.constant 1.000000e+00 : f32
      %parallel_loop3A_344 = vector.broadcast %parallel_loop3A_343 : f32 to vector<16xf32>
      %parallel_loop3A_345 = arith.subf %parallel_loop3A_344, %parallel_loop3A_28 : vector<16xf32>
      %parallel_loop3A_346 = arith.mulf %parallel_loop3A_338, %parallel_loop3A_345 : vector<16xf32>
      %parallel_loop3A_347 = arith.mulf %parallel_loop3A_342, %parallel_loop3A_28 : vector<16xf32>
      %parallel_loop3A_348 = arith.addf %parallel_loop3A_346, %parallel_loop3A_347 : vector<16xf32>
      %parallel_loop3A_349 = arith.constant 16 : i32
      %parallel_loop3A_350 = arith.muli %parallel_loop3A_12, %parallel_loop3A_349 : i32
      %parallel_loop3A_351 = arith.constant 15 : i32
      %parallel_loop3A_352 = arith.index_cast %parallel_loop3A_351 : i32 to index
      %parallel_loop3A_353 = arith.index_cast %parallel_loop3A_350 : i32 to index
      %parallel_loop3A_354 = tpu.vector_load %arg7[%parallel_loop3A_352, %parallel_loop3A_353] {strides = array<i32>} : memref<16x3200xf32, #tpu.memory_space<vmem>>, vector<16xf32>,
      tpu.vector_store %arg7[%parallel_loop3A_352, %parallel_loop3A_353], %parallel_loop3A_348 {strides = array<i32>} : memref<16x3200xf32, #tpu.memory_space<vmem>>, vector<16xf32>,
    } {sc.loop_unroll_factor = 8 : i64, sc.parallel_access}
    "tpu.region"() ({
      %run_scoped3A = tpu.sem_alloc : memref<!tpu.dma_semaphore, #tpu.memory_space<semaphore_mem>>
      %dma_start3A = arith.constant 0 : i32
      %dma_start3A_12 = tpu.memref_slice %arg4[%dma_start3A, %add3A_4] : memref<16x204800xf32, #tpu.memory_space<hbm>> -> memref<16x3200xf32, #tpu.memory_space<hbm>>
      %dma_start3A_13 = arith.constant 0 : i32
      %dma_start3A_14 = tpu.memref_slice %arg4[%dma_start3A_13, %add3A_4] : memref<16x204800xf32, #tpu.memory_space<hbm>> -> memref<16x3200xf32, #tpu.memory_space<hbm>>
      tpu.enqueue_dma source(%arg7 : memref<16x3200xf32, #tpu.memory_space<vmem>>) target(%dma_start3A_14 : memref<16x3200xf32, #tpu.memory_space<hbm>>) target_semaphore(%run_scoped3A : memref<!tpu.dma_semaphore, #tpu.memory_space<semaphore_mem>>)
      %dma_wait3A = arith.constant 0 : i32
      %dma_wait3A_15 = tpu.memref_slice %arg4[%dma_wait3A, %add3A_4] : memref<16x204800xf32, #tpu.memory_space<hbm>> -> memref<16x3200xf32, #tpu.memory_space<hbm>>
      %dma_wait3A_16 = arith.constant 0 : i32
      %dma_wait3A_17 = tpu.memref_slice %arg4[%dma_wait3A_16, %add3A_4] : memref<16x204800xf32, #tpu.memory_space<hbm>> -> memref<16x3200xf32, #tpu.memory_space<hbm>>
      tpu.wait_dma2 semaphore(%run_scoped3A : memref<!tpu.dma_semaphore, #tpu.memory_space<semaphore_mem>>) src(%arg7 : memref<16x3200xf32, #tpu.memory_space<vmem>>) dst(%dma_wait3A_17 : memref<16x3200xf32, #tpu.memory_space<hbm>>)
      tpu.yield
    }) : () -> ()
    %add3A_7 = arith.constant 3200 : i32
    %add3A_8 = arith.addi %mul3A_2, %add3A_7 : i32
    "tpu.region"() ({
      %run_scoped3A = tpu.sem_alloc : memref<!tpu.dma_semaphore, #tpu.memory_space<semaphore_mem>>
      %dma_start3A = tpu.memref_slice %arg2[%add3A_8] : memref<204800xf32, #tpu.memory_space<hbm>> -> memref<3200xf32, #tpu.memory_space<hbm>>
      %dma_start3A_12 = tpu.memref_slice %arg2[%add3A_8] : memref<204800xf32, #tpu.memory_space<hbm>> -> memref<3200xf32, #tpu.memory_space<hbm>>
      tpu.enqueue_dma source(%dma_start3A_12 : memref<3200xf32, #tpu.memory_space<hbm>>) target(%arg5 : memref<3200xf32, #tpu.memory_space<vmem>>) target_semaphore(%run_scoped3A : memref<!tpu.dma_semaphore, #tpu.memory_space<semaphore_mem>>)
      %dma_wait3A = tpu.memref_slice %arg2[%add3A_8] : memref<204800xf32, #tpu.memory_space<hbm>> -> memref<3200xf32, #tpu.memory_space<hbm>>
      %dma_wait3A_13 = tpu.memref_slice %arg2[%add3A_8] : memref<204800xf32, #tpu.memory_space<hbm>> -> memref<3200xf32, #tpu.memory_space<hbm>>
      tpu.wait_dma2 semaphore(%run_scoped3A : memref<!tpu.dma_semaphore, #tpu.memory_space<semaphore_mem>>) src(%dma_wait3A_13 : memref<3200xf32, #tpu.memory_space<hbm>>) dst(%arg5 : memref<3200xf32, #tpu.memory_space<vmem>>)
      tpu.yield
    }) : () -> ()
    %parallel_loop3A_9 = arith.constant 0 : i32
    %parallel_loop3A_10 = arith.constant 200 : i32
    %parallel_loop3A_11 = arith.constant 1 : i32
    scf.for %parallel_loop3A_12 = %parallel_loop3A_9 to %parallel_loop3A_10 step %parallel_loop3A_11  : i32 {
      %parallel_loop3A_13 = arith.constant 16 : i32
      %parallel_loop3A_14 = arith.muli %parallel_loop3A_12, %parallel_loop3A_13 : i32
      %parallel_loop3A_15 = arith.index_cast %parallel_loop3A_14 : i32 to index
      %parallel_loop3A_16 = tpu.vector_load %arg5[%parallel_loop3A_15] {strides = array<i32>} : memref<3200xf32, #tpu.memory_space<vmem>>, vector<16xf32>,
      %parallel_loop3A_17 = arith.constant 0.000000e+00 : f32
      %parallel_loop3A_18 = arith.constant 1.000000e+03 : f32
      %parallel_loop3A_19 = vector.broadcast %parallel_loop3A_17 : f32 to vector<16xf32>
      %parallel_loop3A_20 = arith.maximumf %parallel_loop3A_19, %parallel_loop3A_16 : vector<16xf32>
      %parallel_loop3A_21 = vector.broadcast %parallel_loop3A_18 : f32 to vector<16xf32>
      %parallel_loop3A_22 = arith.minimumf %parallel_loop3A_21, %parallel_loop3A_20 : vector<16xf32>
      %parallel_loop3A_23 = arith.constant 1.999000e+00 : f32
      %parallel_loop3A_24 = vector.broadcast %parallel_loop3A_23 : f32 to vector<16xf32>
      %parallel_loop3A_25 = arith.mulf %parallel_loop3A_22, %parallel_loop3A_24 : vector<16xf32>
      %parallel_loop3A_26 = arith.fptosi %parallel_loop3A_25 : vector<16xf32> to vector<16xi32>
      %parallel_loop3A_27 = arith.sitofp %parallel_loop3A_26 : vector<16xi32> to vector<16xf32>
      %parallel_loop3A_28 = arith.subf %parallel_loop3A_25, %parallel_loop3A_27 : vector<16xf32>
      %parallel_loop3A_29 = arith.constant 1 : i32
      %parallel_loop3A_30 = vector.broadcast %parallel_loop3A_29 : i32 to vector<16xi32>
      %parallel_loop3A_31 = arith.addi %parallel_loop3A_26, %parallel_loop3A_30 : vector<16xi32>
      %parallel_loop3A_32 = arith.constant 1999 : i32
      %parallel_loop3A_33 = vector.broadcast %parallel_loop3A_32 : i32 to vector<16xi32>
      %parallel_loop3A_34 = arith.minsi %parallel_loop3A_31, %parallel_loop3A_33 : vector<16xi32>
      %parallel_loop3A_35 = arith.constant 0 : i32
      %parallel_loop3A_36 = vector.broadcast %parallel_loop3A_35 : i32 to vector<16xi32>
      %parallel_loop3A_37 = arith.addi %parallel_loop3A_26, %parallel_loop3A_36 : vector<16xi32>
      %parallel_loop3A_38 = tpu.vector_load_idx %arg6[%parallel_loop3A_37] : memref<32000xf32, #tpu.memory_space<vmem>>[vector<16xi32>], vector<16xf32>,
      %parallel_loop3A_39 = arith.constant 0 : i32
      %parallel_loop3A_40 = vector.broadcast %parallel_loop3A_39 : i32 to vector<16xi32>
      %parallel_loop3A_41 = arith.addi %parallel_loop3A_34, %parallel_loop3A_40 : vector<16xi32>
      %parallel_loop3A_42 = tpu.vector_load_idx %arg6[%parallel_loop3A_41] : memref<32000xf32, #tpu.memory_space<vmem>>[vector<16xi32>], vector<16xf32>,
      %parallel_loop3A_43 = arith.constant 1.000000e+00 : f32
      %parallel_loop3A_44 = vector.broadcast %parallel_loop3A_43 : f32 to vector<16xf32>
      %parallel_loop3A_45 = arith.subf %parallel_loop3A_44, %parallel_loop3A_28 : vector<16xf32>
      %parallel_loop3A_46 = arith.mulf %parallel_loop3A_38, %parallel_loop3A_45 : vector<16xf32>
      %parallel_loop3A_47 = arith.mulf %parallel_loop3A_42, %parallel_loop3A_28 : vector<16xf32>
      %parallel_loop3A_48 = arith.addf %parallel_loop3A_46, %parallel_loop3A_47 : vector<16xf32>
      %parallel_loop3A_49 = arith.constant 16 : i32
      %parallel_loop3A_50 = arith.muli %parallel_loop3A_12, %parallel_loop3A_49 : i32
      %parallel_loop3A_51 = arith.constant 0 : i32
      %parallel_loop3A_52 = arith.index_cast %parallel_loop3A_51 : i32 to index
      %parallel_loop3A_53 = arith.index_cast %parallel_loop3A_50 : i32 to index
      %parallel_loop3A_54 = tpu.vector_load %arg7[%parallel_loop3A_52, %parallel_loop3A_53] {strides = array<i32>} : memref<16x3200xf32, #tpu.memory_space<vmem>>, vector<16xf32>,
      tpu.vector_store %arg7[%parallel_loop3A_52, %parallel_loop3A_53], %parallel_loop3A_48 {strides = array<i32>} : memref<16x3200xf32, #tpu.memory_space<vmem>>, vector<16xf32>,
      %parallel_loop3A_55 = arith.constant 2000 : i32
      %parallel_loop3A_56 = vector.broadcast %parallel_loop3A_55 : i32 to vector<16xi32>
      %parallel_loop3A_57 = arith.addi %parallel_loop3A_26, %parallel_loop3A_56 : vector<16xi32>
      %parallel_loop3A_58 = tpu.vector_load_idx %arg6[%parallel_loop3A_57] : memref<32000xf32, #tpu.memory_space<vmem>>[vector<16xi32>], vector<16xf32>,
      %parallel_loop3A_59 = arith.constant 2000 : i32
      %parallel_loop3A_60 = vector.broadcast %parallel_loop3A_59 : i32 to vector<16xi32>
      %parallel_loop3A_61 = arith.addi %parallel_loop3A_34, %parallel_loop3A_60 : vector<16xi32>
      %parallel_loop3A_62 = tpu.vector_load_idx %arg6[%parallel_loop3A_61] : memref<32000xf32, #tpu.memory_space<vmem>>[vector<16xi32>], vector<16xf32>,
      %parallel_loop3A_63 = arith.constant 1.000000e+00 : f32
      %parallel_loop3A_64 = vector.broadcast %parallel_loop3A_63 : f32 to vector<16xf32>
      %parallel_loop3A_65 = arith.subf %parallel_loop3A_64, %parallel_loop3A_28 : vector<16xf32>
      %parallel_loop3A_66 = arith.mulf %parallel_loop3A_58, %parallel_loop3A_65 : vector<16xf32>
      %parallel_loop3A_67 = arith.mulf %parallel_loop3A_62, %parallel_loop3A_28 : vector<16xf32>
      %parallel_loop3A_68 = arith.addf %parallel_loop3A_66, %parallel_loop3A_67 : vector<16xf32>
      %parallel_loop3A_69 = arith.constant 16 : i32
      %parallel_loop3A_70 = arith.muli %parallel_loop3A_12, %parallel_loop3A_69 : i32
      %parallel_loop3A_71 = arith.constant 1 : i32
      %parallel_loop3A_72 = arith.index_cast %parallel_loop3A_71 : i32 to index
      %parallel_loop3A_73 = arith.index_cast %parallel_loop3A_70 : i32 to index
      %parallel_loop3A_74 = tpu.vector_load %arg7[%parallel_loop3A_72, %parallel_loop3A_73] {strides = array<i32>} : memref<16x3200xf32, #tpu.memory_space<vmem>>, vector<16xf32>,
      tpu.vector_store %arg7[%parallel_loop3A_72, %parallel_loop3A_73], %parallel_loop3A_68 {strides = array<i32>} : memref<16x3200xf32, #tpu.memory_space<vmem>>, vector<16xf32>,
      %parallel_loop3A_75 = arith.constant 4000 : i32
      %parallel_loop3A_76 = vector.broadcast %parallel_loop3A_75 : i32 to vector<16xi32>
      %parallel_loop3A_77 = arith.addi %parallel_loop3A_26, %parallel_loop3A_76 : vector<16xi32>
      %parallel_loop3A_78 = tpu.vector_load_idx %arg6[%parallel_loop3A_77] : memref<32000xf32, #tpu.memory_space<vmem>>[vector<16xi32>], vector<16xf32>,
      %parallel_loop3A_79 = arith.constant 4000 : i32
      %parallel_loop3A_80 = vector.broadcast %parallel_loop3A_79 : i32 to vector<16xi32>
      %parallel_loop3A_81 = arith.addi %parallel_loop3A_34, %parallel_loop3A_80 : vector<16xi32>
      %parallel_loop3A_82 = tpu.vector_load_idx %arg6[%parallel_loop3A_81] : memref<32000xf32, #tpu.memory_space<vmem>>[vector<16xi32>], vector<16xf32>,
      %parallel_loop3A_83 = arith.constant 1.000000e+00 : f32
      %parallel_loop3A_84 = vector.broadcast %parallel_loop3A_83 : f32 to vector<16xf32>
      %parallel_loop3A_85 = arith.subf %parallel_loop3A_84, %parallel_loop3A_28 : vector<16xf32>
      %parallel_loop3A_86 = arith.mulf %parallel_loop3A_78, %parallel_loop3A_85 : vector<16xf32>
      %parallel_loop3A_87 = arith.mulf %parallel_loop3A_82, %parallel_loop3A_28 : vector<16xf32>
      %parallel_loop3A_88 = arith.addf %parallel_loop3A_86, %parallel_loop3A_87 : vector<16xf32>
      %parallel_loop3A_89 = arith.constant 16 : i32
      %parallel_loop3A_90 = arith.muli %parallel_loop3A_12, %parallel_loop3A_89 : i32
      %parallel_loop3A_91 = arith.constant 2 : i32
      %parallel_loop3A_92 = arith.index_cast %parallel_loop3A_91 : i32 to index
      %parallel_loop3A_93 = arith.index_cast %parallel_loop3A_90 : i32 to index
      %parallel_loop3A_94 = tpu.vector_load %arg7[%parallel_loop3A_92, %parallel_loop3A_93] {strides = array<i32>} : memref<16x3200xf32, #tpu.memory_space<vmem>>, vector<16xf32>,
      tpu.vector_store %arg7[%parallel_loop3A_92, %parallel_loop3A_93], %parallel_loop3A_88 {strides = array<i32>} : memref<16x3200xf32, #tpu.memory_space<vmem>>, vector<16xf32>,
      %parallel_loop3A_95 = arith.constant 6000 : i32
      %parallel_loop3A_96 = vector.broadcast %parallel_loop3A_95 : i32 to vector<16xi32>
      %parallel_loop3A_97 = arith.addi %parallel_loop3A_26, %parallel_loop3A_96 : vector<16xi32>
      %parallel_loop3A_98 = tpu.vector_load_idx %arg6[%parallel_loop3A_97] : memref<32000xf32, #tpu.memory_space<vmem>>[vector<16xi32>], vector<16xf32>,
      %parallel_loop3A_99 = arith.constant 6000 : i32
      %parallel_loop3A_100 = vector.broadcast %parallel_loop3A_99 : i32 to vector<16xi32>
      %parallel_loop3A_101 = arith.addi %parallel_loop3A_34, %parallel_loop3A_100 : vector<16xi32>
      %parallel_loop3A_102 = tpu.vector_load_idx %arg6[%parallel_loop3A_101] : memref<32000xf32, #tpu.memory_space<vmem>>[vector<16xi32>], vector<16xf32>,
      %parallel_loop3A_103 = arith.constant 1.000000e+00 : f32
      %parallel_loop3A_104 = vector.broadcast %parallel_loop3A_103 : f32 to vector<16xf32>
      %parallel_loop3A_105 = arith.subf %parallel_loop3A_104, %parallel_loop3A_28 : vector<16xf32>
      %parallel_loop3A_106 = arith.mulf %parallel_loop3A_98, %parallel_loop3A_105 : vector<16xf32>
      %parallel_loop3A_107 = arith.mulf %parallel_loop3A_102, %parallel_loop3A_28 : vector<16xf32>
      %parallel_loop3A_108 = arith.addf %parallel_loop3A_106, %parallel_loop3A_107 : vector<16xf32>
      %parallel_loop3A_109 = arith.constant 16 : i32
      %parallel_loop3A_110 = arith.muli %parallel_loop3A_12, %parallel_loop3A_109 : i32
      %parallel_loop3A_111 = arith.constant 3 : i32
      %parallel_loop3A_112 = arith.index_cast %parallel_loop3A_111 : i32 to index
      %parallel_loop3A_113 = arith.index_cast %parallel_loop3A_110 : i32 to index
      %parallel_loop3A_114 = tpu.vector_load %arg7[%parallel_loop3A_112, %parallel_loop3A_113] {strides = array<i32>} : memref<16x3200xf32, #tpu.memory_space<vmem>>, vector<16xf32>,
      tpu.vector_store %arg7[%parallel_loop3A_112, %parallel_loop3A_113], %parallel_loop3A_108 {strides = array<i32>} : memref<16x3200xf32, #tpu.memory_space<vmem>>, vector<16xf32>,
      %parallel_loop3A_115 = arith.constant 8000 : i32
      %parallel_loop3A_116 = vector.broadcast %parallel_loop3A_115 : i32 to vector<16xi32>
      %parallel_loop3A_117 = arith.addi %parallel_loop3A_26, %parallel_loop3A_116 : vector<16xi32>
      %parallel_loop3A_118 = tpu.vector_load_idx %arg6[%parallel_loop3A_117] : memref<32000xf32, #tpu.memory_space<vmem>>[vector<16xi32>], vector<16xf32>,
      %parallel_loop3A_119 = arith.constant 8000 : i32
      %parallel_loop3A_120 = vector.broadcast %parallel_loop3A_119 : i32 to vector<16xi32>
      %parallel_loop3A_121 = arith.addi %parallel_loop3A_34, %parallel_loop3A_120 : vector<16xi32>
      %parallel_loop3A_122 = tpu.vector_load_idx %arg6[%parallel_loop3A_121] : memref<32000xf32, #tpu.memory_space<vmem>>[vector<16xi32>], vector<16xf32>,
      %parallel_loop3A_123 = arith.constant 1.000000e+00 : f32
      %parallel_loop3A_124 = vector.broadcast %parallel_loop3A_123 : f32 to vector<16xf32>
      %parallel_loop3A_125 = arith.subf %parallel_loop3A_124, %parallel_loop3A_28 : vector<16xf32>
      %parallel_loop3A_126 = arith.mulf %parallel_loop3A_118, %parallel_loop3A_125 : vector<16xf32>
      %parallel_loop3A_127 = arith.mulf %parallel_loop3A_122, %parallel_loop3A_28 : vector<16xf32>
      %parallel_loop3A_128 = arith.addf %parallel_loop3A_126, %parallel_loop3A_127 : vector<16xf32>
      %parallel_loop3A_129 = arith.constant 16 : i32
      %parallel_loop3A_130 = arith.muli %parallel_loop3A_12, %parallel_loop3A_129 : i32
      %parallel_loop3A_131 = arith.constant 4 : i32
      %parallel_loop3A_132 = arith.index_cast %parallel_loop3A_131 : i32 to index
      %parallel_loop3A_133 = arith.index_cast %parallel_loop3A_130 : i32 to index
      %parallel_loop3A_134 = tpu.vector_load %arg7[%parallel_loop3A_132, %parallel_loop3A_133] {strides = array<i32>} : memref<16x3200xf32, #tpu.memory_space<vmem>>, vector<16xf32>,
      tpu.vector_store %arg7[%parallel_loop3A_132, %parallel_loop3A_133], %parallel_loop3A_128 {strides = array<i32>} : memref<16x3200xf32, #tpu.memory_space<vmem>>, vector<16xf32>,
      %parallel_loop3A_135 = arith.constant 10000 : i32
      %parallel_loop3A_136 = vector.broadcast %parallel_loop3A_135 : i32 to vector<16xi32>
      %parallel_loop3A_137 = arith.addi %parallel_loop3A_26, %parallel_loop3A_136 : vector<16xi32>
      %parallel_loop3A_138 = tpu.vector_load_idx %arg6[%parallel_loop3A_137] : memref<32000xf32, #tpu.memory_space<vmem>>[vector<16xi32>], vector<16xf32>,
      %parallel_loop3A_139 = arith.constant 10000 : i32
      %parallel_loop3A_140 = vector.broadcast %parallel_loop3A_139 : i32 to vector<16xi32>
      %parallel_loop3A_141 = arith.addi %parallel_loop3A_34, %parallel_loop3A_140 : vector<16xi32>
      %parallel_loop3A_142 = tpu.vector_load_idx %arg6[%parallel_loop3A_141] : memref<32000xf32, #tpu.memory_space<vmem>>[vector<16xi32>], vector<16xf32>,
      %parallel_loop3A_143 = arith.constant 1.000000e+00 : f32
      %parallel_loop3A_144 = vector.broadcast %parallel_loop3A_143 : f32 to vector<16xf32>
      %parallel_loop3A_145 = arith.subf %parallel_loop3A_144, %parallel_loop3A_28 : vector<16xf32>
      %parallel_loop3A_146 = arith.mulf %parallel_loop3A_138, %parallel_loop3A_145 : vector<16xf32>
      %parallel_loop3A_147 = arith.mulf %parallel_loop3A_142, %parallel_loop3A_28 : vector<16xf32>
      %parallel_loop3A_148 = arith.addf %parallel_loop3A_146, %parallel_loop3A_147 : vector<16xf32>
      %parallel_loop3A_149 = arith.constant 16 : i32
      %parallel_loop3A_150 = arith.muli %parallel_loop3A_12, %parallel_loop3A_149 : i32
      %parallel_loop3A_151 = arith.constant 5 : i32
      %parallel_loop3A_152 = arith.index_cast %parallel_loop3A_151 : i32 to index
      %parallel_loop3A_153 = arith.index_cast %parallel_loop3A_150 : i32 to index
      %parallel_loop3A_154 = tpu.vector_load %arg7[%parallel_loop3A_152, %parallel_loop3A_153] {strides = array<i32>} : memref<16x3200xf32, #tpu.memory_space<vmem>>, vector<16xf32>,
      tpu.vector_store %arg7[%parallel_loop3A_152, %parallel_loop3A_153], %parallel_loop3A_148 {strides = array<i32>} : memref<16x3200xf32, #tpu.memory_space<vmem>>, vector<16xf32>,
      %parallel_loop3A_155 = arith.constant 12000 : i32
      %parallel_loop3A_156 = vector.broadcast %parallel_loop3A_155 : i32 to vector<16xi32>
      %parallel_loop3A_157 = arith.addi %parallel_loop3A_26, %parallel_loop3A_156 : vector<16xi32>
      %parallel_loop3A_158 = tpu.vector_load_idx %arg6[%parallel_loop3A_157] : memref<32000xf32, #tpu.memory_space<vmem>>[vector<16xi32>], vector<16xf32>,
      %parallel_loop3A_159 = arith.constant 12000 : i32
      %parallel_loop3A_160 = vector.broadcast %parallel_loop3A_159 : i32 to vector<16xi32>
      %parallel_loop3A_161 = arith.addi %parallel_loop3A_34, %parallel_loop3A_160 : vector<16xi32>
      %parallel_loop3A_162 = tpu.vector_load_idx %arg6[%parallel_loop3A_161] : memref<32000xf32, #tpu.memory_space<vmem>>[vector<16xi32>], vector<16xf32>,
      %parallel_loop3A_163 = arith.constant 1.000000e+00 : f32
      %parallel_loop3A_164 = vector.broadcast %parallel_loop3A_163 : f32 to vector<16xf32>
      %parallel_loop3A_165 = arith.subf %parallel_loop3A_164, %parallel_loop3A_28 : vector<16xf32>
      %parallel_loop3A_166 = arith.mulf %parallel_loop3A_158, %parallel_loop3A_165 : vector<16xf32>
      %parallel_loop3A_167 = arith.mulf %parallel_loop3A_162, %parallel_loop3A_28 : vector<16xf32>
      %parallel_loop3A_168 = arith.addf %parallel_loop3A_166, %parallel_loop3A_167 : vector<16xf32>
      %parallel_loop3A_169 = arith.constant 16 : i32
      %parallel_loop3A_170 = arith.muli %parallel_loop3A_12, %parallel_loop3A_169 : i32
      %parallel_loop3A_171 = arith.constant 6 : i32
      %parallel_loop3A_172 = arith.index_cast %parallel_loop3A_171 : i32 to index
      %parallel_loop3A_173 = arith.index_cast %parallel_loop3A_170 : i32 to index
      %parallel_loop3A_174 = tpu.vector_load %arg7[%parallel_loop3A_172, %parallel_loop3A_173] {strides = array<i32>} : memref<16x3200xf32, #tpu.memory_space<vmem>>, vector<16xf32>,
      tpu.vector_store %arg7[%parallel_loop3A_172, %parallel_loop3A_173], %parallel_loop3A_168 {strides = array<i32>} : memref<16x3200xf32, #tpu.memory_space<vmem>>, vector<16xf32>,
      %parallel_loop3A_175 = arith.constant 14000 : i32
      %parallel_loop3A_176 = vector.broadcast %parallel_loop3A_175 : i32 to vector<16xi32>
      %parallel_loop3A_177 = arith.addi %parallel_loop3A_26, %parallel_loop3A_176 : vector<16xi32>
      %parallel_loop3A_178 = tpu.vector_load_idx %arg6[%parallel_loop3A_177] : memref<32000xf32, #tpu.memory_space<vmem>>[vector<16xi32>], vector<16xf32>,
      %parallel_loop3A_179 = arith.constant 14000 : i32
      %parallel_loop3A_180 = vector.broadcast %parallel_loop3A_179 : i32 to vector<16xi32>
      %parallel_loop3A_181 = arith.addi %parallel_loop3A_34, %parallel_loop3A_180 : vector<16xi32>
      %parallel_loop3A_182 = tpu.vector_load_idx %arg6[%parallel_loop3A_181] : memref<32000xf32, #tpu.memory_space<vmem>>[vector<16xi32>], vector<16xf32>,
      %parallel_loop3A_183 = arith.constant 1.000000e+00 : f32
      %parallel_loop3A_184 = vector.broadcast %parallel_loop3A_183 : f32 to vector<16xf32>
      %parallel_loop3A_185 = arith.subf %parallel_loop3A_184, %parallel_loop3A_28 : vector<16xf32>
      %parallel_loop3A_186 = arith.mulf %parallel_loop3A_178, %parallel_loop3A_185 : vector<16xf32>
      %parallel_loop3A_187 = arith.mulf %parallel_loop3A_182, %parallel_loop3A_28 : vector<16xf32>
      %parallel_loop3A_188 = arith.addf %parallel_loop3A_186, %parallel_loop3A_187 : vector<16xf32>
      %parallel_loop3A_189 = arith.constant 16 : i32
      %parallel_loop3A_190 = arith.muli %parallel_loop3A_12, %parallel_loop3A_189 : i32
      %parallel_loop3A_191 = arith.constant 7 : i32
      %parallel_loop3A_192 = arith.index_cast %parallel_loop3A_191 : i32 to index
      %parallel_loop3A_193 = arith.index_cast %parallel_loop3A_190 : i32 to index
      %parallel_loop3A_194 = tpu.vector_load %arg7[%parallel_loop3A_192, %parallel_loop3A_193] {strides = array<i32>} : memref<16x3200xf32, #tpu.memory_space<vmem>>, vector<16xf32>,
      tpu.vector_store %arg7[%parallel_loop3A_192, %parallel_loop3A_193], %parallel_loop3A_188 {strides = array<i32>} : memref<16x3200xf32, #tpu.memory_space<vmem>>, vector<16xf32>,
      %parallel_loop3A_195 = arith.constant 16000 : i32
      %parallel_loop3A_196 = vector.broadcast %parallel_loop3A_195 : i32 to vector<16xi32>
      %parallel_loop3A_197 = arith.addi %parallel_loop3A_26, %parallel_loop3A_196 : vector<16xi32>
      %parallel_loop3A_198 = tpu.vector_load_idx %arg6[%parallel_loop3A_197] : memref<32000xf32, #tpu.memory_space<vmem>>[vector<16xi32>], vector<16xf32>,
      %parallel_loop3A_199 = arith.constant 16000 : i32
      %parallel_loop3A_200 = vector.broadcast %parallel_loop3A_199 : i32 to vector<16xi32>
      %parallel_loop3A_201 = arith.addi %parallel_loop3A_34, %parallel_loop3A_200 : vector<16xi32>
      %parallel_loop3A_202 = tpu.vector_load_idx %arg6[%parallel_loop3A_201] : memref<32000xf32, #tpu.memory_space<vmem>>[vector<16xi32>], vector<16xf32>,
      %parallel_loop3A_203 = arith.constant 1.000000e+00 : f32
      %parallel_loop3A_204 = vector.broadcast %parallel_loop3A_203 : f32 to vector<16xf32>
      %parallel_loop3A_205 = arith.subf %parallel_loop3A_204, %parallel_loop3A_28 : vector<16xf32>
      %parallel_loop3A_206 = arith.mulf %parallel_loop3A_198, %parallel_loop3A_205 : vector<16xf32>
      %parallel_loop3A_207 = arith.mulf %parallel_loop3A_202, %parallel_loop3A_28 : vector<16xf32>
      %parallel_loop3A_208 = arith.addf %parallel_loop3A_206, %parallel_loop3A_207 : vector<16xf32>
      %parallel_loop3A_209 = arith.constant 16 : i32
      %parallel_loop3A_210 = arith.muli %parallel_loop3A_12, %parallel_loop3A_209 : i32
      %parallel_loop3A_211 = arith.constant 8 : i32
      %parallel_loop3A_212 = arith.index_cast %parallel_loop3A_211 : i32 to index
      %parallel_loop3A_213 = arith.index_cast %parallel_loop3A_210 : i32 to index
      %parallel_loop3A_214 = tpu.vector_load %arg7[%parallel_loop3A_212, %parallel_loop3A_213] {strides = array<i32>} : memref<16x3200xf32, #tpu.memory_space<vmem>>, vector<16xf32>,
      tpu.vector_store %arg7[%parallel_loop3A_212, %parallel_loop3A_213], %parallel_loop3A_208 {strides = array<i32>} : memref<16x3200xf32, #tpu.memory_space<vmem>>, vector<16xf32>,
      %parallel_loop3A_215 = arith.constant 18000 : i32
      %parallel_loop3A_216 = vector.broadcast %parallel_loop3A_215 : i32 to vector<16xi32>
      %parallel_loop3A_217 = arith.addi %parallel_loop3A_26, %parallel_loop3A_216 : vector<16xi32>
      %parallel_loop3A_218 = tpu.vector_load_idx %arg6[%parallel_loop3A_217] : memref<32000xf32, #tpu.memory_space<vmem>>[vector<16xi32>], vector<16xf32>,
      %parallel_loop3A_219 = arith.constant 18000 : i32
      %parallel_loop3A_220 = vector.broadcast %parallel_loop3A_219 : i32 to vector<16xi32>
      %parallel_loop3A_221 = arith.addi %parallel_loop3A_34, %parallel_loop3A_220 : vector<16xi32>
      %parallel_loop3A_222 = tpu.vector_load_idx %arg6[%parallel_loop3A_221] : memref<32000xf32, #tpu.memory_space<vmem>>[vector<16xi32>], vector<16xf32>,
      %parallel_loop3A_223 = arith.constant 1.000000e+00 : f32
      %parallel_loop3A_224 = vector.broadcast %parallel_loop3A_223 : f32 to vector<16xf32>
      %parallel_loop3A_225 = arith.subf %parallel_loop3A_224, %parallel_loop3A_28 : vector<16xf32>
      %parallel_loop3A_226 = arith.mulf %parallel_loop3A_218, %parallel_loop3A_225 : vector<16xf32>
      %parallel_loop3A_227 = arith.mulf %parallel_loop3A_222, %parallel_loop3A_28 : vector<16xf32>
      %parallel_loop3A_228 = arith.addf %parallel_loop3A_226, %parallel_loop3A_227 : vector<16xf32>
      %parallel_loop3A_229 = arith.constant 16 : i32
      %parallel_loop3A_230 = arith.muli %parallel_loop3A_12, %parallel_loop3A_229 : i32
      %parallel_loop3A_231 = arith.constant 9 : i32
      %parallel_loop3A_232 = arith.index_cast %parallel_loop3A_231 : i32 to index
      %parallel_loop3A_233 = arith.index_cast %parallel_loop3A_230 : i32 to index
      %parallel_loop3A_234 = tpu.vector_load %arg7[%parallel_loop3A_232, %parallel_loop3A_233] {strides = array<i32>} : memref<16x3200xf32, #tpu.memory_space<vmem>>, vector<16xf32>,
      tpu.vector_store %arg7[%parallel_loop3A_232, %parallel_loop3A_233], %parallel_loop3A_228 {strides = array<i32>} : memref<16x3200xf32, #tpu.memory_space<vmem>>, vector<16xf32>,
      %parallel_loop3A_235 = arith.constant 20000 : i32
      %parallel_loop3A_236 = vector.broadcast %parallel_loop3A_235 : i32 to vector<16xi32>
      %parallel_loop3A_237 = arith.addi %parallel_loop3A_26, %parallel_loop3A_236 : vector<16xi32>
      %parallel_loop3A_238 = tpu.vector_load_idx %arg6[%parallel_loop3A_237] : memref<32000xf32, #tpu.memory_space<vmem>>[vector<16xi32>], vector<16xf32>,
      %parallel_loop3A_239 = arith.constant 20000 : i32
      %parallel_loop3A_240 = vector.broadcast %parallel_loop3A_239 : i32 to vector<16xi32>
      %parallel_loop3A_241 = arith.addi %parallel_loop3A_34, %parallel_loop3A_240 : vector<16xi32>
      %parallel_loop3A_242 = tpu.vector_load_idx %arg6[%parallel_loop3A_241] : memref<32000xf32, #tpu.memory_space<vmem>>[vector<16xi32>], vector<16xf32>,
      %parallel_loop3A_243 = arith.constant 1.000000e+00 : f32
      %parallel_loop3A_244 = vector.broadcast %parallel_loop3A_243 : f32 to vector<16xf32>
      %parallel_loop3A_245 = arith.subf %parallel_loop3A_244, %parallel_loop3A_28 : vector<16xf32>
      %parallel_loop3A_246 = arith.mulf %parallel_loop3A_238, %parallel_loop3A_245 : vector<16xf32>
      %parallel_loop3A_247 = arith.mulf %parallel_loop3A_242, %parallel_loop3A_28 : vector<16xf32>
      %parallel_loop3A_248 = arith.addf %parallel_loop3A_246, %parallel_loop3A_247 : vector<16xf32>
      %parallel_loop3A_249 = arith.constant 16 : i32
      %parallel_loop3A_250 = arith.muli %parallel_loop3A_12, %parallel_loop3A_249 : i32
      %parallel_loop3A_251 = arith.constant 10 : i32
      %parallel_loop3A_252 = arith.index_cast %parallel_loop3A_251 : i32 to index
      %parallel_loop3A_253 = arith.index_cast %parallel_loop3A_250 : i32 to index
      %parallel_loop3A_254 = tpu.vector_load %arg7[%parallel_loop3A_252, %parallel_loop3A_253] {strides = array<i32>} : memref<16x3200xf32, #tpu.memory_space<vmem>>, vector<16xf32>,
      tpu.vector_store %arg7[%parallel_loop3A_252, %parallel_loop3A_253], %parallel_loop3A_248 {strides = array<i32>} : memref<16x3200xf32, #tpu.memory_space<vmem>>, vector<16xf32>,
      %parallel_loop3A_255 = arith.constant 22000 : i32
      %parallel_loop3A_256 = vector.broadcast %parallel_loop3A_255 : i32 to vector<16xi32>
      %parallel_loop3A_257 = arith.addi %parallel_loop3A_26, %parallel_loop3A_256 : vector<16xi32>
      %parallel_loop3A_258 = tpu.vector_load_idx %arg6[%parallel_loop3A_257] : memref<32000xf32, #tpu.memory_space<vmem>>[vector<16xi32>], vector<16xf32>,
      %parallel_loop3A_259 = arith.constant 22000 : i32
      %parallel_loop3A_260 = vector.broadcast %parallel_loop3A_259 : i32 to vector<16xi32>
      %parallel_loop3A_261 = arith.addi %parallel_loop3A_34, %parallel_loop3A_260 : vector<16xi32>
      %parallel_loop3A_262 = tpu.vector_load_idx %arg6[%parallel_loop3A_261] : memref<32000xf32, #tpu.memory_space<vmem>>[vector<16xi32>], vector<16xf32>,
      %parallel_loop3A_263 = arith.constant 1.000000e+00 : f32
      %parallel_loop3A_264 = vector.broadcast %parallel_loop3A_263 : f32 to vector<16xf32>
      %parallel_loop3A_265 = arith.subf %parallel_loop3A_264, %parallel_loop3A_28 : vector<16xf32>
      %parallel_loop3A_266 = arith.mulf %parallel_loop3A_258, %parallel_loop3A_265 : vector<16xf32>
      %parallel_loop3A_267 = arith.mulf %parallel_loop3A_262, %parallel_loop3A_28 : vector<16xf32>
      %parallel_loop3A_268 = arith.addf %parallel_loop3A_266, %parallel_loop3A_267 : vector<16xf32>
      %parallel_loop3A_269 = arith.constant 16 : i32
      %parallel_loop3A_270 = arith.muli %parallel_loop3A_12, %parallel_loop3A_269 : i32
      %parallel_loop3A_271 = arith.constant 11 : i32
      %parallel_loop3A_272 = arith.index_cast %parallel_loop3A_271 : i32 to index
      %parallel_loop3A_273 = arith.index_cast %parallel_loop3A_270 : i32 to index
      %parallel_loop3A_274 = tpu.vector_load %arg7[%parallel_loop3A_272, %parallel_loop3A_273] {strides = array<i32>} : memref<16x3200xf32, #tpu.memory_space<vmem>>, vector<16xf32>,
      tpu.vector_store %arg7[%parallel_loop3A_272, %parallel_loop3A_273], %parallel_loop3A_268 {strides = array<i32>} : memref<16x3200xf32, #tpu.memory_space<vmem>>, vector<16xf32>,
      %parallel_loop3A_275 = arith.constant 24000 : i32
      %parallel_loop3A_276 = vector.broadcast %parallel_loop3A_275 : i32 to vector<16xi32>
      %parallel_loop3A_277 = arith.addi %parallel_loop3A_26, %parallel_loop3A_276 : vector<16xi32>
      %parallel_loop3A_278 = tpu.vector_load_idx %arg6[%parallel_loop3A_277] : memref<32000xf32, #tpu.memory_space<vmem>>[vector<16xi32>], vector<16xf32>,
      %parallel_loop3A_279 = arith.constant 24000 : i32
      %parallel_loop3A_280 = vector.broadcast %parallel_loop3A_279 : i32 to vector<16xi32>
      %parallel_loop3A_281 = arith.addi %parallel_loop3A_34, %parallel_loop3A_280 : vector<16xi32>
      %parallel_loop3A_282 = tpu.vector_load_idx %arg6[%parallel_loop3A_281] : memref<32000xf32, #tpu.memory_space<vmem>>[vector<16xi32>], vector<16xf32>,
      %parallel_loop3A_283 = arith.constant 1.000000e+00 : f32
      %parallel_loop3A_284 = vector.broadcast %parallel_loop3A_283 : f32 to vector<16xf32>
      %parallel_loop3A_285 = arith.subf %parallel_loop3A_284, %parallel_loop3A_28 : vector<16xf32>
      %parallel_loop3A_286 = arith.mulf %parallel_loop3A_278, %parallel_loop3A_285 : vector<16xf32>
      %parallel_loop3A_287 = arith.mulf %parallel_loop3A_282, %parallel_loop3A_28 : vector<16xf32>
      %parallel_loop3A_288 = arith.addf %parallel_loop3A_286, %parallel_loop3A_287 : vector<16xf32>
      %parallel_loop3A_289 = arith.constant 16 : i32
      %parallel_loop3A_290 = arith.muli %parallel_loop3A_12, %parallel_loop3A_289 : i32
      %parallel_loop3A_291 = arith.constant 12 : i32
      %parallel_loop3A_292 = arith.index_cast %parallel_loop3A_291 : i32 to index
      %parallel_loop3A_293 = arith.index_cast %parallel_loop3A_290 : i32 to index
      %parallel_loop3A_294 = tpu.vector_load %arg7[%parallel_loop3A_292, %parallel_loop3A_293] {strides = array<i32>} : memref<16x3200xf32, #tpu.memory_space<vmem>>, vector<16xf32>,
      tpu.vector_store %arg7[%parallel_loop3A_292, %parallel_loop3A_293], %parallel_loop3A_288 {strides = array<i32>} : memref<16x3200xf32, #tpu.memory_space<vmem>>, vector<16xf32>,
      %parallel_loop3A_295 = arith.constant 26000 : i32
      %parallel_loop3A_296 = vector.broadcast %parallel_loop3A_295 : i32 to vector<16xi32>
      %parallel_loop3A_297 = arith.addi %parallel_loop3A_26, %parallel_loop3A_296 : vector<16xi32>
      %parallel_loop3A_298 = tpu.vector_load_idx %arg6[%parallel_loop3A_297] : memref<32000xf32, #tpu.memory_space<vmem>>[vector<16xi32>], vector<16xf32>,
      %parallel_loop3A_299 = arith.constant 26000 : i32
      %parallel_loop3A_300 = vector.broadcast %parallel_loop3A_299 : i32 to vector<16xi32>
      %parallel_loop3A_301 = arith.addi %parallel_loop3A_34, %parallel_loop3A_300 : vector<16xi32>
      %parallel_loop3A_302 = tpu.vector_load_idx %arg6[%parallel_loop3A_301] : memref<32000xf32, #tpu.memory_space<vmem>>[vector<16xi32>], vector<16xf32>,
      %parallel_loop3A_303 = arith.constant 1.000000e+00 : f32
      %parallel_loop3A_304 = vector.broadcast %parallel_loop3A_303 : f32 to vector<16xf32>
      %parallel_loop3A_305 = arith.subf %parallel_loop3A_304, %parallel_loop3A_28 : vector<16xf32>
      %parallel_loop3A_306 = arith.mulf %parallel_loop3A_298, %parallel_loop3A_305 : vector<16xf32>
      %parallel_loop3A_307 = arith.mulf %parallel_loop3A_302, %parallel_loop3A_28 : vector<16xf32>
      %parallel_loop3A_308 = arith.addf %parallel_loop3A_306, %parallel_loop3A_307 : vector<16xf32>
      %parallel_loop3A_309 = arith.constant 16 : i32
      %parallel_loop3A_310 = arith.muli %parallel_loop3A_12, %parallel_loop3A_309 : i32
      %parallel_loop3A_311 = arith.constant 13 : i32
      %parallel_loop3A_312 = arith.index_cast %parallel_loop3A_311 : i32 to index
      %parallel_loop3A_313 = arith.index_cast %parallel_loop3A_310 : i32 to index
      %parallel_loop3A_314 = tpu.vector_load %arg7[%parallel_loop3A_312, %parallel_loop3A_313] {strides = array<i32>} : memref<16x3200xf32, #tpu.memory_space<vmem>>, vector<16xf32>,
      tpu.vector_store %arg7[%parallel_loop3A_312, %parallel_loop3A_313], %parallel_loop3A_308 {strides = array<i32>} : memref<16x3200xf32, #tpu.memory_space<vmem>>, vector<16xf32>,
      %parallel_loop3A_315 = arith.constant 28000 : i32
      %parallel_loop3A_316 = vector.broadcast %parallel_loop3A_315 : i32 to vector<16xi32>
      %parallel_loop3A_317 = arith.addi %parallel_loop3A_26, %parallel_loop3A_316 : vector<16xi32>
      %parallel_loop3A_318 = tpu.vector_load_idx %arg6[%parallel_loop3A_317] : memref<32000xf32, #tpu.memory_space<vmem>>[vector<16xi32>], vector<16xf32>,
      %parallel_loop3A_319 = arith.constant 28000 : i32
      %parallel_loop3A_320 = vector.broadcast %parallel_loop3A_319 : i32 to vector<16xi32>
      %parallel_loop3A_321 = arith.addi %parallel_loop3A_34, %parallel_loop3A_320 : vector<16xi32>
      %parallel_loop3A_322 = tpu.vector_load_idx %arg6[%parallel_loop3A_321] : memref<32000xf32, #tpu.memory_space<vmem>>[vector<16xi32>], vector<16xf32>,
      %parallel_loop3A_323 = arith.constant 1.000000e+00 : f32
      %parallel_loop3A_324 = vector.broadcast %parallel_loop3A_323 : f32 to vector<16xf32>
      %parallel_loop3A_325 = arith.subf %parallel_loop3A_324, %parallel_loop3A_28 : vector<16xf32>
      %parallel_loop3A_326 = arith.mulf %parallel_loop3A_318, %parallel_loop3A_325 : vector<16xf32>
      %parallel_loop3A_327 = arith.mulf %parallel_loop3A_322, %parallel_loop3A_28 : vector<16xf32>
      %parallel_loop3A_328 = arith.addf %parallel_loop3A_326, %parallel_loop3A_327 : vector<16xf32>
      %parallel_loop3A_329 = arith.constant 16 : i32
      %parallel_loop3A_330 = arith.muli %parallel_loop3A_12, %parallel_loop3A_329 : i32
      %parallel_loop3A_331 = arith.constant 14 : i32
      %parallel_loop3A_332 = arith.index_cast %parallel_loop3A_331 : i32 to index
      %parallel_loop3A_333 = arith.index_cast %parallel_loop3A_330 : i32 to index
      %parallel_loop3A_334 = tpu.vector_load %arg7[%parallel_loop3A_332, %parallel_loop3A_333] {strides = array<i32>} : memref<16x3200xf32, #tpu.memory_space<vmem>>, vector<16xf32>,
      tpu.vector_store %arg7[%parallel_loop3A_332, %parallel_loop3A_333], %parallel_loop3A_328 {strides = array<i32>} : memref<16x3200xf32, #tpu.memory_space<vmem>>, vector<16xf32>,
      %parallel_loop3A_335 = arith.constant 30000 : i32
      %parallel_loop3A_336 = vector.broadcast %parallel_loop3A_335 : i32 to vector<16xi32>
      %parallel_loop3A_337 = arith.addi %parallel_loop3A_26, %parallel_loop3A_336 : vector<16xi32>
      %parallel_loop3A_338 = tpu.vector_load_idx %arg6[%parallel_loop3A_337] : memref<32000xf32, #tpu.memory_space<vmem>>[vector<16xi32>], vector<16xf32>,
      %parallel_loop3A_339 = arith.constant 30000 : i32
      %parallel_loop3A_340 = vector.broadcast %parallel_loop3A_339 : i32 to vector<16xi32>
      %parallel_loop3A_341 = arith.addi %parallel_loop3A_34, %parallel_loop3A_340 : vector<16xi32>
      %parallel_loop3A_342 = tpu.vector_load_idx %arg6[%parallel_loop3A_341] : memref<32000xf32, #tpu.memory_space<vmem>>[vector<16xi32>], vector<16xf32>,
      %parallel_loop3A_343 = arith.constant 1.000000e+00 : f32
      %parallel_loop3A_344 = vector.broadcast %parallel_loop3A_343 : f32 to vector<16xf32>
      %parallel_loop3A_345 = arith.subf %parallel_loop3A_344, %parallel_loop3A_28 : vector<16xf32>
      %parallel_loop3A_346 = arith.mulf %parallel_loop3A_338, %parallel_loop3A_345 : vector<16xf32>
      %parallel_loop3A_347 = arith.mulf %parallel_loop3A_342, %parallel_loop3A_28 : vector<16xf32>
      %parallel_loop3A_348 = arith.addf %parallel_loop3A_346, %parallel_loop3A_347 : vector<16xf32>
      %parallel_loop3A_349 = arith.constant 16 : i32
      %parallel_loop3A_350 = arith.muli %parallel_loop3A_12, %parallel_loop3A_349 : i32
      %parallel_loop3A_351 = arith.constant 15 : i32
      %parallel_loop3A_352 = arith.index_cast %parallel_loop3A_351 : i32 to index
      %parallel_loop3A_353 = arith.index_cast %parallel_loop3A_350 : i32 to index
      %parallel_loop3A_354 = tpu.vector_load %arg7[%parallel_loop3A_352, %parallel_loop3A_353] {strides = array<i32>} : memref<16x3200xf32, #tpu.memory_space<vmem>>, vector<16xf32>,
      tpu.vector_store %arg7[%parallel_loop3A_352, %parallel_loop3A_353], %parallel_loop3A_348 {strides = array<i32>} : memref<16x3200xf32, #tpu.memory_space<vmem>>, vector<16xf32>,
    } {sc.loop_unroll_factor = 8 : i64, sc.parallel_access}
    "tpu.region"() ({
      %run_scoped3A = tpu.sem_alloc : memref<!tpu.dma_semaphore, #tpu.memory_space<semaphore_mem>>
      %dma_start3A = arith.constant 0 : i32
      %dma_start3A_12 = tpu.memref_slice %arg4[%dma_start3A, %add3A_8] : memref<16x204800xf32, #tpu.memory_space<hbm>> -> memref<16x3200xf32, #tpu.memory_space<hbm>>
      %dma_start3A_13 = arith.constant 0 : i32
      %dma_start3A_14 = tpu.memref_slice %arg4[%dma_start3A_13, %add3A_8] : memref<16x204800xf32, #tpu.memory_space<hbm>> -> memref<16x3200xf32, #tpu.memory_space<hbm>>
      tpu.enqueue_dma source(%arg7 : memref<16x3200xf32, #tpu.memory_space<vmem>>) target(%dma_start3A_14 : memref<16x3200xf32, #tpu.memory_space<hbm>>) target_semaphore(%run_scoped3A : memref<!tpu.dma_semaphore, #tpu.memory_space<semaphore_mem>>)
      %dma_wait3A = arith.constant 0 : i32
      %dma_wait3A_15 = tpu.memref_slice %arg4[%dma_wait3A, %add3A_8] : memref<16x204800xf32, #tpu.memory_space<hbm>> -> memref<16x3200xf32, #tpu.memory_space<hbm>>
      %dma_wait3A_16 = arith.constant 0 : i32
      %dma_wait3A_17 = tpu.memref_slice %arg4[%dma_wait3A_16, %add3A_8] : memref<16x204800xf32, #tpu.memory_space<hbm>> -> memref<16x3200xf32, #tpu.memory_space<hbm>>
      tpu.wait_dma2 semaphore(%run_scoped3A : memref<!tpu.dma_semaphore, #tpu.memory_space<semaphore_mem>>) src(%arg7 : memref<16x3200xf32, #tpu.memory_space<vmem>>) dst(%dma_wait3A_17 : memref<16x3200xf32, #tpu.memory_space<hbm>>)
      tpu.yield
    }) : () -> ()
    return
  }
}

module attributes {stable_mosaic.version = 14 : i64} {
  func.func @_tc_body(%arg0: i32, %arg1: memref<1x1x4096xi32, #tpu.memory_space<vmem>>, %arg2: memref<1x1x4096xi32, #tpu.memory_space<vmem>>, %arg3: memref<1x1x4096xf32, #tpu.memory_space<vmem>>, %arg4: memref<1x1x4096xf32, #tpu.memory_space<vmem>>, %arg5: memref<16x4096xf32, #tpu.memory_space<vmem>>, %arg6: memref<128x128xf32, #tpu.memory_space<vmem>>, %arg7: memref<128x128xf32, #tpu.memory_space<vmem>>, %arg8: memref<16x32xf32, #tpu.memory_space<vmem>>, %arg9: memref<320x512xf32, #tpu.memory_space<vmem>>, %arg10: memref<16x8xf32, #tpu.memory_space<vmem>>, %arg11: memref<32x8xf32, #tpu.memory_space<vmem>>, %arg12: memref<1x512xf32, #tpu.memory_space<vmem>>, %arg13: memref<4096x512xf32, #tpu.memory_space<vmem>>, %arg14: memref<328x512xbf16, #tpu.memory_space<vmem>>, %arg15: memref<328x4096xbf16, #tpu.memory_space<vmem>>) attributes {dimension_semantics = [#tpu.dimension_semantics<arbitrary>], iteration_bounds = array<i64: 50>, scalar_prefetch = 0 : i64, scratch_operands = 2 : i64, tpu.core_type = #tpu.core_type<tc>, window_params = [{transform_indices = @transform_0, window_bounds = array<i64: 1, 1, 4096>}, {transform_indices = @transform_1, window_bounds = array<i64: 1, 1, 4096>}, {transform_indices = @transform_2, window_bounds = array<i64: 1, 1, 4096>}, {transform_indices = @transform_3, window_bounds = array<i64: 1, 1, 4096>}, {transform_indices = @transform_4, window_bounds = array<i64: 16, 4096>}, {pipeline_mode = #tpu.pipeline_mode<synchronous>, transform_indices = @transform_5, window_bounds = array<i64: 128, 128>}, {pipeline_mode = #tpu.pipeline_mode<synchronous>, transform_indices = @transform_6, window_bounds = array<i64: 128, 128>}, {pipeline_mode = #tpu.pipeline_mode<synchronous>, transform_indices = @transform_7, window_bounds = array<i64: 16, 32>}, {pipeline_mode = #tpu.pipeline_mode<synchronous>, transform_indices = @transform_8, window_bounds = array<i64: 320, 512>}, {pipeline_mode = #tpu.pipeline_mode<synchronous>, transform_indices = @transform_9, window_bounds = array<i64: 16, 8>}, {pipeline_mode = #tpu.pipeline_mode<synchronous>, transform_indices = @transform_10, window_bounds = array<i64: 32, 8>}, {pipeline_mode = #tpu.pipeline_mode<synchronous>, transform_indices = @transform_11, window_bounds = array<i64: 1, 512>}, {transform_indices = @transform_12, window_bounds = array<i64: 4096, 512>}]} {
    %eq3A = arith.constant 0 : i32
    %eq3A_0 = arith.cmpi eq, %arg0, %eq3A : i32
    %convert_element_type3A = arith.extui %eq3A_0 : i1 to i32
    %cond3A = arith.constant 0 : i32
    %cond3A_1 = arith.cmpi ne, %convert_element_type3A, %cond3A : i32
    scf.if %cond3A_1 {
      %get3A_230 = arith.constant 0 : index
      %get3A_231 = arith.constant 0 : index
      %get3A_232 = vector.load %arg9[%get3A_230, %get3A_231] : memref<320x512xf32, #tpu.memory_space<vmem>>, vector<320x512xf32>
      %get3A_233 = arith.constant 0 : index
      %get3A_234 = arith.constant 0 : index
      %get3A_235 = vector.load %arg6[%get3A_233, %get3A_234] : memref<128x128xf32, #tpu.memory_space<vmem>>, vector<128x128xf32>
      %slice3A = vector.extract_strided_slice %get3A_232 {offsets = [0, 0], sizes = [128, 512], strides = [1, 1]} : vector<320x512xf32> to vector<128x512xf32>
      %dot_general3A_236 = arith.constant dense<0.000000e+00> : vector<128x512xf32>
      %dot_general3A_237 = tpu.matmul %get3A_235, %slice3A, %dot_general3A_236 {dimension_numbers = #tpu.dot_dimension_numbers<[1], [0], [0], [1], [0, 0, 1, 1], [], []>, transpose_lhs_hint = false} : vector<128x128xf32>, vector<128x512xf32>, vector<128x512xf32> -> vector<128x512xf32>
      %get3A_238 = arith.constant 0 : index
      %get3A_239 = arith.constant 0 : index
      %get3A_240 = vector.load %arg7[%get3A_238, %get3A_239] : memref<128x128xf32, #tpu.memory_space<vmem>>, vector<128x128xf32>
      %slice3A_241 = vector.extract_strided_slice %get3A_232 {offsets = [128, 0], sizes = [128, 512], strides = [1, 1]} : vector<320x512xf32> to vector<128x512xf32>
      %dot_general3A_242 = arith.constant dense<0.000000e+00> : vector<128x512xf32>
      %dot_general3A_243 = tpu.matmul %get3A_240, %slice3A_241, %dot_general3A_242 {dimension_numbers = #tpu.dot_dimension_numbers<[1], [0], [0], [1], [0, 0, 1, 1], [], []>, transpose_lhs_hint = false} : vector<128x128xf32>, vector<128x512xf32>, vector<128x512xf32> -> vector<128x512xf32>
      %convert_element_type3A_244 = arith.truncf %dot_general3A_237 : vector<128x512xf32> to vector<128x512xbf16>
      %swap3A_245 = arith.constant 0 : index
      %swap3A_246 = arith.constant 0 : index
      %swap3A_247 = vector.load %arg14[%swap3A_245, %swap3A_246] : memref<328x512xbf16, #tpu.memory_space<vmem>>, vector<128x512xbf16>
      tpu.vector_store %arg14[%swap3A_245, %swap3A_246], %convert_element_type3A_244 {strides = array<i32>} : memref<328x512xbf16, #tpu.memory_space<vmem>>, vector<128x512xbf16>,
      %convert_element_type3A_248 = arith.truncf %dot_general3A_243 : vector<128x512xf32> to vector<128x512xbf16>
      %swap3A_249 = arith.constant 128 : index
      %swap3A_250 = arith.constant 0 : index
      %swap3A_251 = vector.load %arg14[%swap3A_249, %swap3A_250] : memref<328x512xbf16, #tpu.memory_space<vmem>>, vector<128x512xbf16>
      tpu.vector_store %arg14[%swap3A_249, %swap3A_250], %convert_element_type3A_248 {strides = array<i32>} : memref<328x512xbf16, #tpu.memory_space<vmem>>, vector<128x512xbf16>,
      %slice3A_252 = vector.extract_strided_slice %get3A_232 {offsets = [256, 0], sizes = [32, 512], strides = [1, 1]} : vector<320x512xf32> to vector<32x512xf32>
      %convert_element_type3A_253 = arith.truncf %slice3A_252 : vector<32x512xf32> to vector<32x512xbf16>
      %swap3A_254 = arith.constant 256 : index
      %swap3A_255 = arith.constant 0 : index
      %swap3A_256 = vector.load %arg14[%swap3A_254, %swap3A_255] : memref<328x512xbf16, #tpu.memory_space<vmem>>, vector<32x512xbf16>
      tpu.vector_store %arg14[%swap3A_254, %swap3A_255], %convert_element_type3A_253 {strides = array<i32>} : memref<328x512xbf16, #tpu.memory_space<vmem>>, vector<32x512xbf16>,
      %slice3A_257 = vector.extract_strided_slice %get3A_232 {offsets = [288, 0], sizes = [32, 512], strides = [1, 1]} : vector<320x512xf32> to vector<32x512xf32>
      %mul3A_258 = arith.constant 0.176776692 : f32
      %mul3A_259 = vector.broadcast %mul3A_258 : f32 to vector<32x512xf32>
      %mul3A_260 = arith.mulf %slice3A_257, %mul3A_259 : vector<32x512xf32>
      %convert_element_type3A_261 = arith.truncf %mul3A_260 : vector<32x512xf32> to vector<32x512xbf16>
      %swap3A_262 = arith.constant 288 : index
      %swap3A_263 = arith.constant 0 : index
      %swap3A_264 = vector.load %arg14[%swap3A_262, %swap3A_263] : memref<328x512xbf16, #tpu.memory_space<vmem>>, vector<32x512xbf16>
      tpu.vector_store %arg14[%swap3A_262, %swap3A_263], %convert_element_type3A_261 {strides = array<i32>} : memref<328x512xbf16, #tpu.memory_space<vmem>>, vector<32x512xbf16>,
      %iota3A_265 = tpu.iota {dimensions = array<i32: 0>} : vector<8x512xi32>
      %eq3A_266 = arith.constant 0 : i32
      %eq3A_267 = vector.broadcast %eq3A_266 : i32 to vector<8x512xi32>
      %eq3A_268 = arith.cmpi eq, %iota3A_265, %eq3A_267 : vector<8x512xi32>
      %get3A_269 = arith.constant 0 : index
      %get3A_270 = arith.constant 0 : index
      %get3A_271 = vector.load %arg12[%get3A_269, %get3A_270] : memref<1x512xf32, #tpu.memory_space<vmem>>, vector<1x512xf32>
      %jit3A_272 = arith.constant 0.000000e+00 : f32
      %broadcast_in_dim3A_273 = vector.shape_cast %get3A_271 : vector<1x512xf32> to vector<1x512xf32>
      %broadcast_in_dim3A_274 = vector.broadcast %broadcast_in_dim3A_273 : vector<1x512xf32> to vector<8x512xf32>
      %broadcast_in_dim3A_275 = vector.broadcast %jit3A_272 : f32 to vector<8x512xf32>
      %select_n3A_276 = arith.select %eq3A_268, %broadcast_in_dim3A_274, %broadcast_in_dim3A_275 : vector<8x512xi1>, vector<8x512xf32>
      %convert_element_type3A_277 = arith.truncf %select_n3A_276 : vector<8x512xf32> to vector<8x512xbf16>
      %swap3A_278 = arith.constant 320 : index
      %swap3A_279 = arith.constant 0 : index
      %swap3A_280 = vector.load %arg14[%swap3A_278, %swap3A_279] : memref<328x512xbf16, #tpu.memory_space<vmem>>, vector<8x512xbf16>
      tpu.vector_store %arg14[%swap3A_278, %swap3A_279], %convert_element_type3A_277 {strides = array<i32>} : memref<328x512xbf16, #tpu.memory_space<vmem>>, vector<8x512xbf16>,
      %iota3A_281 = tpu.iota {dimensions = array<i32: 0>} : vector<8x4096xi32>
      %eq3A_282 = arith.constant 0 : i32
      %eq3A_283 = vector.broadcast %eq3A_282 : i32 to vector<8x4096xi32>
      %eq3A_284 = arith.cmpi eq, %iota3A_281, %eq3A_283 : vector<8x4096xi32>
      %convert_element_type3A_285 = arith.extui %eq3A_284 : vector<8x4096xi1> to vector<8x4096xi32>
      %convert_element_type3A_286 = arith.sitofp %convert_element_type3A_285 : vector<8x4096xi32> to vector<8x4096xf32>
      %convert_element_type3A_287 = arith.truncf %convert_element_type3A_286 : vector<8x4096xf32> to vector<8x4096xbf16>
      %swap3A_288 = arith.constant 320 : index
      %swap3A_289 = arith.constant 0 : index
      %swap3A_290 = vector.load %arg15[%swap3A_288, %swap3A_289] : memref<328x4096xbf16, #tpu.memory_space<vmem>>, vector<8x4096xbf16>
      tpu.vector_store %arg15[%swap3A_288, %swap3A_289], %convert_element_type3A_287 {strides = array<i32>} : memref<328x4096xbf16, #tpu.memory_space<vmem>>, vector<8x4096xbf16>,
    } else {
    }
    %get3A = arith.constant 0 : index
    %get3A_2 = arith.constant 0 : index
    %get3A_3 = arith.constant 0 : index
    %get3A_4 = vector.load %arg1[%get3A, %get3A_2, %get3A_3] : memref<1x1x4096xi32, #tpu.memory_space<vmem>>, vector<1x1x4096xi32>
    %get3A_5 = vector.shape_cast %get3A_4 : vector<1x1x4096xi32> to vector<1x4096xi32>
    %get3A_6 = arith.constant 0 : index
    %get3A_7 = arith.constant 0 : index
    %get3A_8 = arith.constant 0 : index
    %get3A_9 = vector.load %arg2[%get3A_6, %get3A_7, %get3A_8] : memref<1x1x4096xi32, #tpu.memory_space<vmem>>, vector<1x1x4096xi32>
    %get3A_10 = vector.shape_cast %get3A_9 : vector<1x1x4096xi32> to vector<1x4096xi32>
    %get3A_11 = arith.constant 0 : index
    %get3A_12 = arith.constant 0 : index
    %get3A_13 = arith.constant 0 : index
    %get3A_14 = vector.load %arg3[%get3A_11, %get3A_12, %get3A_13] : memref<1x1x4096xf32, #tpu.memory_space<vmem>>, vector<1x1x4096xf32>
    %get3A_15 = vector.shape_cast %get3A_14 : vector<1x1x4096xf32> to vector<1x4096xf32>
    %get3A_16 = arith.constant 0 : index
    %get3A_17 = arith.constant 0 : index
    %get3A_18 = arith.constant 0 : index
    %get3A_19 = vector.load %arg4[%get3A_16, %get3A_17, %get3A_18] : memref<1x1x4096xf32, #tpu.memory_space<vmem>>, vector<1x1x4096xf32>
    %get3A_20 = vector.shape_cast %get3A_19 : vector<1x1x4096xf32> to vector<1x4096xf32>
    %iota3A = tpu.iota {dimensions = array<i32: 0>} : vector<128x1xi32>
    %convert_element_type3A_21 = arith.sitofp %iota3A : vector<128x1xi32> to vector<128x1xf32>
    %convert_element_type3A_22 = arith.truncf %convert_element_type3A_21 : vector<128x1xf32> to vector<128x1xbf16>
    %jit3A = arith.constant 0 : i32
    %jit3A_23 = arith.constant 127 : i32
    %max3A = vector.broadcast %jit3A : i32 to vector<1x4096xi32>
    %max3A_24 = arith.maxsi %max3A, %get3A_5 : vector<1x4096xi32>
    %min3A = vector.broadcast %jit3A_23 : i32 to vector<1x4096xi32>
    %min3A_25 = arith.minsi %min3A, %max3A_24 : vector<1x4096xi32>
    %convert_element_type3A_26 = arith.sitofp %min3A_25 : vector<1x4096xi32> to vector<1x4096xf32>
    %convert_element_type3A_27 = arith.truncf %convert_element_type3A_26 : vector<1x4096xf32> to vector<1x4096xbf16>
    %jit3A_28 = arith.constant 0 : i32
    %jit3A_29 = arith.constant 127 : i32
    %max3A_30 = vector.broadcast %jit3A_28 : i32 to vector<1x4096xi32>
    %max3A_31 = arith.maxsi %max3A_30, %get3A_10 : vector<1x4096xi32>
    %min3A_32 = vector.broadcast %jit3A_29 : i32 to vector<1x4096xi32>
    %min3A_33 = arith.minsi %min3A_32, %max3A_31 : vector<1x4096xi32>
    %convert_element_type3A_34 = arith.sitofp %min3A_33 : vector<1x4096xi32> to vector<1x4096xf32>
    %convert_element_type3A_35 = arith.truncf %convert_element_type3A_34 : vector<1x4096xf32> to vector<1x4096xbf16>
    %eq3A_36 = vector.broadcast %convert_element_type3A_22 : vector<128x1xbf16> to vector<128x4096xbf16>
    %eq3A_37 = vector.broadcast %convert_element_type3A_27 : vector<1x4096xbf16> to vector<128x4096xbf16>
    %eq3A_38 = arith.cmpf oeq, %eq3A_36, %eq3A_37 : vector<128x4096xbf16>
    %jit3A_39 = arith.constant 1.000000e+00 : bf16
    %jit3A_40 = arith.constant 0.000000e+00 : bf16
    %broadcast_in_dim3A = vector.broadcast %jit3A_39 : bf16 to vector<128x4096xbf16>
    %broadcast_in_dim3A_41 = vector.broadcast %jit3A_40 : bf16 to vector<128x4096xbf16>
    %select_n3A = arith.select %eq3A_38, %broadcast_in_dim3A, %broadcast_in_dim3A_41 : vector<128x4096xi1>, vector<128x4096xbf16>
    %swap3A = arith.constant 0 : index
    %swap3A_42 = arith.constant 0 : index
    %swap3A_43 = vector.load %arg15[%swap3A, %swap3A_42] : memref<328x4096xbf16, #tpu.memory_space<vmem>>, vector<128x4096xbf16>
    tpu.vector_store %arg15[%swap3A, %swap3A_42], %select_n3A {strides = array<i32>} : memref<328x4096xbf16, #tpu.memory_space<vmem>>, vector<128x4096xbf16>,
    %eq3A_44 = vector.broadcast %convert_element_type3A_22 : vector<128x1xbf16> to vector<128x4096xbf16>
    %eq3A_45 = vector.broadcast %convert_element_type3A_35 : vector<1x4096xbf16> to vector<128x4096xbf16>
    %eq3A_46 = arith.cmpf oeq, %eq3A_44, %eq3A_45 : vector<128x4096xbf16>
    %jit3A_47 = arith.constant 1.000000e+00 : bf16
    %jit3A_48 = arith.constant 0.000000e+00 : bf16
    %broadcast_in_dim3A_49 = vector.broadcast %jit3A_47 : bf16 to vector<128x4096xbf16>
    %broadcast_in_dim3A_50 = vector.broadcast %jit3A_48 : bf16 to vector<128x4096xbf16>
    %select_n3A_51 = arith.select %eq3A_46, %broadcast_in_dim3A_49, %broadcast_in_dim3A_50 : vector<128x4096xi1>, vector<128x4096xbf16>
    %swap3A_52 = arith.constant 128 : index
    %swap3A_53 = arith.constant 0 : index
    %swap3A_54 = vector.load %arg15[%swap3A_52, %swap3A_53] : memref<328x4096xbf16, #tpu.memory_space<vmem>>, vector<128x4096xbf16>
    tpu.vector_store %arg15[%swap3A_52, %swap3A_53], %select_n3A_51 {strides = array<i32>} : memref<328x4096xbf16, #tpu.memory_space<vmem>>, vector<128x4096xbf16>,
    %mul3A = arith.constant 2.500000e-01 : f32
    %mul3A_55 = vector.broadcast %mul3A : f32 to vector<1x4096xf32>
    %mul3A_56 = arith.mulf %get3A_15, %mul3A_55 : vector<1x4096xf32>
    %sub3A = arith.constant 1.000000e+00 : f32
    %sub3A_57 = vector.broadcast %sub3A : f32 to vector<1x4096xf32>
    %sub3A_58 = arith.subf %mul3A_56, %sub3A_57 : vector<1x4096xf32>
    %jit3A_59 = arith.constant -1.000000e+00 : f32
    %jit3A_60 = arith.constant 1.000000e+00 : f32
    %max3A_61 = vector.broadcast %jit3A_59 : f32 to vector<1x4096xf32>
    %max3A_62 = arith.maximumf %max3A_61, %sub3A_58 : vector<1x4096xf32>
    %min3A_63 = vector.broadcast %jit3A_60 : f32 to vector<1x4096xf32>
    %min3A_64 = arith.minimumf %min3A_63, %max3A_62 : vector<1x4096xf32>
    %get3A_65 = arith.constant 0 : index
    %get3A_66 = arith.constant 0 : index
    %get3A_67 = vector.load %arg10[%get3A_65, %get3A_66] : memref<16x8xf32, #tpu.memory_space<vmem>>, vector<16x1xf32>
    %get3A_68 = arith.constant 0 : index
    %get3A_69 = arith.constant 1 : index
    %get3A_70 = vector.load %arg10[%get3A_68, %get3A_69] : memref<16x8xf32, #tpu.memory_space<vmem>>, vector<16x1xf32>
    %get3A_71 = arith.constant 0 : index
    %get3A_72 = arith.constant 2 : index
    %get3A_73 = vector.load %arg10[%get3A_71, %get3A_72] : memref<16x8xf32, #tpu.memory_space<vmem>>, vector<16x1xf32>
    %get3A_74 = arith.constant 0 : index
    %get3A_75 = arith.constant 3 : index
    %get3A_76 = vector.load %arg10[%get3A_74, %get3A_75] : memref<16x8xf32, #tpu.memory_space<vmem>>, vector<16x1xf32>
    %mul3A_77 = vector.broadcast %get3A_67 : vector<16x1xf32> to vector<16x4096xf32>
    %mul3A_78 = vector.broadcast %min3A_64 : vector<1x4096xf32> to vector<16x4096xf32>
    %mul3A_79 = arith.mulf %mul3A_77, %mul3A_78 : vector<16x4096xf32>
    %add3A = vector.broadcast %get3A_70 : vector<16x1xf32> to vector<16x4096xf32>
    %add3A_80 = arith.addf %mul3A_79, %add3A : vector<16x4096xf32>
    %reduce_sum3A = arith.constant dense<0.000000e+00> : vector<4096xf32>
    %reduce_sum3A_81 = vector.multi_reduction <add>, %add3A_80, %reduce_sum3A [0] : vector<16x4096xf32> to vector<4096xf32>
    %broadcast_in_dim3A_82 = vector.shape_cast %reduce_sum3A_81 : vector<4096xf32> to vector<1x4096xf32>
    %div3A = arith.constant 1.600000e+01 : f32
    %div3A_83 = vector.broadcast %div3A : f32 to vector<1x4096xf32>
    %div3A_84 = arith.divf %broadcast_in_dim3A_82, %div3A_83 : vector<1x4096xf32>
    %sub3A_85 = vector.broadcast %div3A_84 : vector<1x4096xf32> to vector<16x4096xf32>
    %sub3A_86 = arith.subf %add3A_80, %sub3A_85 : vector<16x4096xf32>
    %sub3A_87 = vector.broadcast %div3A_84 : vector<1x4096xf32> to vector<16x4096xf32>
    %sub3A_88 = arith.subf %add3A_80, %sub3A_87 : vector<16x4096xf32>
    %mul3A_89 = arith.mulf %sub3A_86, %sub3A_88 : vector<16x4096xf32>
    %reduce_sum3A_90 = arith.constant dense<0.000000e+00> : vector<4096xf32>
    %reduce_sum3A_91 = vector.multi_reduction <add>, %mul3A_89, %reduce_sum3A_90 [0] : vector<16x4096xf32> to vector<4096xf32>
    %broadcast_in_dim3A_92 = vector.shape_cast %reduce_sum3A_91 : vector<4096xf32> to vector<1x4096xf32>
    %div3A_93 = arith.constant 1.600000e+01 : f32
    %div3A_94 = vector.broadcast %div3A_93 : f32 to vector<1x4096xf32>
    %div3A_95 = arith.divf %broadcast_in_dim3A_92, %div3A_94 : vector<1x4096xf32>
    %sub3A_96 = vector.broadcast %div3A_84 : vector<1x4096xf32> to vector<16x4096xf32>
    %sub3A_97 = arith.subf %add3A_80, %sub3A_96 : vector<16x4096xf32>
    %add3A_98 = arith.constant 9.99999974E-6 : f32
    %add3A_99 = vector.broadcast %add3A_98 : f32 to vector<1x4096xf32>
    %add3A_100 = arith.addf %div3A_95, %add3A_99 : vector<1x4096xf32>
    %rsqrt3A = math.rsqrt %add3A_100 : vector<1x4096xf32>
    %mul3A_101 = vector.broadcast %rsqrt3A : vector<1x4096xf32> to vector<16x4096xf32>
    %mul3A_102 = arith.mulf %sub3A_97, %mul3A_101 : vector<16x4096xf32>
    %mul3A_103 = vector.broadcast %get3A_73 : vector<16x1xf32> to vector<16x4096xf32>
    %mul3A_104 = arith.mulf %mul3A_102, %mul3A_103 : vector<16x4096xf32>
    %add3A_105 = vector.broadcast %get3A_76 : vector<16x1xf32> to vector<16x4096xf32>
    %add3A_106 = arith.addf %mul3A_104, %add3A_105 : vector<16x4096xf32>
    %max3A_107 = arith.constant 0.000000e+00 : f32
    %max3A_108 = vector.broadcast %max3A_107 : f32 to vector<16x4096xf32>
    %max3A_109 = arith.maximumf %add3A_106, %max3A_108 : vector<16x4096xf32>
    %get3A_110 = arith.constant 0 : index
    %get3A_111 = arith.constant 0 : index
    %get3A_112 = vector.load %arg8[%get3A_110, %get3A_111] : memref<16x32xf32, #tpu.memory_space<vmem>>, vector<16x32xf32>
    %dot_general3A = arith.constant dense<0.000000e+00> : vector<32x4096xf32>
    %dot_general3A_113 = tpu.matmul %get3A_112, %max3A_109, %dot_general3A {dimension_numbers = #tpu.dot_dimension_numbers<[0], [0], [1], [1], [0, 1, 1, 1], [], []>, transpose_lhs_hint = false} : vector<16x32xf32>, vector<16x4096xf32>, vector<32x4096xf32> -> vector<32x4096xf32>
    %get3A_114 = arith.constant 0 : index
    %get3A_115 = arith.constant 0 : index
    %get3A_116 = vector.load %arg11[%get3A_114, %get3A_115] : memref<32x8xf32, #tpu.memory_space<vmem>>, vector<32x1xf32>
    %add3A_117 = vector.broadcast %get3A_116 : vector<32x1xf32> to vector<32x4096xf32>
    %add3A_118 = arith.addf %dot_general3A_113, %add3A_117 : vector<32x4096xf32>
    %reduce_sum3A_119 = arith.constant dense<0.000000e+00> : vector<4096xf32>
    %reduce_sum3A_120 = vector.multi_reduction <add>, %add3A_118, %reduce_sum3A_119 [0] : vector<32x4096xf32> to vector<4096xf32>
    %broadcast_in_dim3A_121 = vector.shape_cast %reduce_sum3A_120 : vector<4096xf32> to vector<1x4096xf32>
    %div3A_122 = arith.constant 3.200000e+01 : f32
    %div3A_123 = vector.broadcast %div3A_122 : f32 to vector<1x4096xf32>
    %div3A_124 = arith.divf %broadcast_in_dim3A_121, %div3A_123 : vector<1x4096xf32>
    %sub3A_125 = vector.broadcast %div3A_124 : vector<1x4096xf32> to vector<32x4096xf32>
    %sub3A_126 = arith.subf %add3A_118, %sub3A_125 : vector<32x4096xf32>
    %sub3A_127 = vector.broadcast %div3A_124 : vector<1x4096xf32> to vector<32x4096xf32>
    %sub3A_128 = arith.subf %add3A_118, %sub3A_127 : vector<32x4096xf32>
    %mul3A_129 = arith.mulf %sub3A_126, %sub3A_128 : vector<32x4096xf32>
    %reduce_sum3A_130 = arith.constant dense<0.000000e+00> : vector<4096xf32>
    %reduce_sum3A_131 = vector.multi_reduction <add>, %mul3A_129, %reduce_sum3A_130 [0] : vector<32x4096xf32> to vector<4096xf32>
    %broadcast_in_dim3A_132 = vector.shape_cast %reduce_sum3A_131 : vector<4096xf32> to vector<1x4096xf32>
    %div3A_133 = arith.constant 3.200000e+01 : f32
    %div3A_134 = vector.broadcast %div3A_133 : f32 to vector<1x4096xf32>
    %div3A_135 = arith.divf %broadcast_in_dim3A_132, %div3A_134 : vector<1x4096xf32>
    %sub3A_136 = vector.broadcast %div3A_124 : vector<1x4096xf32> to vector<32x4096xf32>
    %sub3A_137 = arith.subf %add3A_118, %sub3A_136 : vector<32x4096xf32>
    %add3A_138 = arith.constant 9.99999974E-6 : f32
    %add3A_139 = vector.broadcast %add3A_138 : f32 to vector<1x4096xf32>
    %add3A_140 = arith.addf %div3A_135, %add3A_139 : vector<1x4096xf32>
    %rsqrt3A_141 = math.rsqrt %add3A_140 : vector<1x4096xf32>
    %mul3A_142 = vector.broadcast %rsqrt3A_141 : vector<1x4096xf32> to vector<32x4096xf32>
    %mul3A_143 = arith.mulf %sub3A_137, %mul3A_142 : vector<32x4096xf32>
    %get3A_144 = arith.constant 0 : index
    %get3A_145 = arith.constant 1 : index
    %get3A_146 = vector.load %arg11[%get3A_144, %get3A_145] : memref<32x8xf32, #tpu.memory_space<vmem>>, vector<32x1xf32>
    %mul3A_147 = vector.broadcast %get3A_146 : vector<32x1xf32> to vector<32x4096xf32>
    %mul3A_148 = arith.mulf %mul3A_143, %mul3A_147 : vector<32x4096xf32>
    %get3A_149 = arith.constant 0 : index
    %get3A_150 = arith.constant 2 : index
    %get3A_151 = vector.load %arg11[%get3A_149, %get3A_150] : memref<32x8xf32, #tpu.memory_space<vmem>>, vector<32x1xf32>
    %add3A_152 = vector.broadcast %get3A_151 : vector<32x1xf32> to vector<32x4096xf32>
    %add3A_153 = arith.addf %mul3A_148, %add3A_152 : vector<32x4096xf32>
    %convert_element_type3A_154 = arith.truncf %add3A_153 : vector<32x4096xf32> to vector<32x4096xbf16>
    %swap3A_155 = arith.constant 256 : index
    %swap3A_156 = arith.constant 0 : index
    %swap3A_157 = vector.load %arg15[%swap3A_155, %swap3A_156] : memref<328x4096xbf16, #tpu.memory_space<vmem>>, vector<32x4096xbf16>
    tpu.vector_store %arg15[%swap3A_155, %swap3A_156], %convert_element_type3A_154 {strides = array<i32>} : memref<328x4096xbf16, #tpu.memory_space<vmem>>, vector<32x4096xbf16>,
    %get3A_158 = arith.constant 0 : index
    %get3A_159 = arith.constant 0 : index
    %get3A_160 = vector.load %arg5[%get3A_158, %get3A_159] : memref<16x4096xf32, #tpu.memory_space<vmem>>, vector<16x4096xf32>
    %convert_element_type3A_161 = arith.truncf %get3A_160 : vector<16x4096xf32> to vector<16x4096xbf16>
    %swap3A_162 = arith.constant 288 : index
    %swap3A_163 = arith.constant 0 : index
    %swap3A_164 = vector.load %arg15[%swap3A_162, %swap3A_163] : memref<328x4096xbf16, #tpu.memory_space<vmem>>, vector<16x4096xbf16>
    tpu.vector_store %arg15[%swap3A_162, %swap3A_163], %convert_element_type3A_161 {strides = array<i32>} : memref<328x4096xbf16, #tpu.memory_space<vmem>>, vector<16x4096xbf16>,
    %jit3A_165 = arith.constant 0.000000e+00 : f32
    %jit3A_166 = arith.constant 1.000000e+03 : f32
    %max3A_167 = vector.broadcast %jit3A_165 : f32 to vector<1x4096xf32>
    %max3A_168 = arith.maximumf %max3A_167, %get3A_20 : vector<1x4096xf32>
    %min3A_169 = vector.broadcast %jit3A_166 : f32 to vector<1x4096xf32>
    %min3A_170 = arith.minimumf %min3A_169, %max3A_168 : vector<1x4096xf32>
    %mul3A_171 = arith.constant 1.000000e-01 : f32
    %mul3A_172 = vector.broadcast %mul3A_171 : f32 to vector<1x4096xf32>
    %mul3A_173 = arith.mulf %min3A_170, %mul3A_172 : vector<1x4096xf32>
    %iota3A_174 = tpu.iota {dimensions = array<i32: 0>} : vector<8x1xi32>
    %mul3A_175 = arith.constant 2 : i32
    %mul3A_176 = vector.broadcast %mul3A_175 : i32 to vector<8x1xi32>
    %mul3A_177 = arith.muli %iota3A_174, %mul3A_176 : vector<8x1xi32>
    %convert_element_type3A_178 = arith.sitofp %mul3A_177 : vector<8x1xi32> to vector<8x1xf32>
    %mul3A_179 = arith.constant -0.575646281 : f32
    %mul3A_180 = vector.broadcast %mul3A_179 : f32 to vector<8x1xf32>
    %mul3A_181 = arith.mulf %convert_element_type3A_178, %mul3A_180 : vector<8x1xf32>
    %exp3A = math.exp %mul3A_181 : vector<8x1xf32>
    %mul3A_182 = vector.broadcast %exp3A : vector<8x1xf32> to vector<8x4096xf32>
    %mul3A_183 = vector.broadcast %mul3A_173 : vector<1x4096xf32> to vector<8x4096xf32>
    %mul3A_184 = arith.mulf %mul3A_182, %mul3A_183 : vector<8x4096xf32>
    %sin3A = math.sin %mul3A_184 : vector<8x4096xf32>
    %mul3A_185 = arith.constant 0.318309873 : f32
    %mul3A_186 = vector.broadcast %mul3A_185 : f32 to vector<8x4096xf32>
    %mul3A_187 = arith.mulf %mul3A_184, %mul3A_186 : vector<8x4096xf32>
    %add3A_188 = arith.constant 5.000000e-01 : f32
    %add3A_189 = vector.broadcast %add3A_188 : f32 to vector<8x4096xf32>
    %add3A_190 = arith.addf %mul3A_187, %add3A_189 : vector<8x4096xf32>
    %floor3A = math.floor %add3A_190 : vector<8x4096xf32>
    %mul3A_191 = arith.constant 5.000000e-01 : f32
    %mul3A_192 = vector.broadcast %mul3A_191 : f32 to vector<8x4096xf32>
    %mul3A_193 = arith.mulf %floor3A, %mul3A_192 : vector<8x4096xf32>
    %floor3A_194 = math.floor %mul3A_193 : vector<8x4096xf32>
    %mul3A_195 = arith.constant 2.000000e+00 : f32
    %mul3A_196 = vector.broadcast %mul3A_195 : f32 to vector<8x4096xf32>
    %mul3A_197 = arith.mulf %mul3A_196, %floor3A_194 : vector<8x4096xf32>
    %sub3A_198 = arith.subf %floor3A, %mul3A_197 : vector<8x4096xf32>
    %mul3A_199 = arith.constant 2.000000e+00 : f32
    %mul3A_200 = vector.broadcast %mul3A_199 : f32 to vector<8x4096xf32>
    %mul3A_201 = arith.mulf %mul3A_200, %sub3A_198 : vector<8x4096xf32>
    %sub3A_202 = arith.constant 1.000000e+00 : f32
    %sub3A_203 = vector.broadcast %sub3A_202 : f32 to vector<8x4096xf32>
    %sub3A_204 = arith.subf %sub3A_203, %mul3A_201 : vector<8x4096xf32>
    %mul3A_205 = arith.mulf %sin3A, %sin3A : vector<8x4096xf32>
    %sub3A_206 = arith.constant 1.000000e+00 : f32
    %sub3A_207 = vector.broadcast %sub3A_206 : f32 to vector<8x4096xf32>
    %sub3A_208 = arith.subf %sub3A_207, %mul3A_205 : vector<8x4096xf32>
    %max3A_209 = arith.constant 0.000000e+00 : f32
    %max3A_210 = vector.broadcast %max3A_209 : f32 to vector<8x4096xf32>
    %max3A_211 = arith.maximumf %sub3A_208, %max3A_210 : vector<8x4096xf32>
    %sqrt3A = math.sqrt %max3A_211 : vector<8x4096xf32>
    %mul3A_212 = arith.mulf %sub3A_204, %sqrt3A : vector<8x4096xf32>
    %stack3A = vector.shape_cast %sin3A : vector<8x4096xf32> to vector<8x1x4096xf32>
    %stack3A_213 = vector.shape_cast %mul3A_212 : vector<8x4096xf32> to vector<8x1x4096xf32>
    %stack3A_214 = tpu.concatenate %stack3A, %stack3A_213 in 1 : vector<8x1x4096xf32>, vector<8x1x4096xf32> -> vector<8x2x4096xf32>
    %reshape3A = vector.shape_cast %stack3A_214 : vector<8x2x4096xf32> to vector<16x4096xf32>
    %convert_element_type3A_215 = arith.truncf %reshape3A : vector<16x4096xf32> to vector<16x4096xbf16>
    %swap3A_216 = arith.constant 304 : index
    %swap3A_217 = arith.constant 0 : index
    %swap3A_218 = vector.load %arg15[%swap3A_216, %swap3A_217] : memref<328x4096xbf16, #tpu.memory_space<vmem>>, vector<16x4096xbf16>
    tpu.vector_store %arg15[%swap3A_216, %swap3A_217], %convert_element_type3A_215 {strides = array<i32>} : memref<328x4096xbf16, #tpu.memory_space<vmem>>, vector<16x4096xbf16>,
    %get3A_219 = arith.constant 0 : index
    %get3A_220 = arith.constant 0 : index
    %get3A_221 = vector.load %arg15[%get3A_219, %get3A_220] : memref<328x4096xbf16, #tpu.memory_space<vmem>>, vector<328x4096xbf16>
    %get3A_222 = arith.constant 0 : index
    %get3A_223 = arith.constant 0 : index
    %get3A_224 = vector.load %arg14[%get3A_222, %get3A_223] : memref<328x512xbf16, #tpu.memory_space<vmem>>, vector<328x512xbf16>
    %dot_general3A_225 = arith.constant dense<0.000000e+00> : vector<4096x512xf32>
    %dot_general3A_226 = tpu.matmul %get3A_221, %get3A_224, %dot_general3A_225 {dimension_numbers = #tpu.dot_dimension_numbers<[0], [0], [1], [1], [0, 1, 1, 1], [], []>, transpose_lhs_hint = false} : vector<328x4096xbf16>, vector<328x512xbf16>, vector<4096x512xf32> -> vector<4096x512xf32>
    %swap3A_227 = arith.constant 0 : index
    %swap3A_228 = arith.constant 0 : index
    %swap3A_229 = vector.load %arg13[%swap3A_227, %swap3A_228] : memref<4096x512xf32, #tpu.memory_space<vmem>>, vector<4096x512xf32>
    tpu.vector_store %arg13[%swap3A_227, %swap3A_228], %dot_general3A_226 {strides = array<i32>} : memref<4096x512xf32, #tpu.memory_space<vmem>>, vector<4096x512xf32>,
    return
  }
  func.func @transform_0(%arg0: i32) -> (i32, i32, i32) {
    %c0_i32 = arith.constant 0 : i32
    %c0_i32_0 = arith.constant 0 : i32
    %c0_i32_1 = arith.constant 0 : i32
    return %arg0, %c0_i32, %c0_i32_0 : i32, i32, i32
  }
  func.func @transform_1(%arg0: i32) -> (i32, i32, i32) {
    %c0_i32 = arith.constant 0 : i32
    %c0_i32_0 = arith.constant 0 : i32
    %c0_i32_1 = arith.constant 0 : i32
    return %arg0, %c0_i32, %c0_i32_0 : i32, i32, i32
  }
  func.func @transform_2(%arg0: i32) -> (i32, i32, i32) {
    %c0_i32 = arith.constant 0 : i32
    %c0_i32_0 = arith.constant 0 : i32
    %c0_i32_1 = arith.constant 0 : i32
    return %arg0, %c0_i32, %c0_i32_0 : i32, i32, i32
  }
  func.func @transform_3(%arg0: i32) -> (i32, i32, i32) {
    %c0_i32 = arith.constant 0 : i32
    %c0_i32_0 = arith.constant 0 : i32
    %c0_i32_1 = arith.constant 0 : i32
    return %arg0, %c0_i32, %c0_i32_0 : i32, i32, i32
  }
  func.func @transform_4(%arg0: i32) -> (i32, i32) {
    %c0_i32 = arith.constant 0 : i32
    %c0_i32_0 = arith.constant 0 : i32
    return %c0_i32, %arg0 : i32, i32
  }
  func.func @transform_5(%arg0: i32) -> (i32, i32) {
    %c0_i32 = arith.constant 0 : i32
    %c0_i32_0 = arith.constant 0 : i32
    %c0_i32_1 = arith.constant 0 : i32
    return %c0_i32, %c0_i32_0 : i32, i32
  }
  func.func @transform_6(%arg0: i32) -> (i32, i32) {
    %c0_i32 = arith.constant 0 : i32
    %c0_i32_0 = arith.constant 0 : i32
    %c0_i32_1 = arith.constant 0 : i32
    return %c0_i32, %c0_i32_0 : i32, i32
  }
  func.func @transform_7(%arg0: i32) -> (i32, i32) {
    %c0_i32 = arith.constant 0 : i32
    %c0_i32_0 = arith.constant 0 : i32
    %c0_i32_1 = arith.constant 0 : i32
    return %c0_i32, %c0_i32_0 : i32, i32
  }
  func.func @transform_8(%arg0: i32) -> (i32, i32) {
    %c0_i32 = arith.constant 0 : i32
    %c0_i32_0 = arith.constant 0 : i32
    %c0_i32_1 = arith.constant 0 : i32
    return %c0_i32, %c0_i32_0 : i32, i32
  }
  func.func @transform_9(%arg0: i32) -> (i32, i32) {
    %c0_i32 = arith.constant 0 : i32
    %c0_i32_0 = arith.constant 0 : i32
    %c0_i32_1 = arith.constant 0 : i32
    return %c0_i32, %c0_i32_0 : i32, i32
  }
  func.func @transform_10(%arg0: i32) -> (i32, i32) {
    %c0_i32 = arith.constant 0 : i32
    %c0_i32_0 = arith.constant 0 : i32
    %c0_i32_1 = arith.constant 0 : i32
    return %c0_i32, %c0_i32_0 : i32, i32
  }
  func.func @transform_11(%arg0: i32) -> (i32, i32) {
    %c0_i32 = arith.constant 0 : i32
    %c0_i32_0 = arith.constant 0 : i32
    %c0_i32_1 = arith.constant 0 : i32
    return %c0_i32, %c0_i32_0 : i32, i32
  }
  func.func @transform_12(%arg0: i32) -> (i32, i32) {
    %c0_i32 = arith.constant 0 : i32
    %c0_i32_0 = arith.constant 0 : i32
    return %arg0, %c0_i32 : i32, i32
  }
}

</mosaic_0001>

<sc_bundles>
// kernel: kernel.4.cloned.1.call-start
scs
__scs_entry_jumppad:
0x0: {  	(pc) =	sbr.rel $0x88, $3  }
0x1: {  	(tag) =	ssettag $0x0;
	lr =	simm.s32 $0x1  }
0x2: {  	[smem:$0x3F90] =	sst lr;
	_ =	strace $0xD0000000  }
0x3: {  	_ = 	snop  }
0x4: {  	_ = 	snop  }
0x5: {  	_ = 	snop  }
0x6: {  	_ = 	snop  }
0x7: {  	_ = 	snop  }
__scs_overlays_trampoline_lowered:
0x8: {  	[smem:$0x3F9F] =	sst s0  }
0x9: {  	[smem:$0x3FA0] =	sst s1  }
0xa: {  	[smem:$0x3FA1] =	sst s2  }
0xb: {  	[smem:$0x3FA2] =	sst s3  }
0xc: {  	[smem:$0x3FA3] =	sst s4  }
0xd: {  	[smem:$0x3FA4] =	sst s5  }
0xe: {  	[smem:$0x3FA5] =	sst s6  }
0xf: {  	[smem:$0x3FA6] =	sst s7  }
0x10: {  	[smem:$0x3FA7] =	sst s8  }
0x11: {  	[smem:$0x3FA8] =	sst s9;
	s0 =	simm.s32 @!p0 $0x0  }
0x12: {  	s1 =	sld [smem:$0x3F8E];
	s0 =	simm.s32 @p0 $0x1  }
0x13: {  	[smem:$0x3FA9] =	sst s0;
	s0 =	simm.s32 @!p1 $0x0  }
0x14: {  	s2 =	sld [smem:$0x3F8D];
	s0 =	simm.s32 @p1 $0x1  }
0x15: {  	[smem:$0x3FAA] =	sst s0;
	s0 =	simm.s32 @!p2 $0x0  }
0x16: {  	s3 =	sld [smem:$0x3FDB];
	s0 =	simm.s32 @p2 $0x1  }
0x17: {  	s4 =	simm.s32 $0x1BF5;
	[smem:$0x3FAC] =	sst s0  }
0x18: {  	s0 =	sld [smem:$0x3F8F];
	_ =	swait.ge [sflag:s4], $0x0  }
0x19: {  	s7 =	sld [smem:$0x3F90]  }
0x1a: {  	s8 =	sadd.s32 $0xFFFFE003, lr  }
0x1b: {  	s9 =	sadd.s32 $0xFFFFFEF7, lr;
	s5 =	simm.s32 $0xFFFFFFFF;
	p2 =	slt.u32 s8, $0xFFFFF086  }
0x1c: {  	p1 =	slt.u32 s9, $0xF7A;
	s5 =	simm.s32 @!p2 $0x0  }
0x1d: {  	s5 =	simm.s32 @p1 $0x1;
	p0 =	seq.s32 s7, s2  }
0x1e: {  	s7 =	smul.u32 @!p0 $0xF7A, s2;
	p2 =	seq.s32 @!p0 s5, $0x0  }
0x1f: {  	s9 =	smul.u32 $0xF7A, s1;
	s8 =	simm.s32 @!p0 $0x1BF5;
	p2 =	por !p2, p0  }
0x20: {  	[sflag:s8] =	ssyncset.s32 @!p0 $0xFFFFF086;
	s6 =	sadd.s32 @!p0 s3, s7;
	s7 =	simm.s32 @!p0 $0x108  }
0x21: {  	s3 =	sadd.s32 s3, s9;
	s6 =	sadd.s32 @!p0 $0x88, s6;
	s7 =	simm.s32 @p2 $0x1082  }
0x22: {  	[simem:s7], [sflag:s8] =	dma.local @!p0 [hbm:s6], $0xF7A  }
0x23: {  	s9 =	sor.u32 $0xD0000000, s2;
	s6 =	simm.s32 $0x108;
	_ =	swait.ge @!p0 [sflag:s8], $0x0  }
0x24: {  	s3 =	sadd.s32 $0x88, s3;
	s6 =	simm.s32 @!p1 $0x1082;
	[sflag:s4] =	ssyncset.s32 $0xFFFFF086  }
0x25: {  	[simem:s6], [sflag:s4] =	dma.local [hbm:s3], $0xF7A  }
0x26: {  	[smem:$0x3F90] =	sst s1;
	(tag) =	ssettag s2;
	_ =	strace s9  }
0x27: {  	s1 =	sld [smem:$0x3FA0]  }
0x28: {  	s2 =	sld [smem:$0x3FA1]  }
0x29: {  	s4 =	sld [smem:$0x3FA3]  }
0x2a: {  	p0 =	seq.s32 s5, $0x0;
	s5 =	sld [smem:$0x3FA4]  }
0x2b: {  	s6 =	sld [smem:$0x3FA5]  }
0x2c: {  	s7 =	sld [smem:$0x3FA6]  }
0x2d: {  	s3 =	simm.s32 $0x108;
	s8 =	sld [smem:$0x3FA7]  }
0x2e: {  	s3 =	simm.s32 @!p0 $0x1082;
	s9 =	sld [smem:$0x3FA8]  }
0x2f: {  	lr =	sadd.s32 s0, s3;
	s0 =	sld [smem:$0x3F9F]  }
0x30: {  	s3 =	sld [smem:$0x3FA2]  }
0x31: {  	[smem:$0x3FAB] =	sst s10  }
0x32: {  	s10 =	sld [smem:$0x3FA9];
	_ =	sdelay $0x3  }
0x33: {  	p0 =	seq.s32 s10, $0x1;
	s10 =	sld [smem:$0x3FAB];
	_ =	sdelay $0x3  }
0x34: {  	[smem:$0x3FAB] =	sst s10  }
0x35: {  	s10 =	sld [smem:$0x3FAA];
	_ =	sdelay $0x3  }
0x36: {  	p1 =	seq.s32 s10, $0x1;
	s10 =	sld [smem:$0x3FAB];
	_ =	sdelay $0x3  }
0x37: {  	[smem:$0x3FAB] =	sst s10  }
0x38: {  	s10 =	sld [smem:$0x3FAC]  }
0x39: {  	_ = 	snop;
	(pc) =	sbr.ind lr, $3  }
0x3a: {  	_ = 	snop  }
0x3b: {  	_ = 	snop  }
0x3c: {  	p2 =	seq.s32 s10, $0x1;
	s10 =	sld [smem:$0x3FAB]  }
0x3d: {  	_ =	shalt  }
0x3e: {  	_ =	shalt  }
0x3f: {  	_ =	shalt  }
0x40: {  	_ =	shalt  }
0x41: {  	_ =	shalt  }
0x42: {  	_ =	shalt  }
0x43: {  	_ =	shalt  }
0x44: {  	_ =	shalt  }
0x45: {  	_ =	shalt  }
0x46: {  	_ =	shalt  }
0x47: {  	_ =	shalt  }
0x48: {  	_ =	shalt  }
0x49: {  	_ =	shalt  }
0x4a: {  	_ =	shalt  }
0x4b: {  	_ =	shalt  }
0x4c: {  	_ =	shalt  }
0x4d: {  	_ =	shalt  }
0x4e: {  	_ =	shalt  }
0x4f: {  	_ =	shalt  }
0x50: {  	_ =	shalt  }
0x51: {  	_ =	shalt  }
0x52: {  	_ =	shalt  }
0x53: {  	_ =	shalt  }
0x54: {  	_ =	shalt  }
0x55: {  	_ =	shalt  }
0x56: {  	_ =	shalt  }
0x57: {  	_ =	shalt  }
0x58: {  	_ =	shalt  }
0x59: {  	_ =	shalt  }
0x5a: {  	_ =	shalt  }
0x5b: {  	_ =	shalt  }
0x5c: {  	_ =	shalt  }
0x5d: {  	_ =	shalt  }
0x5e: {  	_ =	shalt  }
0x5f: {  	_ =	shalt  }
0x60: {  	_ =	shalt  }
0x61: {  	_ =	shalt  }
0x62: {  	_ =	shalt  }
0x63: {  	_ =	shalt  }
0x64: {  	_ =	shalt  }
0x65: {  	_ =	shalt  }
0x66: {  	_ =	shalt  }
0x67: {  	_ =	shalt  }
0x68: {  	_ =	shalt  }
0x69: {  	_ =	shalt  }
0x6a: {  	_ =	shalt  }
0x6b: {  	_ =	shalt  }
0x6c: {  	_ =	shalt  }
0x6d: {  	_ =	shalt  }
0x6e: {  	_ =	shalt  }
0x6f: {  	_ =	shalt  }
0x70: {  	_ =	shalt  }
0x71: {  	_ =	shalt  }
0x72: {  	_ =	shalt  }
0x73: {  	_ =	shalt  }
0x74: {  	_ =	shalt  }
0x75: {  	_ =	shalt  }
0x76: {  	_ =	shalt  }
0x77: {  	_ =	shalt  }
0x78: {  	_ =	shalt  }
0x79: {  	_ =	shalt  }
0x7a: {  	_ =	shalt  }
0x7b: {  	_ =	shalt  }
0x7c: {  	_ =	shalt  }
0x7d: {  	_ =	shalt  }
0x7e: {  	_ =	shalt  }
0x7f: {  	_ =	shalt  }
0x80: {  	_ =	shalt  }
0x81: {  	_ =	shalt  }
0x82: {  	_ =	shalt  }
0x83: {  	_ =	shalt  }
0x84: {  	_ =	shalt  }
0x85: {  	_ =	shalt  }
0x86: {  	_ =	shalt  }
0x87: {  	_ =	shalt  }
.Lfunc_end0:
.L_simem_size_0:
called_computation_lowered:
.L_overlay_start_0:
0x88: {  	s2 =	sld [smem:$0x3FD9]  }
0x89: {  	s3 =	sld [smem:$0x3FFE];
	_ =	sdelay $0x1  }
0x8a: {  	s1 =	srdreg.scid  }
0x8b: {  	s0 =	sand.u32 $0x1, s1  }
0x8c: {  	s17 =	sshll.u32 s0, $0xA;
	s2 =	sadd.s32 s3, s2  }
0x8d: {  	s2 =	sadd.s32 s2, s17  }
0x8e: {  	[smem:$0x3FB7] =	sst s2  }
0x8f: {  	_ = 	snop  }
0x90: {  	s2 =	sld [smem:$0x3FD0];
	(tm) =	ssettm $0x1  }
0x91: {  	s18 =	sld [smem:$0x3FFB];
	_ =	sdelay $0x3  }
0x92: {  	_ =	strace s18  }
0x93: {  	s3 =	sld [smem:$0x3FFC];
	_ =	sdelay $0x3  }
0x94: {  	_ =	strace s3  }
0x95: {  	s3 =	sld [smem:$0x3FFD];
	_ =	sdelay $0x3  }
0x96: {  	_ =	strace s3  }
0x97: {  	_ =	strace $0x8FFFFFFF  }
0x98: {  	s19 =	sld [smem:$0x3FDB];
	_ =	sdelay $0x1  }
0x99: {  	s4 =	simm.s32 $_scs_section_size  }
0x9a: {  	s5 =	simm.s32 $_size__tile_overlayer_lowered;
	s6 =	simm.s32 $_tile_overlayer_lowered  }
0x9b: {  	s22 =	simm.s32 $0x1BFF;
	s21 =	sshll.u32 s6, $0x1;
	s3 =	sadd.s32 s4, s19  }
0x9c: {  	s7 =	simm.s32 $0x0;
	s20 =	sshll.u32 s5, $0x1;
	s5 =	sadd.s32 s21, s3  }
0x9d: {  	[timem:s7], [sflag:s22] =	dma.local [hbm:s5], s20  }
0x9e: {  	_ =	swait.ge [sflag:s22], s20  }
0x9f: {  	s4 =	ssub.s32 $0x0, s20;
	[sflag:s22] =	ssyncset.done $0x0  }
0xa0: {  	[sflag:s22] =	ssyncadd.s32 s4;
	_ =	sdelay $0x1  }
0xa1: {  	s23 =	simm.s32 $0x1B8B  }
0xa2: {  	_ =	swait.ge [sflag:s23], $0x1  }
0xa3: {  	[sflag:s23] =	ssyncset.done $0x0  }
0xa4: {  	s25 =	simm.s32 $0x1B8E;
	s24 =	sld [smem:$0x3FFE];
	[sflag:s23] =	ssyncadd.s32 $0xFFFFFFFF  }
0xa5: {  	s26 =	simm.s32 $execute0_lowered;
	[smem:$0x3FD2] =	sst s25  }
0xa6: {  	s5 =	sshll.u32 s26, $0x1;
	_ =	strace $0x80000046;
	[dreg:$0x1] =	wrdreg $0xFFFFFFFF  }
0xa7: {  	s28 =	simm.s32 $_size_execute0_lowered;
	s3 =	sadd.s32 s3, s5;
	[dreg:$0x0] =	wrdreg $0x0  }
0xa8: {  	s5 =	sshll.u32 s28, $0x1;
	[dreg:$0x2] =	wrdreg s3  }
0xa9: {  	[dreg:$0x3] =	wrdreg s5  }
0xaa: {  	[dreg:$0x4] =	wrdreg $0xC0  }
0xab: {  	_ =	task [dreg:s7], $0x5FFFF  }
0xac: {  	[dreg:$0x1] =	wrdreg $0xFFFFFFFF  }
0xad: {  	[dreg:$0x0] =	wrdreg $0x60  }
0xae: {  	[dreg:$0x2] =	wrdreg s24  }
0xaf: {  	[dreg:$0x3] =	wrdreg s2  }
0xb0: {  	[dreg:$0x4] =	wrdreg $0x9  }
0xb1: {  	_ =	task.clear_ibuf [dreg:s7], $0x5FFFF;
	_ =	strace $0x90000046  }
0xb2: {  	s29 =	simm.s32 $0x9;
	_ =	strace $0x80000048  }
0xb3: {  	_ =	swait.ge [sflag:s29], $0x1  }
0xb4: {  	[sflag:s29] =	ssyncadd.s32 $0xFFFFFFFF  }
0xb5: {  	_ =	strace $0x90000048  }
0xb6: {  	_ =	sfence  }
0xb7: {  	s30 =	sld [smem:$0x0];
	_ =	sdelay $0x2  }
0xb8: {  	s31 =	sshll.u32 s1, $0xD;
	s1 =	sshrl.u32 s1, $0x2  }
0xb9: {  	s3 =	sand.u32 $0x4000, s31;
	s1 =	sadd.s32 s1, s30  }
0xba: {  	s0 =	sor.u32 s3, s0;
	s1 =	sshll.u32 s1, $0x11  }
0xbb: {  	s0 =	sor.u32 s1, s0  }
0xbc: {  	s0 =	sadd.s32 $0x8F2B, s0  }
0xbd: {  	[sflag:s0] =	ssyncadd.remote.s32 $0x1  }
0xbe: {  	_ =	sfence.sel $0xFFFF  }
0xbf: {  	[dreg:$0x0] =	wrdreg $0xFFFFFFFF;
	(pc) =	sbr.abs _section_cstart, $3  }
0xc0: {  	[dreg:$0x1] =	wrdreg $0xFFFFFFFF  }
0xc1: {  	_ =	task.clear_ibuf [dreg:s7], $0x2FFFF;
	_ =	strace $0x9FFFFFFF  }
0xc2: {  	(tm) =	ssettm $0x7FFFFFFF  }
0xc3: {  	_ =	shalt  }
tec
execute0_lowered:
.L_overlay_start_1:
0x0: {  	(tag) =	ssettag $0x1  }
0x1: {  	s3 =	rddreg [dreg:$0x0]  }
0x2: {  	s7 =	rddreg [dreg:$0x1]  }
0x3: {  	s1 =	srdreg.scid;
	s0 =	rddreg [dreg:$0x2]  }
0x4: {  	s2 =	simm.s32 $0x0;
	s11 =	simm.s32 $0x6400;
	s12 =	simm.s32 $0x190000  }
0x5: {  	s13 =	simm.s32 $0x8980;
	s14 =	simm.s32 $0x0;
	s4 =	sand.u32 $0x1, s1  }
0x6: {  	s1 =	stileid.u32;
	s5 =	sshll.u32 s4, $0x4;
	s4 =	ssub.s32 $0x2, s4  }
0x7: {  	[smem:$0x7FF] =	sst s2;
	s5 =	sor.u32 s1, s5;
	s8 =	sshrl.u32 s4, $0x1  }
0x8: {  	s6 =	sadd.s32 $0x2000, s3;
	s5 =	smul.u32 $0x1900, s5;
	s8 =	ssub.s32 s4, s8  }
0x9: {  	s3 =	sadd.s32 $0x1000, s3;
	_ =	strace $0x80000047;
	s8 =	smax.u32 s8, $0x1  }
0xa: {  	s31 =	sshrl.u32 s5, $0x3;
	s9 =	sadd.s32 $0xC80, s5;
	s5 =	sadd.s32 s7, s5  }
0xb: {  	s4 =	sadd.s32 s6, s31;
	s10 =	sshrl.u32 s9, $0x3;
	s7 =	sadd.s32 s7, s9  }
0xc: {  	s9 =	simm.s32 $0xC80;
	s6 =	sadd.s32 s6, s10;
	s10 =	simm.s32 $0x1  }
.LBB2_1:
0xd: {  	[tilespmem:s9], [sflag:$0x1] =	stream.linear.gather [hbm4b:s3+s2], $0x7D00, $0x38;
	[tilespmem:$0x15180] =	vst v63  }
0xe: {  	_ =	swait.ge [sflag:s10], $0x7D00  }
0xf: {  	[sflag:s10] =	ssyncset.done $0x0  }
0x10: {  	[sflag:s10] =	ssyncadd.s32 $0xFFFF8300  }
0x11: {  	[tilespmem:s2], [sflag:$0x1] =	stream.linear.gather [hbm4b:s4+s2], $0xC80, $0x38;
	[tilespmem:$0x15180] =	vst v63  }
0x12: {  	_ =	swait.ge [sflag:s10], $0xC80  }
0x13: {  	s15 =	simm.s32 $0xFFFFFFF8;
	[sflag:s10] =	ssyncset.done $0x0  }
0x14: {  	s16 =	simm.s32 $0x40;
	s17 =	simm.s32 $0x8980;
	[sflag:s10] =	ssyncadd.s32 $0xFFFFF380  }
.LBB2_2:
0x15: {  	v0 =	vld [tilespmem:s16+$0xFFFFFFC0];
	_ =	sdelay $0x1  }
0x16: {  	v1 =	vld [tilespmem:s16+$0xFFFFFFD0];
	_ =	sdelay $0x2  }
0x17: {  	v0 =	vmax.f32 v0, $0.0e+00  }
0x18: {  	v0 =	vmin.f32 v0, $1.000000000e+03  }
0x19: {  	v1 =	vmax.f32 v1, $0.0e+00;
	v0 =	vmul.f32 $1.998999950e+00, v0  }
0x1a: {  	v1 =	vmin.f32 v1, $1.000000000e+03  }
0x1b: {  	v3 =	vmul.f32 $1.998999950e+00, v1;
	v2 =	vtrunc.f32 v0  }
0x1c: {  	v12 =	vcvt.f32.s32 v2  }
0x1d: {  	v1 =	vtrunc.f32 v3  }
0x1e: {  	v13 =	vcvt.f32.s32 v1;
	v2 =	vadd.s32 $0x1, v12  }
0x1f: {  	vm0 =	vlt.s32 v2, $0x7CF  }
0x20: {  	v1 =	vadd.s32 $0x1, v13;
	v14 =	vnsel vm0, $0x7CF, v2  }
0x21: {  	vm9 =	vlt.s32 v1, $0x7CF  }
0x22: {  	v15 =	vnsel vm9, $0x7CF, v1;
	_ =	sdelay $0x1  }
0x23: {  	v43 =	vcvt.s32.f32 v12;
	v4 =	vld.idx.msk [tilespmem:v12+s9+$0x0], $0xffff  }
0x24: {  	v5 =	vld.idx.msk [tilespmem:v14+s9+$0x0], $0xffff  }
0x25: {  	v44 =	vcvt.s32.f32 v13;
	v0 =	vsub.f32 v0, v43;
	v6 =	vld.idx.msk [tilespmem:v13+s9+$0x0], $0xffff  }
0x26: {  	v8 =	vld.idx.msk [tilespmem:v15+s9+$0x0], $0xffff  }
0x27: {  	v2 =	vsub.f32 v3, v44;
	v1 =	vsub.f32 $1.000000000e+00, v0  }
0x28: {  	v7 =	vadd.s32 $0x7D0, v12  }
0x29: {  	v3 =	vsub.f32 $1.000000000e+00, v2;
	v4 =	vmul.f32 v1, v4;
	v5 =	vmul.f32 v0, v5  }
0x2a: {  	v47 =	vadd.s32 $0x7D0, v13;
	v9 =	vadd.s32 $0x7D0, v14  }
0x2b: {  	v45 =	vmul.f32 v3, v6;
	v46 =	vmul.f32 v2, v8;
	v4 =	vadd.f32 v4, v5  }
0x2c: {  	v49 =	vadd.s32 $0x7D0, v15  }
0x2d: {  	v5 =	vadd.f32 v45, v46;
	[tilespmem:s17+$0x0] =	vst v4  }
0x2e: {  	v4 =	vld.idx.msk [tilespmem:v7+s9+$0x0], $0xffff  }
0x2f: {  	[tilespmem:s17+$0x10] =	vst v5;
	v48 =	vld.idx.msk [tilespmem:v9+s9+$0x0], $0xffff  }
0x30: {  	v5 =	vld.idx.msk [tilespmem:v47+s9+$0x0], $0xffff  }
0x31: {  	v52 =	vld.idx.msk [tilespmem:v49+s9+$0x0], $0xffff;
	_ =	sdelay $0x2  }
0x32: {  	v51 =	vadd.s32 $0xFA0, v12;
	v4 =	vmul.f32 v1, v4;
	v50 =	vmul.f32 v0, v48  }
0x33: {  	v55 =	vadd.s32 $0xFA0, v13;
	v53 =	vadd.s32 $0xFA0, v14  }
0x34: {  	v5 =	vmul.f32 v3, v5;
	v54 =	vmul.f32 v2, v52;
	v4 =	vadd.f32 v4, v50  }
0x35: {  	v57 =	vadd.s32 $0xFA0, v15  }
0x36: {  	v5 =	vadd.f32 v5, v54;
	[tilespmem:s17+$0x80] =	vst v4  }
0x37: {  	v4 =	vld.idx.msk [tilespmem:v51+s9+$0x0], $0xffff  }
0x38: {  	[tilespmem:s17+$0x90] =	vst v5;
	v56 =	vld.idx.msk [tilespmem:v53+s9+$0x0], $0xffff  }
0x39: {  	v5 =	vld.idx.msk [tilespmem:v55+s9+$0x0], $0xffff  }
0x3a: {  	v60 =	vld.idx.msk [tilespmem:v57+s9+$0x0], $0xffff;
	_ =	sdelay $0x2  }
0x3b: {  	v59 =	vadd.s32 $0x1770, v12;
	v4 =	vmul.f32 v1, v4;
	v58 =	vmul.f32 v56, v0  }
0x3c: {  	v63 =	vadd.s32 $0x1770, v13;
	v61 =	vadd.s32 $0x1770, v14  }
0x3d: {  	v5 =	vmul.f32 v3, v5;
	v62 =	vmul.f32 v60, v2;
	v4 =	vadd.f32 v58, v4  }
0x3e: {  	v17 =	vadd.s32 $0x1770, v15  }
0x3f: {  	v5 =	vadd.f32 v62, v5;
	[tilespmem:s17+$0x100] =	vst v4  }
0x40: {  	v4 =	vld.idx.msk [tilespmem:v59+s9+$0x0], $0xffff  }
0x41: {  	[tilespmem:s17+$0x110] =	vst v5;
	v16 =	vld.idx.msk [tilespmem:v61+s9+$0x0], $0xffff  }
0x42: {  	v5 =	vld.idx.msk [tilespmem:v63+s9+$0x0], $0xffff  }
0x43: {  	v20 =	vld.idx.msk [tilespmem:v17+s9+$0x0], $0xffff;
	_ =	sdelay $0x2  }
0x44: {  	v19 =	vadd.s32 $0x1F40, v12;
	v4 =	vmul.f32 v4, v1;
	v18 =	vmul.f32 v16, v0  }
0x45: {  	v23 =	vadd.s32 $0x1F40, v13;
	v21 =	vadd.s32 $0x1F40, v14  }
0x46: {  	v5 =	vmul.f32 v5, v3;
	v22 =	vmul.f32 v20, v2;
	v4 =	vadd.f32 v18, v4  }
0x47: {  	v25 =	vadd.s32 $0x1F40, v15  }
0x48: {  	v5 =	vadd.f32 v22, v5;
	[tilespmem:s17+$0x180] =	vst v4  }
0x49: {  	v4 =	vld.idx.msk [tilespmem:v19+s9+$0x0], $0xffff  }
0x4a: {  	[tilespmem:s17+$0x190] =	vst v5;
	v24 =	vld.idx.msk [tilespmem:v21+s9+$0x0], $0xffff  }
0x4b: {  	v5 =	vld.idx.msk [tilespmem:v23+s9+$0x0], $0xffff  }
0x4c: {  	v28 =	vld.idx.msk [tilespmem:v25+s9+$0x0], $0xffff;
	_ =	sdelay $0x2  }
0x4d: {  	v27 =	vadd.s32 $0x2710, v12;
	v4 =	vmul.f32 v4, v1;
	v26 =	vmul.f32 v24, v0  }
0x4e: {  	v31 =	vadd.s32 $0x2710, v13;
	v29 =	vadd.s32 $0x2710, v14  }
0x4f: {  	v5 =	vmul.f32 v5, v3;
	v30 =	vmul.f32 v28, v2;
	v4 =	vadd.f32 v26, v4  }
0x50: {  	v33 =	vadd.s32 $0x2710, v15  }
0x51: {  	v5 =	vadd.f32 v30, v5;
	[tilespmem:s17+$0x200] =	vst v4  }
0x52: {  	v4 =	vld.idx.msk [tilespmem:v27+s9+$0x0], $0xffff  }
0x53: {  	[tilespmem:s17+$0x210] =	vst v5;
	v32 =	vld.idx.msk [tilespmem:v29+s9+$0x0], $0xffff  }
0x54: {  	v5 =	vld.idx.msk [tilespmem:v31+s9+$0x0], $0xffff  }
0x55: {  	v36 =	vld.idx.msk [tilespmem:v33+s9+$0x0], $0xffff;
	_ =	sdelay $0x2  }
0x56: {  	v35 =	vadd.s32 $0x2EE0, v12;
	v4 =	vmul.f32 v4, v1;
	v34 =	vmul.f32 v32, v0  }
0x57: {  	v39 =	vadd.s32 $0x2EE0, v13;
	v37 =	vadd.s32 $0x2EE0, v14  }
0x58: {  	v5 =	vmul.f32 v5, v3;
	v38 =	vmul.f32 v36, v2;
	v4 =	vadd.f32 v34, v4  }
0x59: {  	v41 =	vadd.s32 $0x2EE0, v15  }
0x5a: {  	v5 =	vadd.f32 v38, v5;
	[tilespmem:s17+$0x280] =	vst v4  }
0x5b: {  	v4 =	vld.idx.msk [tilespmem:v35+s9+$0x0], $0xffff  }
0x5c: {  	[tilespmem:s17+$0x290] =	vst v5;
	v40 =	vld.idx.msk [tilespmem:v37+s9+$0x0], $0xffff  }
0x5d: {  	v5 =	vld.idx.msk [tilespmem:v39+s9+$0x0], $0xffff  }
0x5e: {  	v44 =	vld.idx.msk [tilespmem:v41+s9+$0x0], $0xffff;
	_ =	sdelay $0x2  }
0x5f: {  	v43 =	vadd.s32 $0x36B0, v12;
	v4 =	vmul.f32 v4, v1;
	v42 =	vmul.f32 v40, v0  }
0x60: {  	v45 =	vadd.s32 $0x36B0, v14;
	v47 =	vadd.s32 $0x36B0, v13  }
0x61: {  	v5 =	vmul.f32 v5, v3;
	v46 =	vmul.f32 v44, v2;
	v4 =	vadd.f32 v42, v4  }
0x62: {  	v49 =	vadd.s32 $0x36B0, v15  }
0x63: {  	v5 =	vadd.f32 v46, v5;
	[tilespmem:s17+$0x300] =	vst v4  }
0x64: {  	v4 =	vld.idx.msk [tilespmem:v43+s9+$0x0], $0xffff  }
0x65: {  	[tilespmem:s17+$0x310] =	vst v5;
	v48 =	vld.idx.msk [tilespmem:v45+s9+$0x0], $0xffff  }
0x66: {  	v5 =	vld.idx.msk [tilespmem:v47+s9+$0x0], $0xffff  }
0x67: {  	v52 =	vld.idx.msk [tilespmem:v49+s9+$0x0], $0xffff;
	_ =	sdelay $0x2  }
0x68: {  	v51 =	vadd.s32 $0x3E80, v12;
	v4 =	vmul.f32 v4, v1;
	v50 =	vmul.f32 v48, v0  }
0x69: {  	v53 =	vadd.s32 $0x3E80, v14;
	v55 =	vadd.s32 $0x3E80, v13  }
0x6a: {  	v5 =	vmul.f32 v5, v3;
	v54 =	vmul.f32 v52, v2;
	v4 =	vadd.f32 v50, v4  }
0x6b: {  	v57 =	vadd.s32 $0x3E80, v15  }
0x6c: {  	v5 =	vadd.f32 v54, v5;
	[tilespmem:s17+$0x380] =	vst v4  }
0x6d: {  	v4 =	vld.idx.msk [tilespmem:v51+s9+$0x0], $0xffff  }
0x6e: {  	[tilespmem:s17+$0x390] =	vst v5;
	v56 =	vld.idx.msk [tilespmem:v53+s9+$0x0], $0xffff  }
0x6f: {  	v5 =	vld.idx.msk [tilespmem:v55+s9+$0x0], $0xffff  }
0x70: {  	v60 =	vld.idx.msk [tilespmem:v57+s9+$0x0], $0xffff;
	_ =	sdelay $0x2  }
0x71: {  	v59 =	vadd.s32 $0x4650, v12;
	v4 =	vmul.f32 v4, v1;
	v58 =	vmul.f32 v56, v0  }
0x72: {  	v61 =	vadd.s32 $0x4650, v14;
	v63 =	vadd.s32 $0x4650, v13  }
0x73: {  	v5 =	vmul.f32 v5, v3;
	v62 =	vmul.f32 v60, v2;
	v4 =	vadd.f32 v58, v4  }
0x74: {  	v17 =	vadd.s32 $0x4650, v15  }
0x75: {  	v5 =	vadd.f32 v62, v5;
	[tilespmem:s17+$0x6400] =	vst v4  }
0x76: {  	v4 =	vld.idx.msk [tilespmem:v59+s9+$0x0], $0xffff  }
0x77: {  	[tilespmem:s17+$0x6410] =	vst v5;
	v16 =	vld.idx.msk [tilespmem:v61+s9+$0x0], $0xffff  }
0x78: {  	v5 =	vld.idx.msk [tilespmem:v63+s9+$0x0], $0xffff  }
0x79: {  	v20 =	vld.idx.msk [tilespmem:v17+s9+$0x0], $0xffff;
	_ =	sdelay $0x2  }
0x7a: {  	v19 =	vadd.s32 $0x4E20, v12;
	v4 =	vmul.f32 v4, v1;
	v18 =	vmul.f32 v16, v0  }
0x7b: {  	v21 =	vadd.s32 $0x4E20, v14;
	v23 =	vadd.s32 $0x4E20, v13  }
0x7c: {  	v5 =	vmul.f32 v5, v3;
	v22 =	vmul.f32 v20, v2;
	v4 =	vadd.f32 v18, v4  }
0x7d: {  	v25 =	vadd.s32 $0x4E20, v15  }
0x7e: {  	v28 =	vld [tilespmem:s16+$0xFFFFFFE0];
	v5 =	vadd.f32 v22, v5;
	[tilespmem:s17+$0x6480] =	vst v4  }
0x7f: {  	v4 =	vld.idx.msk [tilespmem:v19+s9+$0x0], $0xffff  }
0x80: {  	[tilespmem:s17+$0x6490] =	vst v5;
	v24 =	vld.idx.msk [tilespmem:v21+s9+$0x0], $0xffff  }
0x81: {  	v5 =	vld.idx.msk [tilespmem:v23+s9+$0x0], $0xffff  }
0x82: {  	v6 =	vld.idx.msk [tilespmem:v25+s9+$0x0], $0xffff;
	_ =	sdelay $0x1  }
0x83: {  	v27 =	vadd.s32 $0x55F0, v12  }
0x84: {  	v29 =	vmax.f32 v28, $0.0e+00;
	v4 =	vmul.f32 v4, v1;
	v26 =	vmul.f32 v24, v0  }
0x85: {  	v10 =	vadd.s32 $0x55F0, v14;
	v31 =	vadd.s32 $0x55F0, v13;
	v7 =	vmin.f32 v29, $1.000000000e+03  }
0x86: {  	v5 =	vmul.f32 v5, v3;
	v6 =	vmul.f32 v6, v2;
	v4 =	vadd.f32 v26, v4  }
0x87: {  	v11 =	vadd.s32 $0x55F0, v15;
	v7 =	vmul.f32 $1.998999950e+00, v7;
	v32 =	vld [tilespmem:s16+$0xFFFFFFF0]  }
0x88: {  	v5 =	vadd.f32 v6, v5;
	[tilespmem:s17+$0x6500] =	vst v4  }
0x89: {  	v33 =	vtrunc.f32 v7;
	v4 =	vld.idx.msk [tilespmem:v27+s9+$0x0], $0xffff  }
0x8a: {  	v9 =	vcvt.f32.s32 v33;
	[tilespmem:s17+$0x6510] =	vst v5;
	v30 =	vld.idx.msk [tilespmem:v10+s9+$0x0], $0xffff  }
0x8b: {  	v10 =	vld.idx.msk [tilespmem:v31+s9+$0x0], $0xffff  }
0x8c: {  	v35 =	vadd.s32 $0x1, v9;
	v36 =	vmax.f32 v32, $0.0e+00;
	v11 =	vld.idx.msk [tilespmem:v11+s9+$0x0], $0xffff  }
0x8d: {  	vm10 =	vlt.s32 v35, $0x7CF;
	v5 =	vmin.f32 v36, $1.000000000e+03  }
0x8e: {  	v8 =	vnsel vm10, $0x7CF, v35;
	v37 =	vmul.f32 $1.998999950e+00, v5  }
0x8f: {  	v16 =	vadd.s32 $0x5DC0, v12;
	v4 =	vmul.f32 v4, v1;
	v34 =	vmul.f32 v30, v0  }
0x90: {  	v40 =	vadd.s32 $0x5DC0, v13;
	v17 =	vadd.s32 $0x5DC0, v14;
	v41 =	vtrunc.f32 v37  }
0x91: {  	v38 =	vmul.f32 v10, v3;
	v39 =	vmul.f32 v11, v2;
	v4 =	vadd.f32 v34, v4  }
0x92: {  	v20 =	vld.idx.msk [tilespmem:v9+s9+$0x0], $0xffff;
	v18 =	vadd.s32 $0x5DC0, v15;
	v19 =	vcvt.s32.f32 v9;
	v10 =	vcvt.f32.s32 v41  }
0x93: {  	v21 =	vld.idx.msk [tilespmem:v8+s9+$0x0], $0xffff;
	v5 =	vadd.f32 v39, v38;
	[tilespmem:s17+$0x6580] =	vst v4  }
0x94: {  	v42 =	vadd.s32 $0x1, v10;
	v4 =	vsub.f32 v7, v19;
	v16 =	vld.idx.msk [tilespmem:v16+s9+$0x0], $0xffff  }
0x95: {  	vm11 =	vlt.s32 v42, $0x7CF;
	[tilespmem:s17+$0x6590] =	vst v5;
	v17 =	vld.idx.msk [tilespmem:v17+s9+$0x0], $0xffff  }
0x96: {  	v11 =	vnsel vm11, $0x7CF, v42;
	v43 =	vld.idx.msk [tilespmem:v40+s9+$0x0], $0xffff;
	v5 =	vsub.f32 $1.000000000e+00, v4  }
0x97: {  	v18 =	vld.idx.msk [tilespmem:v18+s9+$0x0], $0xffff  }
0x98: {  	v22 =	vadd.s32 $0x7D0, v9;
	v21 =	vmul.f32 v4, v21;
	v20 =	vmul.f32 v5, v20  }
0x99: {  	v46 =	vadd.s32 $0x6590, v12;
	v47 =	vadd.s32 $0x7D0, v8;
	v48 =	vcvt.s32.f32 v10  }
0x9a: {  	v24 =	vld.idx.msk [tilespmem:v10+s9+$0x0], $0xffff;
	v44 =	vmul.f32 v16, v1;
	v45 =	vmul.f32 v17, v0;
	v20 =	vadd.f32 v20, v21  }
0x9b: {  	v23 =	vadd.s32 $0x6590, v14;
	v25 =	vadd.s32 $0x6590, v13;
	v6 =	vsub.f32 v37, v48;
	v50 =	vld.idx.msk [tilespmem:v11+s9+$0x0], $0xffff  }
0x9c: {  	v49 =	vmul.f32 v43, v3;
	v18 =	vmul.f32 v18, v2;
	v7 =	vadd.f32 v45, v44;
	[tilespmem:s17+$0x20] =	vst v20  }
0x9d: {  	v51 =	vadd.s32 $0x6590, v15;
	v52 =	vld.idx.msk [tilespmem:v22+s9+$0x0], $0xffff  }
0x9e: {  	v18 =	vadd.f32 v18, v49;
	v16 =	vld.idx.msk [tilespmem:v47+s9+$0x0], $0xffff;
	[tilespmem:s17+$0x6600] =	vst v7;
	v7 =	vsub.f32 $1.000000000e+00, v6  }
0x9f: {  	v17 =	vld.idx.msk [tilespmem:v46+s9+$0x0], $0xffff  }
0xa0: {  	v55 =	vadd.s32 $0x7D0, v10;
	[tilespmem:s17+$0x6610] =	vst v18;
	v19 =	vmul.f32 v6, v50;
	v53 =	vld.idx.msk [tilespmem:v23+s9+$0x0], $0xffff;
	v54 =	vmul.f32 v7, v24  }
0xa1: {  	v57 =	vadd.s32 $0x7D0, v11;
	v56 =	vld.idx.msk [tilespmem:v25+s9+$0x0], $0xffff  }
0xa2: {  	v20 =	vld.idx.msk [tilespmem:v51+s9+$0x0], $0xffff;
	v18 =	vadd.f32 v54, v19;
	_ =	sdelay $0x1  }
0xa3: {  	v59 =	vadd.s32 $0xFA0, v9;
	v39 =	vld [tilespmem:s16+$0x0];
	v58 =	vmul.f32 v5, v52;
	v16 =	vmul.f32 v4, v16;
	[tilespmem:s17+$0x30] =	vst v18  }
0xa4: {  	v60 =	vadd.s32 $0x6D60, v12;
	v26 =	vadd.s32 $0xFA0, v8;
	v61 =	vld.idx.msk [tilespmem:v55+s9+$0x0], $0xffff  }
0xa5: {  	v17 =	vmul.f32 v17, v1;
	v22 =	vmul.f32 v53, v0;
	v16 =	vadd.f32 v58, v16;
	v63 =	vld.idx.msk [tilespmem:v57+s9+$0x0], $0xffff  }
0xa6: {  	v28 =	vadd.s32 $0x6D60, v13;
	v44 =	vld [tilespmem:s16+$0x10];
	v24 =	vmul.f32 v56, v3;
	v20 =	vmul.f32 v20, v2  }
0xa7: {  	v29 =	vadd.s32 $0x6D60, v15;
	v50 =	vld [tilespmem:s16+$0x20];
	v17 =	vadd.f32 v22, v17;
	[tilespmem:s17+$0xA0] =	vst v16  }
0xa8: {  	v62 =	vadd.s32 $0x6D60, v14;
	v30 =	vadd.f32 v20, v24;
	v21 =	vld.idx.msk [tilespmem:v59+s9+$0x0], $0xffff  }
0xa9: {  	v31 =	vld.idx.msk [tilespmem:v26+s9+$0x0], $0xffff;
	[tilespmem:s17+$0x6680] =	vst v17  }
0xaa: {  	v34 =	vadd.s32 $0xFA0, v10;
	[tilespmem:s17+$0x6690] =	vst v30;
	v18 =	vld.idx.msk [tilespmem:v60+s9+$0x0], $0xffff;
	v32 =	vmul.f32 v7, v61;
	v33 =	vmul.f32 v6, v63  }
0xab: {  	v36 =	vadd.s32 $0xFA0, v11;
	v35 =	vld.idx.msk [tilespmem:v28+s9+$0x0], $0xffff  }
0xac: {  	v12 =	vadd.s32 $0x7530, v12;
	v46 =	vmax.f32 v39, $0.0e+00;
	v16 =	vld.idx.msk [tilespmem:v29+s9+$0x0], $0xffff;
	v17 =	vadd.f32 v32, v33  }
0xad: {  	v14 =	vadd.s32 $0x7530, v14;
	v27 =	vadd.s32 $0x1770, v8;
	v23 =	vmin.f32 v46, $1.000000000e+03;
	v22 =	vld.idx.msk [tilespmem:v62+s9+$0x0], $0xffff  }
0xae: {  	v38 =	vadd.s32 $0x1770, v9;
	v48 =	vadd.s32 $0x7530, v13;
	v49 =	vmul.f32 $1.998999950e+00, v23;
	v53 =	vld [tilespmem:s16+$0x30];
	[tilespmem:s17+$0xB0] =	vst v17  }
0xaf: {  	v13 =	vmax.f32 v50, $0.0e+00;
	v37 =	vmul.f32 v5, v21;
	v20 =	vmul.f32 v31, v4;
	v42 =	vld.idx.msk [tilespmem:v34+s9+$0x0], $0xffff  }
0xb0: {  	v51 =	vadd.s32 $0x1770, v10;
	v52 =	vtrunc.f32 v49;
	v13 =	vmin.f32 v13, $1.000000000e+03;
	v43 =	vld.idx.msk [tilespmem:v36+s9+$0x0], $0xffff  }
0xb1: {  	v19 =	vadd.f32 v20, v37;
	v45 =	vmul.f32 v35, v3;
	v16 =	vmul.f32 v16, v2  }
0xb2: {  	v28 =	vadd.s32 $0x1770, v11;
	v40 =	vmul.f32 v18, v1;
	v41 =	vmul.f32 v22, v0  }
0xb3: {  	v18 =	vmax.f32 v44, $0.0e+00;
	[tilespmem:s17+$0x120] =	vst v19;
	v19 =	vadd.f32 v16, v45;
	v16 =	vcvt.f32.s32 v52  }
0xb4: {  	v59 =	vmax.f32 v53, $0.0e+00;
	v18 =	vmin.f32 v18, $1.000000000e+03;
	v17 =	vadd.f32 v41, v40;
	v21 =	vld.idx.msk [tilespmem:v38+s9+$0x0], $0xffff  }
0xb5: {  	v47 =	vld.idx.msk [tilespmem:v27+s9+$0x0], $0xffff;
	v55 =	vadd.s32 $0x1, v16;
	v20 =	vmul.f32 v7, v42;
	v22 =	vmul.f32 v43, v6  }
0xb6: {  	v26 =	vmin.f32 v59, $1.000000000e+03;
	v30 =	vmul.f32 $1.998999950e+00, v18;
	[tilespmem:s17+$0x6700] =	vst v17;
	vm12 =	vlt.s32 v55, $0x7CF  }
0xb7: {  	v31 =	vmul.f32 $1.998999950e+00, v13;
	v12 =	vld.idx.msk [tilespmem:v12+s9+$0x0], $0xffff;
	v20 =	vadd.f32 v22, v20;
	v22 =	vnsel vm12, $0x7CF, v55  }
0xb8: {  	v15 =	vadd.s32 $0x7530, v15;
	v63 =	vmul.f32 $1.998999950e+00, v26;
	v56 =	vtrunc.f32 v30;
	v13 =	vld.idx.msk [tilespmem:v14+s9+$0x0], $0xffff  }
0xb9: {  	v58 =	vadd.s32 $0x1F40, v9;
	v62 =	vtrunc.f32 v31;
	v33 =	vld.idx.msk [tilespmem:v16+s9+$0x0], $0xffff;
	[tilespmem:s17+$0x130] =	vst v20;
	v20 =	vcvt.f32.s32 v56  }
0xba: {  	v32 =	vadd.s32 $0x1F40, v8;
	v21 =	vmul.f32 v21, v5;
	v54 =	vmul.f32 v47, v4;
	v57 =	vld.idx.msk [tilespmem:v51+s9+$0x0], $0xffff  }
0xbb: {  	v23 =	vcvt.f32.s32 v62;
	v45 =	vcvt.s32.f32 v16;
	v60 =	vld.idx.msk [tilespmem:v28+s9+$0x0], $0xffff;
	v61 =	vadd.s32 $0x1, v20  }
0xbc: {  	v35 =	vtrunc.f32 v63;
	[tilespmem:s17+$0x6710] =	vst v19;
	v17 =	vadd.f32 v54, v21;
	vm13 =	vlt.s32 v61, $0x7CF;
	v34 =	vld.idx.msk [tilespmem:v22+s9+$0x0], $0xffff  }
0xbd: {  	v29 =	vadd.s32 $0x1, v23;
	v19 =	vld.idx.msk [tilespmem:v15+s9+$0x0], $0xffff;
	v15 =	vsub.f32 v49, v45;
	v26 =	vnsel vm13, $0x7CF, v61  }
0xbe: {  	v25 =	vcvt.f32.s32 v35;
	v39 =	vcvt.s32.f32 v23;
	vm14 =	vlt.s32 v29, $0x7CF;
	v14 =	vld.idx.msk [tilespmem:v48+s9+$0x0], $0xffff;
	[tilespmem:s17+$0x1A0] =	vst v17  }
0xbf: {  	v29 =	vnsel vm14, $0x7CF, v29;
	v18 =	vsub.f32 $1.000000000e+00, v15;
	v48 =	vcvt.s32.f32 v20;
	v46 =	vld.idx.msk [tilespmem:v58+s9+$0x0], $0xffff  }
0xc0: {  	v37 =	vadd.s32 $0x1, v25;
	v32 =	vld.idx.msk [tilespmem:v32+s9+$0x0], $0xffff;
	v24 =	vmul.f32 v57, v7;
	v47 =	vmul.f32 v60, v6  }
0xc1: {  	v50 =	vadd.s32 $0x7D0, v16;
	v33 =	vmul.f32 v18, v33;
	v36 =	vld.idx.msk [tilespmem:v20+s9+$0x0], $0xffff;
	v34 =	vmul.f32 v15, v34  }
0xc2: {  	vm15 =	vlt.s32 v37, $0x7CF;
	v43 =	vadd.s32 $0x7D0, v22;
	v24 =	vadd.f32 v47, v24;
	v38 =	vld.idx.msk [tilespmem:v26+s9+$0x0], $0xffff  }
0xc3: {  	v49 =	vadd.s32 $0x1F40, v10;
	v40 =	vld.idx.msk [tilespmem:v23+s9+$0x0], $0xffff;
	v17 =	vsub.f32 v30, v48;
	v51 =	vadd.f32 v33, v34  }
0xc4: {  	v42 =	vadd.s32 $0x1F40, v11;
	v55 =	vcvt.s32.f32 v25;
	v44 =	vld.idx.msk [tilespmem:v29+s9+$0x0], $0xffff;
	v54 =	vadd.s32 $0x7D0, v20;
	[tilespmem:s17+$0x1B0] =	vst v24  }
0xc5: {  	v56 =	vld.idx.msk [tilespmem:v25+s9+$0x0], $0xffff;
	v30 =	vnsel vm15, $0x7CF, v37;
	v21 =	vsub.f32 $1.000000000e+00, v17;
	v24 =	vsub.f32 v31, v39;
	[tilespmem:s17+$0x40] =	vst v51  }
0xc6: {  	v48 =	vadd.s32 $0x2710, v8;
	v41 =	vmul.f32 v46, v5;
	v32 =	vmul.f32 v32, v4;
	v37 =	vld.idx.msk [tilespmem:v50+s9+$0x0], $0xffff  }
0xc7: {  	v52 =	vmul.f32 v21, v36;
	v27 =	vsub.f32 $1.000000000e+00, v24;
	v58 =	vld.idx.msk [tilespmem:v43+s9+$0x0], $0xffff;
	v53 =	vmul.f32 v17, v38  }
0xc8: {  	v61 =	vadd.s32 $0x7D0, v23;
	v57 =	vadd.s32 $0x7D0, v26;
	v32 =	vadd.f32 v32, v41;
	v35 =	vld.idx.msk [tilespmem:v49+s9+$0x0], $0xffff  }
0xc9: {  	v62 =	vld.idx.msk [tilespmem:v42+s9+$0x0], $0xffff;
	v60 =	vmul.f32 v24, v44;
	v59 =	vmul.f32 v27, v40;
	v31 =	vadd.f32 v52, v53  }
0xca: {  	v28 =	vsub.f32 v63, v55;
	v63 =	vadd.s32 $0x7D0, v29;
	v45 =	vld.idx.msk [tilespmem:v30+s9+$0x0], $0xffff;
	[tilespmem:s17+$0x220] =	vst v32  }
0xcb: {  	v46 =	vadd.s32 $0x2710, v9;
	v44 =	vld.idx.msk [tilespmem:v48+s9+$0x0], $0xffff;
	v36 =	vadd.f32 v59, v60;
	[tilespmem:s17+$0x50] =	vst v31  }
0xcc: {  	v55 =	vadd.s32 $0xFA0, v22;
	v37 =	vmul.f32 v18, v37;
	v33 =	vmul.f32 v15, v58;
	v34 =	vld.idx.msk [tilespmem:v54+s9+$0x0], $0xffff  }
0xcd: {  	v35 =	vmul.f32 v35, v7;
	v31 =	vsub.f32 $1.000000000e+00, v28;
	[tilespmem:s17+$0x60] =	vst v36;
	v49 =	vld.idx.msk [tilespmem:v57+s9+$0x0], $0xffff;
	v54 =	vadd.s32 $0xFA0, v16  }
0xce: {  	v41 =	vmul.f32 v62, v6;
	v59 =	vadd.s32 $0x2710, v11;
	v43 =	vld.idx.msk [tilespmem:v61+s9+$0x0], $0xffff;
	v33 =	vadd.f32 v37, v33  }
0xcf: {  	v51 =	vadd.s32 $0x7D0, v25;
	v50 =	vmul.f32 v28, v45;
	v42 =	vld.idx.msk [tilespmem:v63+s9+$0x0], $0xffff;
	v38 =	vmul.f32 v31, v56  }
0xd0: {  	v52 =	vld.idx.msk [tilespmem:v46+s9+$0x0], $0xffff;
	v53 =	vadd.s32 $0x7D0, v30;
	v35 =	vadd.f32 v41, v35;
	[tilespmem:s17+$0xC0] =	vst v33  }
0xd1: {  	v56 =	vadd.s32 $0x2710, v10;
	v38 =	vadd.f32 v38, v50;
	v60 =	vld.idx.msk [tilespmem:v55+s9+$0x0], $0xffff  }
0xd2: {  	v57 =	vadd.s32 $0xFA0, v20;
	[tilespmem:s17+$0x230] =	vst v35;
	v34 =	vmul.f32 v21, v34;
	v32 =	vmul.f32 v17, v49;
	v46 =	vld.idx.msk [tilespmem:v54+s9+$0x0], $0xffff  }
0xd3: {  	v58 =	vadd.s32 $0xFA0, v26;
	v63 =	vadd.s32 $0xFA0, v23;
	v41 =	vld.idx.msk [tilespmem:v59+s9+$0x0], $0xffff;
	[tilespmem:s17+$0x70] =	vst v38  }
0xd4: {  	v61 =	vmul.f32 v27, v43;
	v62 =	vmul.f32 v24, v42;
	v40 =	vld.idx.msk [tilespmem:v51+s9+$0x0], $0xffff;
	v32 =	vadd.f32 v34, v32  }
0xd5: {  	v44 =	vmul.f32 v44, v4;
	v49 =	vadd.s32 $0xFA0, v29;
	v36 =	vld.idx.msk [tilespmem:v53+s9+$0x0], $0xffff  }
0xd6: {  	v48 =	vmul.f32 v52, v5;
	v50 =	vadd.s32 $0x2EE0, v9;
	v37 =	vld.idx.msk [tilespmem:v56+s9+$0x0], $0xffff;
	v35 =	vadd.f32 v61, v62;
	[tilespmem:s17+$0xD0] =	vst v32  }
0xd7: {  	v55 =	vadd.s32 $0x1770, v16;
	v34 =	vmul.f32 v60, v15;
	v38 =	vld.idx.msk [tilespmem:v57+s9+$0x0], $0xffff;
	v53 =	vmul.f32 v18, v46  }
0xd8: {  	v43 =	vadd.f32 v44, v48;
	v56 =	vadd.s32 $0x1770, v22;
	[tilespmem:s17+$0xE0] =	vst v35;
	v33 =	vld.idx.msk [tilespmem:v58+s9+$0x0], $0xffff  }
0xd9: {  	v42 =	vld.idx.msk [tilespmem:v63+s9+$0x0], $0xffff;
	v57 =	vadd.s32 $0x2EE0, v8;
	v34 =	vadd.f32 v34, v53  }
0xda: {  	v52 =	vadd.s32 $0xFA0, v25;
	[tilespmem:s17+$0x2A0] =	vst v43;
	v32 =	vld.idx.msk [tilespmem:v49+s9+$0x0], $0xffff;
	v51 =	vmul.f32 v31, v40;
	v36 =	vmul.f32 v28, v36  }
0xdb: {  	v54 =	vadd.s32 $0xFA0, v30;
	v41 =	vmul.f32 v41, v6;
	v43 =	vld.idx.msk [tilespmem:v50+s9+$0x0], $0xffff;
	[tilespmem:s17+$0x140] =	vst v34  }
0xdc: {  	v61 =	vadd.s32 $0x2EE0, v10;
	v37 =	vmul.f32 v37, v7;
	v36 =	vadd.f32 v51, v36;
	v46 =	vld.idx.msk [tilespmem:v55+s9+$0x0], $0xffff  }
0xdd: {  	v59 =	vadd.s32 $0x1770, v20;
	v58 =	vmul.f32 v21, v38;
	v33 =	vmul.f32 v33, v17;
	v62 =	vld.idx.msk [tilespmem:v56+s9+$0x0], $0xffff  }
0xde: {  	v48 =	vadd.s32 $0x1770, v23;
	v60 =	vadd.s32 $0x1770, v26;
	v37 =	vadd.f32 v41, v37;
	[tilespmem:s17+$0xF0] =	vst v36;
	v45 =	vld.idx.msk [tilespmem:v57+s9+$0x0], $0xffff  }
0xdf: {  	v63 =	vmul.f32 v27, v42;
	v32 =	vmul.f32 v32, v24;
	v40 =	vld.idx.msk [tilespmem:v52+s9+$0x0], $0xffff;
	v33 =	vadd.f32 v33, v58  }
0xe0: {  	v49 =	vadd.s32 $0x1770, v29;
	[tilespmem:s17+$0x2B0] =	vst v37;
	v35 =	vld.idx.msk [tilespmem:v54+s9+$0x0], $0xffff  }
0xe1: {  	v50 =	vadd.s32 $0x2EE0, v11;
	v53 =	vld.idx.msk [tilespmem:v61+s9+$0x0], $0xffff;
	v32 =	vadd.f32 v32, v63;
	[tilespmem:s17+$0x150] =	vst v33  }
0xe2: {  	v56 =	vadd.s32 $0x1F40, v16;
	v38 =	vld.idx.msk [tilespmem:v59+s9+$0x0], $0xffff;
	v54 =	vmul.f32 v46, v18;
	v36 =	vmul.f32 v62, v15  }
0xe3: {  	v57 =	vmul.f32 v43, v5;
	v58 =	vadd.s32 $0x1F40, v22;
	[tilespmem:s17+$0x160] =	vst v32;
	v34 =	vld.idx.msk [tilespmem:v60+s9+$0x0], $0xffff  }
0xe4: {  	v42 =	vld.idx.msk [tilespmem:v48+s9+$0x0], $0xffff;
	v45 =	vmul.f32 v45, v4;
	v59 =	vadd.s32 $0x36B0, v9;
	v36 =	vadd.f32 v36, v54  }
0xe5: {  	v52 =	vadd.s32 $0x1770, v25;
	v33 =	vld.idx.msk [tilespmem:v49+s9+$0x0], $0xffff;
	v51 =	vmul.f32 v31, v40;
	v35 =	vmul.f32 v35, v28  }
0xe6: {  	v55 =	vadd.s32 $0x1770, v30;
	v41 =	vld.idx.msk [tilespmem:v50+s9+$0x0], $0xffff;
	v37 =	vadd.f32 v45, v57;
	[tilespmem:s17+$0x1C0] =	vst v36  }
0xe7: {  	v63 =	vadd.s32 $0x36B0, v8;
	v35 =	vadd.f32 v35, v51;
	v46 =	vld.idx.msk [tilespmem:v56+s9+$0x0], $0xffff  }
0xe8: {  	v61 =	vadd.s32 $0x1F40, v20;
	[tilespmem:s17+$0x320] =	vst v37;
	v60 =	vmul.f32 v38, v21;
	v34 =	vmul.f32 v34, v17;
	v48 =	vld.idx.msk [tilespmem:v58+s9+$0x0], $0xffff  }
0xe9: {  	v50 =	vadd.s32 $0x1F40, v23;
	v62 =	vadd.s32 $0x1F40, v26;
	[tilespmem:s17+$0x170] =	vst v35;
	v51 =	vld.idx.msk [tilespmem:v59+s9+$0x0], $0xffff  }
0xea: {  	v49 =	vmul.f32 v42, v27;
	v33 =	vmul.f32 v33, v24;
	v39 =	vld.idx.msk [tilespmem:v52+s9+$0x0], $0xffff;
	v34 =	vadd.f32 v34, v60  }
0xeb: {  	v40 =	vmul.f32 v53, v7;
	v32 =	vld.idx.msk [tilespmem:v55+s9+$0x0], $0xffff;
	v52 =	vadd.s32 $0x1F40, v29  }
0xec: {  	v41 =	vmul.f32 v41, v6;
	v53 =	vadd.s32 $0x36B0, v10;
	v45 =	vld.idx.msk [tilespmem:v63+s9+$0x0], $0xffff;
	v33 =	vadd.f32 v33, v49;
	[tilespmem:s17+$0x1D0] =	vst v34  }
0xed: {  	v58 =	vadd.s32 $0x2710, v16;
	v38 =	vld.idx.msk [tilespmem:v61+s9+$0x0], $0xffff;
	v56 =	vmul.f32 v46, v18;
	v35 =	vmul.f32 v48, v15  }
0xee: {  	v40 =	vadd.f32 v41, v40;
	v59 =	vadd.s32 $0x2710, v22;
	[tilespmem:s17+$0x1E0] =	vst v33;
	v36 =	vld.idx.msk [tilespmem:v62+s9+$0x0], $0xffff  }
0xef: {  	v60 =	vadd.s32 $0x36B0, v11;
	v42 =	vld.idx.msk [tilespmem:v50+s9+$0x0], $0xffff;
	v35 =	vadd.f32 v35, v56  }
0xf0: {  	[tilespmem:s17+$0x330] =	vst v40;
	v55 =	vadd.s32 $0x1F40, v25;
	v54 =	vmul.f32 v39, v31;
	v32 =	vmul.f32 v32, v28;
	v34 =	vld.idx.msk [tilespmem:v52+s9+$0x0], $0xffff  }
0xf1: {  	v57 =	vadd.s32 $0x1F40, v30;
	v40 =	vld.idx.msk [tilespmem:v53+s9+$0x0], $0xffff;
	v63 =	vmul.f32 v51, v5;
	[tilespmem:s17+$0x240] =	vst v35  }
0xf2: {  	v49 =	vmul.f32 v45, v4;
	v50 =	vadd.s32 $0x3E80, v9;
	v32 =	vadd.f32 v32, v54;
	v46 =	vld.idx.msk [tilespmem:v58+s9+$0x0], $0xffff  }
0xf3: {  	v62 =	vadd.s32 $0x2710, v20;
	v61 =	vmul.f32 v38, v21;
	v36 =	vmul.f32 v36, v17;
	v51 =	vld.idx.msk [tilespmem:v59+s9+$0x0], $0xffff  }
0xf4: {  	v53 =	vadd.s32 $0x2710, v23;
	v48 =	vadd.s32 $0x2710, v26;
	v41 =	vadd.f32 v49, v63;
	v54 =	vld.idx.msk [tilespmem:v60+s9+$0x0], $0xffff;
	[tilespmem:s17+$0x1F0] =	vst v32  }
0xf5: {  	v52 =	vmul.f32 v42, v27;
	v39 =	vld.idx.msk [tilespmem:v55+s9+$0x0], $0xffff;
	v34 =	vmul.f32 v34, v24;
	v32 =	vadd.f32 v36, v61  }
0xf6: {  	[tilespmem:s17+$0x3A0] =	vst v41;
	v33 =	vld.idx.msk [tilespmem:v57+s9+$0x0], $0xffff;
	v55 =	vadd.s32 $0x2710, v29  }
0xf7: {  	v56 =	vadd.s32 $0x3E80, v8;
	v41 =	vld.idx.msk [tilespmem:v50+s9+$0x0], $0xffff;
	v34 =	vadd.f32 v34, v52;
	[tilespmem:s17+$0x250] =	vst v32  }
0xf8: {  	v61 =	vadd.s32 $0x2EE0, v16;
	v38 =	vld.idx.msk [tilespmem:v62+s9+$0x0], $0xffff;
	v59 =	vmul.f32 v46, v18;
	v36 =	vmul.f32 v51, v15  }
0xf9: {  	v63 =	vadd.s32 $0x2EE0, v22;
	v43 =	vmul.f32 v54, v6;
	v35 =	vld.idx.msk [tilespmem:v48+s9+$0x0], $0xffff;
	[tilespmem:s17+$0x260] =	vst v34  }
0xfa: {  	v62 =	vmul.f32 v40, v7;
	v48 =	vadd.s32 $0x3E80, v10;
	v42 =	vld.idx.msk [tilespmem:v53+s9+$0x0], $0xffff;
	v36 =	vadd.f32 v36, v59  }
0xfb: {  	v58 =	vadd.s32 $0x2710, v25;
	v57 =	vmul.f32 v39, v31;
	v33 =	vmul.f32 v33, v28;
	v32 =	vld.idx.msk [tilespmem:v55+s9+$0x0], $0xffff  }
0xfc: {  	v60 =	vadd.s32 $0x2710, v30;
	v44 =	vld.idx.msk [tilespmem:v56+s9+$0x0], $0xffff;
	v37 =	vadd.f32 v43, v62;
	[tilespmem:s17+$0x2C0] =	vst v36  }
0xfd: {  	v52 =	vadd.s32 $0x3E80, v11;
	v33 =	vadd.f32 v33, v57;
	v46 =	vld.idx.msk [tilespmem:v61+s9+$0x0], $0xffff  }
0xfe: {  	v50 =	vadd.s32 $0x2EE0, v20;
	[tilespmem:s17+$0x3B0] =	vst v37;
	v49 =	vmul.f32 v38, v21;
	v35 =	vmul.f32 v35, v17;
	v53 =	vld.idx.msk [tilespmem:v63+s9+$0x0], $0xffff  }
0xff: {  	v51 =	vadd.s32 $0x2EE0, v26;
	v55 =	vadd.s32 $0x2EE0, v23;
	[tilespmem:s17+$0x270] =	vst v33;
	v56 =	vld.idx.msk [tilespmem:v48+s9+$0x0], $0xffff  }
0x100: {  	v39 =	vld.idx.msk [tilespmem:v58+s9+$0x0], $0xffff;
	v54 =	vmul.f32 v42, v27;
	v32 =	vmul.f32 v32, v24;
	v33 =	vadd.f32 v35, v49  }
0x101: {  	v41 =	vmul.f32 v41, v5;
	v44 =	vmul.f32 v44, v4;
	v57 =	vadd.s32 $0x2EE0, v29;
	v34 =	vld.idx.msk [tilespmem:v60+s9+$0x0], $0xffff  }
0x102: {  	v43 =	vld.idx.msk [tilespmem:v52+s9+$0x0], $0xffff;
	v58 =	vadd.s32 $0x4650, v9;
	v32 =	vadd.f32 v32, v54;
	[tilespmem:s17+$0x2D0] =	vst v33  }
0x103: {  	v41 =	vadd.f32 v44, v41;
	v49 =	vadd.s32 $0x4650, v8;
	v38 =	vld.idx.msk [tilespmem:v50+s9+$0x0], $0xffff  }
0x104: {  	v63 =	vadd.s32 $0x36B0, v16;
	v36 =	vld.idx.msk [tilespmem:v51+s9+$0x0], $0xffff;
	v61 =	vmul.f32 v46, v18;
	[tilespmem:s17+$0x2E0] =	vst v32;
	v35 =	vmul.f32 v53, v15  }
0x105: {  	v48 =	vadd.s32 $0x36B0, v22;
	v60 =	vadd.s32 $0x2EE0, v25;
	[tilespmem:s17+$0x6420] =	vst v41;
	v40 =	vld.idx.msk [tilespmem:v55+s9+$0x0], $0xffff  }
0x106: {  	v59 =	vmul.f32 v39, v31;
	v34 =	vmul.f32 v34, v28;
	v33 =	vld.idx.msk [tilespmem:v57+s9+$0x0], $0xffff;
	v35 =	vadd.f32 v35, v61  }
0x107: {  	v62 =	vadd.s32 $0x2EE0, v30;
	v42 =	vmul.f32 v56, v7;
	v41 =	vld.idx.msk [tilespmem:v58+s9+$0x0], $0xffff  }
0x108: {  	v43 =	vmul.f32 v43, v6;
	v53 =	vadd.s32 $0x4650, v10;
	v45 =	vld.idx.msk [tilespmem:v49+s9+$0x0], $0xffff;
	v34 =	vadd.f32 v34, v59;
	[tilespmem:s17+$0x340] =	vst v35  }
0x109: {  	v51 =	vadd.s32 $0x36B0, v20;
	v50 =	vmul.f32 v38, v21;
	v36 =	vmul.f32 v36, v17;
	v46 =	vld.idx.msk [tilespmem:v63+s9+$0x0], $0xffff  }
0x10a: {  	v52 =	vadd.s32 $0x36B0, v26;
	v56 =	vadd.s32 $0x36B0, v23;
	v42 =	vadd.f32 v43, v42;
	[tilespmem:s17+$0x2F0] =	vst v34;
	v54 =	vld.idx.msk [tilespmem:v48+s9+$0x0], $0xffff  }
0x10b: {  	v39 =	vld.idx.msk [tilespmem:v60+s9+$0x0], $0xffff;
	v55 =	vmul.f32 v40, v27;
	v33 =	vmul.f32 v33, v24;
	v34 =	vadd.f32 v36, v50  }
0x10c: {  	v57 =	vadd.s32 $0x36B0, v29;
	[tilespmem:s17+$0x6430] =	vst v42;
	v32 =	vld.idx.msk [tilespmem:v62+s9+$0x0], $0xffff  }
0x10d: {  	v58 =	vadd.s32 $0x4650, v11;
	v42 =	vld.idx.msk [tilespmem:v53+s9+$0x0], $0xffff;
	v33 =	vadd.f32 v33, v55;
	[tilespmem:s17+$0x350] =	vst v34  }
0x10e: {  	v48 =	vmul.f32 v41, v5;
	v45 =	vmul.f32 v45, v4;
	v50 =	vadd.s32 $0x4E20, v9;
	v38 =	vld.idx.msk [tilespmem:v51+s9+$0x0], $0xffff  }
0x10f: {  	v63 =	vadd.s32 $0x3E80, v16;
	v35 =	vld.idx.msk [tilespmem:v52+s9+$0x0], $0xffff;
	v61 =	vmul.f32 v46, v18;
	[tilespmem:s17+$0x360] =	vst v33;
	v36 =	vmul.f32 v54, v15  }
0x110: {  	v49 =	vadd.s32 $0x3E80, v22;
	v60 =	vadd.s32 $0x36B0, v25;
	v37 =	vadd.f32 v45, v48;
	v40 =	vld.idx.msk [tilespmem:v56+s9+$0x0], $0xffff  }
0x111: {  	v59 =	vmul.f32 v39, v31;
	v32 =	vmul.f32 v32, v28;
	v34 =	vld.idx.msk [tilespmem:v57+s9+$0x0], $0xffff;
	v36 =	vadd.f32 v36, v61  }
0x112: {  	v62 =	vadd.s32 $0x36B0, v30;
	v43 =	vld.idx.msk [tilespmem:v58+s9+$0x0], $0xffff;
	[tilespmem:s17+$0x64A0] =	vst v37  }
0x113: {  	v54 =	vadd.s32 $0x4E20, v8;
	v58 =	vld.idx.msk [tilespmem:v50+s9+$0x0], $0xffff;
	v32 =	vadd.f32 v32, v59;
	[tilespmem:s17+$0x3C0] =	vst v36  }
0x114: {  	v52 =	vadd.s32 $0x3E80, v20;
	v51 =	vmul.f32 v38, v21;
	v35 =	vmul.f32 v35, v17;
	v46 =	vld.idx.msk [tilespmem:v63+s9+$0x0], $0xffff  }
0x115: {  	v53 =	vadd.s32 $0x3E80, v26;
	v57 =	vadd.s32 $0x3E80, v23;
	[tilespmem:s17+$0x370] =	vst v32;
	v55 =	vld.idx.msk [tilespmem:v49+s9+$0x0], $0xffff  }
0x116: {  	v39 =	vld.idx.msk [tilespmem:v60+s9+$0x0], $0xffff;
	v56 =	vmul.f32 v40, v27;
	v34 =	vmul.f32 v34, v24;
	v32 =	vadd.f32 v35, v51  }
0x117: {  	v42 =	vmul.f32 v42, v7;
	v43 =	vmul.f32 v43, v6;
	v59 =	vadd.s32 $0x3E80, v29;
	v33 =	vld.idx.msk [tilespmem:v62+s9+$0x0], $0xffff  }
0x118: {  	v45 =	vld.idx.msk [tilespmem:v54+s9+$0x0], $0xffff;
	v60 =	vadd.s32 $0x4E20, v10;
	v34 =	vadd.f32 v34, v56;
	[tilespmem:s17+$0x3D0] =	vst v32  }
0x119: {  	v42 =	vadd.f32 v43, v42;
	v51 =	vadd.s32 $0x4E20, v11;
	v38 =	vld.idx.msk [tilespmem:v52+s9+$0x0], $0xffff  }
0x11a: {  	v49 =	vadd.s32 $0x4650, v16;
	v36 =	vld.idx.msk [tilespmem:v53+s9+$0x0], $0xffff;
	v63 =	vmul.f32 v46, v18;
	[tilespmem:s17+$0x3E0] =	vst v34;
	v35 =	vmul.f32 v55, v15  }
0x11b: {  	v50 =	vadd.s32 $0x4650, v22;
	[tilespmem:s17+$0x64B0] =	vst v42;
	v62 =	vadd.s32 $0x3E80, v25;
	v40 =	vld.idx.msk [tilespmem:v57+s9+$0x0], $0xffff  }
0x11c: {  	v61 =	vmul.f32 v39, v31;
	v33 =	vmul.f32 v33, v28;
	v32 =	vld.idx.msk [tilespmem:v59+s9+$0x0], $0xffff;
	v35 =	vadd.f32 v35, v63  }
0x11d: {  	v48 =	vadd.s32 $0x3E80, v30;
	v41 =	vmul.f32 v58, v5;
	v42 =	vld.idx.msk [tilespmem:v60+s9+$0x0], $0xffff  }
0x11e: {  	v56 =	vadd.s32 $0x55F0, v9;
	v55 =	vmul.f32 v45, v4;
	v60 =	vld.idx.msk [tilespmem:v51+s9+$0x0], $0xffff;
	v33 =	vadd.f32 v33, v61;
	[tilespmem:s17+$0x6440] =	vst v35  }
0x11f: {  	v53 =	vadd.s32 $0x4650, v20;
	v52 =	vmul.f32 v38, v21;
	v36 =	vmul.f32 v36, v17;
	v46 =	vld.idx.msk [tilespmem:v49+s9+$0x0], $0xffff  }
0x120: {  	v54 =	vadd.s32 $0x4650, v26;
	v59 =	vadd.s32 $0x4650, v23;
	v41 =	vadd.f32 v55, v41;
	[tilespmem:s17+$0x3F0] =	vst v33;
	v57 =	vld.idx.msk [tilespmem:v50+s9+$0x0], $0xffff  }
0x121: {  	v39 =	vld.idx.msk [tilespmem:v62+s9+$0x0], $0xffff;
	v58 =	vmul.f32 v40, v27;
	v32 =	vmul.f32 v32, v24;
	v33 =	vadd.f32 v36, v52  }
0x122: {  	v61 =	vadd.s32 $0x4650, v29;
	[tilespmem:s17+$0x6520] =	vst v41;
	v34 =	vld.idx.msk [tilespmem:v48+s9+$0x0], $0xffff  }
0x123: {  	v41 =	vld.idx.msk [tilespmem:v56+s9+$0x0], $0xffff;
	v62 =	vadd.s32 $0x55F0, v8;
	v32 =	vadd.f32 v32, v58;
	[tilespmem:s17+$0x6450] =	vst v33  }
0x124: {  	v52 =	vmul.f32 v42, v7;
	v43 =	vmul.f32 v60, v6;
	v58 =	vadd.s32 $0x55F0, v11;
	v38 =	vld.idx.msk [tilespmem:v53+s9+$0x0], $0xffff  }
0x125: {  	v51 =	vadd.s32 $0x4E20, v16;
	v35 =	vld.idx.msk [tilespmem:v54+s9+$0x0], $0xffff;
	v49 =	vmul.f32 v46, v18;
	[tilespmem:s17+$0x6460] =	vst v32;
	v36 =	vmul.f32 v57, v15  }
0x126: {  	v48 =	vadd.s32 $0x4650, v25;
	v37 =	vadd.f32 v43, v52;
	v53 =	vadd.s32 $0x4E20, v22;
	v40 =	vld.idx.msk [tilespmem:v59+s9+$0x0], $0xffff  }
0x127: {  	v63 =	vmul.f32 v39, v31;
	v34 =	vmul.f32 v34, v28;
	v33 =	vld.idx.msk [tilespmem:v61+s9+$0x0], $0xffff;
	v36 =	vadd.f32 v36, v49  }
0x128: {  	v50 =	vadd.s32 $0x4650, v30;
	v44 =	vld.idx.msk [tilespmem:v62+s9+$0x0], $0xffff;
	[tilespmem:s17+$0x6530] =	vst v37  }
0x129: {  	v54 =	vadd.s32 $0x55F0, v10;
	v34 =	vadd.f32 v34, v63;
	v43 =	vld.idx.msk [tilespmem:v58+s9+$0x0], $0xffff;
	[tilespmem:s17+$0x64C0] =	vst v36  }
0x12a: {  	v56 =	vadd.s32 $0x4E20, v20;
	v55 =	vmul.f32 v38, v21;
	v35 =	vmul.f32 v35, v17;
	v46 =	vld.idx.msk [tilespmem:v51+s9+$0x0], $0xffff  }
0x12b: {  	v57 =	vadd.s32 $0x4E20, v26;
	v61 =	vadd.s32 $0x4E20, v23;
	[tilespmem:s17+$0x6470] =	vst v34;
	v59 =	vld.idx.msk [tilespmem:v53+s9+$0x0], $0xffff  }
0x12c: {  	v39 =	vld.idx.msk [tilespmem:v48+s9+$0x0], $0xffff;
	v60 =	vmul.f32 v40, v27;
	v33 =	vmul.f32 v33, v24;
	v34 =	vadd.f32 v35, v55  }
0x12d: {  	v41 =	vmul.f32 v41, v5;
	v63 =	vadd.s32 $0x4E20, v29;
	v32 =	vld.idx.msk [tilespmem:v50+s9+$0x0], $0xffff;
	v44 =	vmul.f32 v44, v4  }
0x12e: {  	v62 =	vld.idx.msk [tilespmem:v54+s9+$0x0], $0xffff;
	v48 =	vadd.s32 $0x5DC0, v9;
	v33 =	vadd.f32 v33, v60;
	[tilespmem:s17+$0x64D0] =	vst v34  }
0x12f: {  	v55 =	vadd.s32 $0x5DC0, v8;
	v41 =	vadd.f32 v44, v41;
	v38 =	vld.idx.msk [tilespmem:v56+s9+$0x0], $0xffff  }
0x130: {  	v53 =	vadd.s32 $0x55F0, v16;
	v36 =	vld.idx.msk [tilespmem:v57+s9+$0x0], $0xffff;
	v51 =	vmul.f32 v46, v18;
	[tilespmem:s17+$0x64E0] =	vst v33;
	v35 =	vmul.f32 v59, v15  }
0x131: {  	v54 =	vadd.s32 $0x55F0, v22;
	v50 =	vadd.s32 $0x4E20, v25;
	[tilespmem:s17+$0x65A0] =	vst v41;
	v40 =	vld.idx.msk [tilespmem:v61+s9+$0x0], $0xffff  }
0x132: {  	v49 =	vmul.f32 v39, v31;
	v32 =	vmul.f32 v32, v28;
	v34 =	vld.idx.msk [tilespmem:v63+s9+$0x0], $0xffff;
	v35 =	vadd.f32 v35, v51  }
0x133: {  	v52 =	vadd.s32 $0x4E20, v30;
	v43 =	vmul.f32 v43, v6;
	v42 =	vmul.f32 v62, v7;
	v41 =	vld.idx.msk [tilespmem:v48+s9+$0x0], $0xffff  }
0x134: {  	v59 =	vadd.s32 $0x5DC0, v10;
	v45 =	vld.idx.msk [tilespmem:v55+s9+$0x0], $0xffff;
	v32 =	vadd.f32 v32, v49;
	[tilespmem:s17+$0x6540] =	vst v35  }
0x135: {  	v48 =	vadd.s32 $0x5DC0, v11;
	v42 =	vadd.f32 v43, v42;
	v46 =	vld.idx.msk [tilespmem:v53+s9+$0x0], $0xffff  }
0x136: {  	v57 =	vadd.s32 $0x55F0, v20;
	[tilespmem:s17+$0x64F0] =	vst v32;
	v56 =	vmul.f32 v38, v21;
	v36 =	vmul.f32 v36, v17;
	v60 =	vld.idx.msk [tilespmem:v54+s9+$0x0], $0xffff  }
0x137: {  	v58 =	vadd.s32 $0x55F0, v26;
	v39 =	vld.idx.msk [tilespmem:v50+s9+$0x0], $0xffff  }
0x138: {  	[tilespmem:s17+$0x65B0] =	vst v42;
	v33 =	vld.idx.msk [tilespmem:v52+s9+$0x0], $0xffff;
	v32 =	vadd.f32 v36, v56  }
0x139: {  	v62 =	vadd.s32 $0x55F0, v23;
	v42 =	vld.idx.msk [tilespmem:v59+s9+$0x0], $0xffff;
	v61 =	vmul.f32 v40, v27;
	v34 =	vmul.f32 v34, v24  }
0x13a: {  	v63 =	vadd.s32 $0x55F0, v29;
	v53 =	vadd.s32 $0x5DC0, v16;
	v43 =	vld.idx.msk [tilespmem:v48+s9+$0x0], $0xffff;
	[tilespmem:s17+$0x6550] =	vst v32  }
0x13b: {  	v34 =	vadd.f32 v34, v61;
	v38 =	vld.idx.msk [tilespmem:v57+s9+$0x0], $0xffff;
	v51 =	vmul.f32 v46, v18;
	v36 =	vmul.f32 v60, v15  }
0x13c: {  	v55 =	vadd.s32 $0x5DC0, v22;
	v50 =	vadd.s32 $0x55F0, v25;
	v35 =	vld.idx.msk [tilespmem:v58+s9+$0x0], $0xffff  }
0x13d: {  	[tilespmem:s17+$0x6560] =	vst v34;
	v49 =	vmul.f32 v39, v31;
	v33 =	vmul.f32 v33, v28;
	v36 =	vadd.f32 v36, v51  }
0x13e: {  	v52 =	vadd.s32 $0x55F0, v30;
	v54 =	vmul.f32 v41, v5;
	v45 =	vmul.f32 v45, v4;
	v40 =	vld.idx.msk [tilespmem:v62+s9+$0x0], $0xffff  }
0x13f: {  	v56 =	vadd.s32 $0x6590, v9;
	v32 =	vld.idx.msk [tilespmem:v63+s9+$0x0], $0xffff;
	v33 =	vadd.f32 v33, v49;
	[tilespmem:s17+$0x65C0] =	vst v36  }
0x140: {  	v37 =	vadd.f32 v45, v54;
	v60 =	vadd.s32 $0x6590, v8;
	v46 =	vld.idx.msk [tilespmem:v53+s9+$0x0], $0xffff  }
0x141: {  	v58 =	vadd.s32 $0x5DC0, v20;
	[tilespmem:s17+$0x6570] =	vst v33;
	v57 =	vmul.f32 v38, v21;
	v35 =	vmul.f32 v35, v17;
	v61 =	vld.idx.msk [tilespmem:v55+s9+$0x0], $0xffff  }
0x142: {  	v59 =	vadd.s32 $0x5DC0, v26;
	v42 =	vmul.f32 v42, v7;
	v39 =	vld.idx.msk [tilespmem:v50+s9+$0x0], $0xffff  }
0x143: {  	[tilespmem:s17+$0x6620] =	vst v37;
	v43 =	vmul.f32 v43, v6;
	v53 =	vadd.s32 $0x6590, v11;
	v34 =	vld.idx.msk [tilespmem:v52+s9+$0x0], $0xffff;
	v33 =	vadd.f32 v35, v57  }
0x144: {  	v63 =	vadd.s32 $0x5DC0, v23;
	v48 =	vld.idx.msk [tilespmem:v56+s9+$0x0], $0xffff;
	v62 =	vmul.f32 v40, v27;
	v32 =	vmul.f32 v32, v24  }
0x145: {  	v49 =	vadd.s32 $0x5DC0, v29;
	v42 =	vadd.f32 v43, v42;
	v45 =	vld.idx.msk [tilespmem:v60+s9+$0x0], $0xffff;
	[tilespmem:s17+$0x65D0] =	vst v33  }
0x146: {  	v50 =	vadd.s32 $0x6590, v10;
	v32 =	vadd.f32 v32, v62;
	v38 =	vld.idx.msk [tilespmem:v58+s9+$0x0], $0xffff  }
0x147: {  	[tilespmem:s17+$0x6630] =	vst v42;
	v55 =	vadd.s32 $0x6590, v16;
	v36 =	vld.idx.msk [tilespmem:v59+s9+$0x0], $0xffff;
	v46 =	vmul.f32 v46, v18;
	v35 =	vmul.f32 v61, v15  }
0x148: {  	v52 =	vadd.s32 $0x5DC0, v25;
	[tilespmem:s17+$0x65E0] =	vst v32;
	v43 =	vld.idx.msk [tilespmem:v53+s9+$0x0], $0xffff;
	v51 =	vmul.f32 v39, v31;
	v34 =	vmul.f32 v34, v28  }
0x149: {  	v54 =	vadd.s32 $0x5DC0, v30;
	v56 =	vadd.s32 $0x6590, v22;
	v40 =	vld.idx.msk [tilespmem:v63+s9+$0x0], $0xffff;
	v35 =	vadd.f32 v35, v46  }
0x14a: {  	v41 =	vmul.f32 v48, v5;
	v45 =	vmul.f32 v45, v4;
	v33 =	vld.idx.msk [tilespmem:v49+s9+$0x0], $0xffff;
	v34 =	vadd.f32 v34, v51  }
0x14b: {  	v60 =	vadd.s32 $0x6D60, v9;
	v42 =	vld.idx.msk [tilespmem:v50+s9+$0x0], $0xffff;
	[tilespmem:s17+$0x6640] =	vst v35  }
0x14c: {  	v49 =	vadd.s32 $0x6D60, v8;
	v41 =	vadd.f32 v45, v41;
	[tilespmem:s17+$0x65F0] =	vst v34;
	v61 =	vld.idx.msk [tilespmem:v55+s9+$0x0], $0xffff  }
0x14d: {  	v58 =	vadd.s32 $0x6590, v20;
	v57 =	vmul.f32 v38, v21;
	v36 =	vmul.f32 v36, v17;
	v39 =	vld.idx.msk [tilespmem:v52+s9+$0x0], $0xffff  }
0x14e: {  	v59 =	vadd.s32 $0x6590, v26;
	v63 =	vadd.s32 $0x6590, v23;
	[tilespmem:s17+$0x66A0] =	vst v41;
	v32 =	vld.idx.msk [tilespmem:v54+s9+$0x0], $0xffff  }
0x14f: {  	v44 =	vld.idx.msk [tilespmem:v56+s9+$0x0], $0xffff;
	v62 =	vmul.f32 v40, v27;
	v33 =	vmul.f32 v33, v24;
	v34 =	vadd.f32 v36, v57  }
0x150: {  	v48 =	vadd.s32 $0x6590, v29;
	v35 =	vld.idx.msk [tilespmem:v60+s9+$0x0], $0xffff;
	v43 =	vmul.f32 v43, v6;
	v42 =	vmul.f32 v42, v7  }
0x151: {  	v53 =	vadd.s32 $0x6D60, v10;
	v56 =	vld.idx.msk [tilespmem:v49+s9+$0x0], $0xffff;
	v33 =	vadd.f32 v33, v62;
	[tilespmem:s17+$0x6650] =	vst v34  }
0x152: {  	v55 =	vadd.s32 $0x6D60, v11;
	v54 =	vadd.f32 v43, v42;
	v38 =	vld.idx.msk [tilespmem:v58+s9+$0x0], $0xffff  }
0x153: {  	v51 =	vadd.s32 $0x6590, v25;
	v50 =	vld.idx.msk [tilespmem:v59+s9+$0x0], $0xffff;
	[tilespmem:s17+$0x6660] =	vst v33;
	v39 =	vmul.f32 v39, v31;
	v32 =	vmul.f32 v32, v28  }
0x154: {  	v52 =	vadd.s32 $0x6590, v30;
	v36 =	vmul.f32 v61, v18;
	v40 =	vld.idx.msk [tilespmem:v63+s9+$0x0], $0xffff  }
0x155: {  	v57 =	vadd.s32 $0x6D60, v16;
	v44 =	vmul.f32 v44, v15;
	[tilespmem:s17+$0x66B0] =	vst v54;
	v34 =	vld.idx.msk [tilespmem:v48+s9+$0x0], $0xffff;
	v32 =	vadd.f32 v32, v39  }
0x156: {  	v58 =	vadd.s32 $0x6D60, v22;
	v35 =	vmul.f32 v35, v5;
	v60 =	vld.idx.msk [tilespmem:v53+s9+$0x0], $0xffff  }
0x157: {  	v9 =	vadd.s32 $0x7530, v9;
	v42 =	vld.idx.msk [tilespmem:v55+s9+$0x0], $0xffff;
	v49 =	vmul.f32 v56, v4;
	v36 =	vadd.f32 v44, v36;
	[tilespmem:s17+$0x6670] =	vst v32  }
0x158: {  	v8 =	vadd.s32 $0x7530, v8;
	v41 =	vld.idx.msk [tilespmem:v51+s9+$0x0], $0xffff  }
0x159: {  	v35 =	vadd.f32 v49, v35;
	[tilespmem:s17+$0x66C0] =	vst v36;
	v33 =	vld.idx.msk [tilespmem:v52+s9+$0x0], $0xffff  }
0x15a: {  	v59 =	vadd.s32 $0x6D60, v20;
	v38 =	vmul.f32 v38, v21;
	v37 =	vmul.f32 v50, v17;
	v45 =	vld.idx.msk [tilespmem:v57+s9+$0x0], $0xffff  }
0x15b: {  	v61 =	vadd.s32 $0x6D60, v26;
	v63 =	vadd.s32 $0x6D60, v23;
	v32 =	vld.idx.msk [tilespmem:v58+s9+$0x0], $0xffff;
	[tilespmem:s17+$0x6720] =	vst v35  }
0x15c: {  	v62 =	vmul.f32 v40, v27;
	v34 =	vmul.f32 v34, v24;
	v9 =	vld.idx.msk [tilespmem:v9+s9+$0x0], $0xffff;
	v37 =	vadd.f32 v37, v38  }
0x15d: {  	v48 =	vadd.s32 $0x6D60, v29;
	v52 =	vadd.s32 $0x6D60, v25;
	v8 =	vld.idx.msk [tilespmem:v8+s9+$0x0], $0xffff  }
0x15e: {  	v34 =	vadd.f32 v34, v62;
	[tilespmem:s17+$0x66D0] =	vst v37;
	v51 =	vmul.f32 v41, v31;
	v33 =	vmul.f32 v33, v28  }
0x15f: {  	v54 =	vadd.s32 $0x6D60, v30;
	v56 =	vmul.f32 v60, v7;
	v57 =	vmul.f32 v42, v6;
	v50 =	vld.idx.msk [tilespmem:v59+s9+$0x0], $0xffff  }
0x160: {  	v10 =	vadd.s32 $0x7530, v10;
	v53 =	vld.idx.msk [tilespmem:v61+s9+$0x0], $0xffff;
	[tilespmem:s17+$0x66E0] =	vst v34;
	v33 =	vadd.f32 v33, v51  }
0x161: {  	v11 =	vadd.s32 $0x7530, v11;
	v35 =	vadd.f32 v57, v56;
	v55 =	vld.idx.msk [tilespmem:v63+s9+$0x0], $0xffff  }
0x162: {  	v16 =	vadd.s32 $0x7530, v16;
	v59 =	vmul.f32 v45, v18;
	v32 =	vmul.f32 v32, v15;
	v58 =	vld.idx.msk [tilespmem:v48+s9+$0x0], $0xffff;
	[tilespmem:s17+$0x66F0] =	vst v33  }
0x163: {  	v22 =	vadd.s32 $0x7530, v22;
	v60 =	vld.idx.msk [tilespmem:v52+s9+$0x0], $0xffff  }
0x164: {  	[tilespmem:s17+$0x6730] =	vst v35;
	v32 =	vadd.f32 v32, v59;
	v61 =	vld.idx.msk [tilespmem:v54+s9+$0x0], $0xffff  }
0x165: {  	v20 =	vadd.s32 $0x7530, v20;
	v10 =	vld.idx.msk [tilespmem:v10+s9+$0x0], $0xffff;
	v62 =	vmul.f32 v50, v21;
	v63 =	vmul.f32 v53, v17  }
0x166: {  	v26 =	vadd.s32 $0x7530, v26;
	v23 =	vadd.s32 $0x7530, v23;
	v11 =	vld.idx.msk [tilespmem:v11+s9+$0x0], $0xffff;
	[tilespmem:s17+$0x6740] =	vst v32  }
0x167: {  	v16 =	vld.idx.msk [tilespmem:v16+s9+$0x0], $0xffff;
	v41 =	vmul.f32 v55, v27;
	v42 =	vmul.f32 v58, v24;
	v43 =	vadd.f32 v63, v62  }
0x168: {  	v29 =	vadd.s32 $0x7530, v29;
	v25 =	vadd.s32 $0x7530, v25;
	v22 =	vld.idx.msk [tilespmem:v22+s9+$0x0], $0xffff  }
0x169: {  	v44 =	vadd.f32 v42, v41;
	[tilespmem:s17+$0x6750] =	vst v43;
	v45 =	vmul.f32 v60, v31;
	v33 =	vmul.f32 v61, v28  }
0x16a: {  	v30 =	vadd.s32 $0x7530, v30;
	v20 =	vld.idx.msk [tilespmem:v20+s9+$0x0], $0xffff  }
0x16b: {  	[tilespmem:s17+$0x6760] =	vst v44;
	v26 =	vld.idx.msk [tilespmem:v26+s9+$0x0], $0xffff;
	v32 =	vadd.f32 v33, v45  }
0x16c: {  	v23 =	vld.idx.msk [tilespmem:v23+s9+$0x0], $0xffff  }
0x16d: {  	v1 =	vmul.f32 v12, v1;
	v0 =	vmul.f32 v13, v0;
	v46 =	vld.idx.msk [tilespmem:v29+s9+$0x0], $0xffff;
	[tilespmem:s17+$0x6770] =	vst v32  }
0x16e: {  	v3 =	vmul.f32 v14, v3;
	v2 =	vmul.f32 v19, v2;
	v47 =	vld.idx.msk [tilespmem:v25+s9+$0x0], $0xffff  }
0x16f: {  	v0 =	vadd.f32 v0, v1;
	v48 =	vmul.f32 v9, v5;
	v4 =	vmul.f32 v8, v4;
	v49 =	vld.idx.msk [tilespmem:v30+s9+$0x0], $0xffff  }
0x170: {  	v2 =	vadd.f32 v2, v3;
	v50 =	vmul.f32 v10, v7;
	v6 =	vmul.f32 v11, v6  }
0x171: {  	[tilespmem:s17+$0x6780] =	vst v0;
	v51 =	vadd.f32 v4, v48;
	v52 =	vmul.f32 v16, v18;
	v53 =	vmul.f32 v22, v15  }
0x172: {  	s15 =	sadd.s32 $0x8, s15;
	[tilespmem:s17+$0x6790] =	vst v2;
	v54 =	vadd.f32 v6, v50;
	v55 =	vmul.f32 v20, v21;
	v56 =	vmul.f32 v26, v17  }
0x173: {  	p0 =	slt.u32 s15, $0xC0;
	[tilespmem:s17+$0x67A0] =	vst v51;
	v57 =	vadd.f32 v53, v52;
	v58 =	vmul.f32 v23, v27;
	v59 =	vmul.f32 v46, v24  }
.Ltmp0:
0x174: {  	[tilespmem:s17+$0x67B0] =	vst v54;
	v60 =	vadd.f32 v56, v55;
	v61 =	vmul.f32 v47, v31;
	v5 =	vmul.f32 v49, v28;
	(pc) =	sbr.rel @p0 .LBB2_2-.Ltmp0, $4  }
0x175: {  	[tilespmem:s17+$0x67C0] =	vst v57;
	v62 =	vadd.f32 v59, v58  }
0x176: {  	[tilespmem:s17+$0x67D0] =	vst v60;
	v63 =	vadd.f32 v5, v61  }
0x177: {  	[tilespmem:s17+$0x67E0] =	vst v62  }
0x178: {  	s16 =	sadd.s32 $0x80, s16;
	[tilespmem:s17+$0x67F0] =	vst v63;
	s17 =	sadd.s32 $0x400, s17  }
0x179: {  	s15 =	simm.s32 $0x8980  }
0x17a: {  	[hbm4b:s5+s11] =	stream.strided.scatter [tilespmem:s15], [sflag:$0x1], $0xC800, s12, s11, $0x38;
	[tilespmem:$0x15180] =	vst v63  }
0x17b: {  	_ =	swait.ge [sflag:s10], $0xC800  }
0x17c: {  	[sflag:s10] =	ssyncset.done $0x0  }
0x17d: {  	[sflag:s10] =	ssyncadd.s32 $0xFFFF3800  }
0x17e: {  	[tilespmem:s2], [sflag:$0x1] =	stream.linear.gather [hbm4b:s6+s2], $0xC80, $0x38;
	[tilespmem:$0x15180] =	vst v63  }
0x17f: {  	_ =	swait.ge [sflag:s10], $0xC80  }
0x180: {  	[sflag:s10] =	ssyncset.done $0x0  }
0x181: {  	s16 =	simm.s32 $0xFFFFFFF8;
	s17 =	simm.s32 $0x40;
	[sflag:s10] =	ssyncadd.s32 $0xFFFFF380  }
.LBB2_4:
0x182: {  	v0 =	vld [tilespmem:s17+$0xFFFFFFC0];
	_ =	sdelay $0x1  }
0x183: {  	v1 =	vld [tilespmem:s17+$0xFFFFFFD0];
	_ =	sdelay $0x2  }
0x184: {  	v0 =	vmax.f32 v0, $0.0e+00  }
0x185: {  	v0 =	vmin.f32 v0, $1.000000000e+03  }
0x186: {  	v1 =	vmax.f32 v1, $0.0e+00;
	v0 =	vmul.f32 $1.998999950e+00, v0  }
0x187: {  	v1 =	vmin.f32 v1, $1.000000000e+03  }
0x188: {  	v3 =	vmul.f32 $1.998999950e+00, v1;
	v2 =	vtrunc.f32 v0  }
0x189: {  	v12 =	vcvt.f32.s32 v2  }
0x18a: {  	v1 =	vtrunc.f32 v3  }
0x18b: {  	v13 =	vcvt.f32.s32 v1;
	v2 =	vadd.s32 $0x1, v12  }
0x18c: {  	vm0 =	vlt.s32 v2, $0x7CF  }
0x18d: {  	v1 =	vadd.s32 $0x1, v13;
	v14 =	vnsel vm0, $0x7CF, v2  }
0x18e: {  	vm9 =	vlt.s32 v1, $0x7CF  }
0x18f: {  	v15 =	vnsel vm9, $0x7CF, v1;
	_ =	sdelay $0x1  }
0x190: {  	v43 =	vcvt.s32.f32 v12;
	v4 =	vld.idx.msk [tilespmem:v12+s9+$0x0], $0xffff  }
0x191: {  	v5 =	vld.idx.msk [tilespmem:v14+s9+$0x0], $0xffff  }
0x192: {  	v44 =	vcvt.s32.f32 v13;
	v0 =	vsub.f32 v0, v43;
	v6 =	vld.idx.msk [tilespmem:v13+s9+$0x0], $0xffff  }
0x193: {  	v8 =	vld.idx.msk [tilespmem:v15+s9+$0x0], $0xffff  }
0x194: {  	v2 =	vsub.f32 v3, v44;
	v1 =	vsub.f32 $1.000000000e+00, v0  }
0x195: {  	v7 =	vadd.s32 $0x7D0, v12  }
0x196: {  	v3 =	vsub.f32 $1.000000000e+00, v2;
	v4 =	vmul.f32 v1, v4;
	v5 =	vmul.f32 v0, v5  }
0x197: {  	v47 =	vadd.s32 $0x7D0, v13;
	v9 =	vadd.s32 $0x7D0, v14  }
0x198: {  	v45 =	vmul.f32 v3, v6;
	v46 =	vmul.f32 v2, v8;
	v4 =	vadd.f32 v4, v5  }
0x199: {  	v49 =	vadd.s32 $0x7D0, v15  }
0x19a: {  	v5 =	vadd.f32 v45, v46;
	[tilespmem:s15+$0x0] =	vst v4  }
0x19b: {  	v4 =	vld.idx.msk [tilespmem:v7+s9+$0x0], $0xffff  }
0x19c: {  	[tilespmem:s15+$0x10] =	vst v5;
	v48 =	vld.idx.msk [tilespmem:v9+s9+$0x0], $0xffff  }
0x19d: {  	v5 =	vld.idx.msk [tilespmem:v47+s9+$0x0], $0xffff  }
0x19e: {  	v52 =	vld.idx.msk [tilespmem:v49+s9+$0x0], $0xffff;
	_ =	sdelay $0x2  }
0x19f: {  	v51 =	vadd.s32 $0xFA0, v12;
	v4 =	vmul.f32 v1, v4;
	v50 =	vmul.f32 v0, v48  }
0x1a0: {  	v55 =	vadd.s32 $0xFA0, v13;
	v53 =	vadd.s32 $0xFA0, v14  }
0x1a1: {  	v5 =	vmul.f32 v3, v5;
	v54 =	vmul.f32 v2, v52;
	v4 =	vadd.f32 v4, v50  }
0x1a2: {  	v57 =	vadd.s32 $0xFA0, v15  }
0x1a3: {  	v5 =	vadd.f32 v5, v54;
	[tilespmem:s15+$0x80] =	vst v4  }
0x1a4: {  	v4 =	vld.idx.msk [tilespmem:v51+s9+$0x0], $0xffff  }
0x1a5: {  	[tilespmem:s15+$0x90] =	vst v5;
	v56 =	vld.idx.msk [tilespmem:v53+s9+$0x0], $0xffff  }
0x1a6: {  	v5 =	vld.idx.msk [tilespmem:v55+s9+$0x0], $0xffff  }
0x1a7: {  	v60 =	vld.idx.msk [tilespmem:v57+s9+$0x0], $0xffff;
	_ =	sdelay $0x2  }
0x1a8: {  	v59 =	vadd.s32 $0x1770, v12;
	v4 =	vmul.f32 v1, v4;
	v58 =	vmul.f32 v56, v0  }
0x1a9: {  	v63 =	vadd.s32 $0x1770, v13;
	v61 =	vadd.s32 $0x1770, v14  }
0x1aa: {  	v5 =	vmul.f32 v3, v5;
	v62 =	vmul.f32 v60, v2;
	v4 =	vadd.f32 v58, v4  }
0x1ab: {  	v17 =	vadd.s32 $0x1770, v15  }
0x1ac: {  	v5 =	vadd.f32 v62, v5;
	[tilespmem:s15+$0x100] =	vst v4  }
0x1ad: {  	v4 =	vld.idx.msk [tilespmem:v59+s9+$0x0], $0xffff  }
0x1ae: {  	[tilespmem:s15+$0x110] =	vst v5;
	v16 =	vld.idx.msk [tilespmem:v61+s9+$0x0], $0xffff  }
0x1af: {  	v5 =	vld.idx.msk [tilespmem:v63+s9+$0x0], $0xffff  }
0x1b0: {  	v20 =	vld.idx.msk [tilespmem:v17+s9+$0x0], $0xffff;
	_ =	sdelay $0x2  }
0x1b1: {  	v19 =	vadd.s32 $0x1F40, v12;
	v4 =	vmul.f32 v4, v1;
	v18 =	vmul.f32 v16, v0  }
0x1b2: {  	v23 =	vadd.s32 $0x1F40, v13;
	v21 =	vadd.s32 $0x1F40, v14  }
0x1b3: {  	v5 =	vmul.f32 v5, v3;
	v22 =	vmul.f32 v20, v2;
	v4 =	vadd.f32 v18, v4  }
0x1b4: {  	v25 =	vadd.s32 $0x1F40, v15  }
0x1b5: {  	v5 =	vadd.f32 v22, v5;
	[tilespmem:s15+$0x180] =	vst v4  }
0x1b6: {  	v4 =	vld.idx.msk [tilespmem:v19+s9+$0x0], $0xffff  }
0x1b7: {  	[tilespmem:s15+$0x190] =	vst v5;
	v24 =	vld.idx.msk [tilespmem:v21+s9+$0x0], $0xffff  }
0x1b8: {  	v5 =	vld.idx.msk [tilespmem:v23+s9+$0x0], $0xffff  }
0x1b9: {  	v28 =	vld.idx.msk [tilespmem:v25+s9+$0x0], $0xffff;
	_ =	sdelay $0x2  }
0x1ba: {  	v27 =	vadd.s32 $0x2710, v12;
	v4 =	vmul.f32 v4, v1;
	v26 =	vmul.f32 v24, v0  }
0x1bb: {  	v31 =	vadd.s32 $0x2710, v13;
	v29 =	vadd.s32 $0x2710, v14  }
0x1bc: {  	v5 =	vmul.f32 v5, v3;
	v30 =	vmul.f32 v28, v2;
	v4 =	vadd.f32 v26, v4  }
0x1bd: {  	v33 =	vadd.s32 $0x2710, v15  }
0x1be: {  	v5 =	vadd.f32 v30, v5;
	[tilespmem:s15+$0x200] =	vst v4  }
0x1bf: {  	v4 =	vld.idx.msk [tilespmem:v27+s9+$0x0], $0xffff  }
0x1c0: {  	[tilespmem:s15+$0x210] =	vst v5;
	v32 =	vld.idx.msk [tilespmem:v29+s9+$0x0], $0xffff  }
0x1c1: {  	v5 =	vld.idx.msk [tilespmem:v31+s9+$0x0], $0xffff  }
0x1c2: {  	v36 =	vld.idx.msk [tilespmem:v33+s9+$0x0], $0xffff;
	_ =	sdelay $0x2  }
0x1c3: {  	v35 =	vadd.s32 $0x2EE0, v12;
	v4 =	vmul.f32 v4, v1;
	v34 =	vmul.f32 v32, v0  }
0x1c4: {  	v39 =	vadd.s32 $0x2EE0, v13;
	v37 =	vadd.s32 $0x2EE0, v14  }
0x1c5: {  	v5 =	vmul.f32 v5, v3;
	v38 =	vmul.f32 v36, v2;
	v4 =	vadd.f32 v34, v4  }
0x1c6: {  	v41 =	vadd.s32 $0x2EE0, v15  }
0x1c7: {  	v5 =	vadd.f32 v38, v5;
	[tilespmem:s15+$0x280] =	vst v4  }
0x1c8: {  	v4 =	vld.idx.msk [tilespmem:v35+s9+$0x0], $0xffff  }
0x1c9: {  	[tilespmem:s15+$0x290] =	vst v5;
	v40 =	vld.idx.msk [tilespmem:v37+s9+$0x0], $0xffff  }
0x1ca: {  	v5 =	vld.idx.msk [tilespmem:v39+s9+$0x0], $0xffff  }
0x1cb: {  	v44 =	vld.idx.msk [tilespmem:v41+s9+$0x0], $0xffff;
	_ =	sdelay $0x2  }
0x1cc: {  	v43 =	vadd.s32 $0x36B0, v12;
	v4 =	vmul.f32 v4, v1;
	v42 =	vmul.f32 v40, v0  }
0x1cd: {  	v45 =	vadd.s32 $0x36B0, v14;
	v47 =	vadd.s32 $0x36B0, v13  }
0x1ce: {  	v5 =	vmul.f32 v5, v3;
	v46 =	vmul.f32 v44, v2;
	v4 =	vadd.f32 v42, v4  }
0x1cf: {  	v49 =	vadd.s32 $0x36B0, v15  }
0x1d0: {  	v5 =	vadd.f32 v46, v5;
	[tilespmem:s15+$0x300] =	vst v4  }
0x1d1: {  	v4 =	vld.idx.msk [tilespmem:v43+s9+$0x0], $0xffff  }
0x1d2: {  	[tilespmem:s15+$0x310] =	vst v5;
	v48 =	vld.idx.msk [tilespmem:v45+s9+$0x0], $0xffff  }
0x1d3: {  	v5 =	vld.idx.msk [tilespmem:v47+s9+$0x0], $0xffff  }
0x1d4: {  	v52 =	vld.idx.msk [tilespmem:v49+s9+$0x0], $0xffff;
	_ =	sdelay $0x2  }
0x1d5: {  	v51 =	vadd.s32 $0x3E80, v12;
	v4 =	vmul.f32 v4, v1;
	v50 =	vmul.f32 v48, v0  }
0x1d6: {  	v53 =	vadd.s32 $0x3E80, v14;
	v55 =	vadd.s32 $0x3E80, v13  }
0x1d7: {  	v5 =	vmul.f32 v5, v3;
	v54 =	vmul.f32 v52, v2;
	v4 =	vadd.f32 v50, v4  }
0x1d8: {  	v57 =	vadd.s32 $0x3E80, v15  }
0x1d9: {  	v5 =	vadd.f32 v54, v5;
	[tilespmem:s15+$0x380] =	vst v4  }
0x1da: {  	v4 =	vld.idx.msk [tilespmem:v51+s9+$0x0], $0xffff  }
0x1db: {  	[tilespmem:s15+$0x390] =	vst v5;
	v56 =	vld.idx.msk [tilespmem:v53+s9+$0x0], $0xffff  }
0x1dc: {  	v5 =	vld.idx.msk [tilespmem:v55+s9+$0x0], $0xffff  }
0x1dd: {  	v60 =	vld.idx.msk [tilespmem:v57+s9+$0x0], $0xffff;
	_ =	sdelay $0x2  }
0x1de: {  	v59 =	vadd.s32 $0x4650, v12;
	v4 =	vmul.f32 v4, v1;
	v58 =	vmul.f32 v56, v0  }
0x1df: {  	v61 =	vadd.s32 $0x4650, v14;
	v63 =	vadd.s32 $0x4650, v13  }
0x1e0: {  	v5 =	vmul.f32 v5, v3;
	v62 =	vmul.f32 v60, v2;
	v4 =	vadd.f32 v58, v4  }
0x1e1: {  	v17 =	vadd.s32 $0x4650, v15  }
0x1e2: {  	v5 =	vadd.f32 v62, v5;
	[tilespmem:s15+$0x6400] =	vst v4  }
0x1e3: {  	v4 =	vld.idx.msk [tilespmem:v59+s9+$0x0], $0xffff  }
0x1e4: {  	[tilespmem:s15+$0x6410] =	vst v5;
	v16 =	vld.idx.msk [tilespmem:v61+s9+$0x0], $0xffff  }
0x1e5: {  	v5 =	vld.idx.msk [tilespmem:v63+s9+$0x0], $0xffff  }
0x1e6: {  	v20 =	vld.idx.msk [tilespmem:v17+s9+$0x0], $0xffff;
	_ =	sdelay $0x2  }
0x1e7: {  	v19 =	vadd.s32 $0x4E20, v12;
	v4 =	vmul.f32 v4, v1;
	v18 =	vmul.f32 v16, v0  }
0x1e8: {  	v21 =	vadd.s32 $0x4E20, v14;
	v23 =	vadd.s32 $0x4E20, v13  }
0x1e9: {  	v5 =	vmul.f32 v5, v3;
	v22 =	vmul.f32 v20, v2;
	v4 =	vadd.f32 v18, v4  }
0x1ea: {  	v25 =	vadd.s32 $0x4E20, v15  }
0x1eb: {  	v28 =	vld [tilespmem:s17+$0xFFFFFFE0];
	v5 =	vadd.f32 v22, v5;
	[tilespmem:s15+$0x6480] =	vst v4  }
0x1ec: {  	v4 =	vld.idx.msk [tilespmem:v19+s9+$0x0], $0xffff  }
0x1ed: {  	[tilespmem:s15+$0x6490] =	vst v5;
	v24 =	vld.idx.msk [tilespmem:v21+s9+$0x0], $0xffff  }
0x1ee: {  	v5 =	vld.idx.msk [tilespmem:v23+s9+$0x0], $0xffff  }
0x1ef: {  	v6 =	vld.idx.msk [tilespmem:v25+s9+$0x0], $0xffff;
	_ =	sdelay $0x1  }
0x1f0: {  	v27 =	vadd.s32 $0x55F0, v12  }
0x1f1: {  	v29 =	vmax.f32 v28, $0.0e+00;
	v4 =	vmul.f32 v4, v1;
	v26 =	vmul.f32 v24, v0  }
0x1f2: {  	v10 =	vadd.s32 $0x55F0, v14;
	v31 =	vadd.s32 $0x55F0, v13;
	v7 =	vmin.f32 v29, $1.000000000e+03  }
0x1f3: {  	v5 =	vmul.f32 v5, v3;
	v6 =	vmul.f32 v6, v2;
	v4 =	vadd.f32 v26, v4  }
0x1f4: {  	v11 =	vadd.s32 $0x55F0, v15;
	v7 =	vmul.f32 $1.998999950e+00, v7;
	v32 =	vld [tilespmem:s17+$0xFFFFFFF0]  }
0x1f5: {  	v5 =	vadd.f32 v6, v5;
	[tilespmem:s15+$0x6500] =	vst v4  }
0x1f6: {  	v33 =	vtrunc.f32 v7;
	v4 =	vld.idx.msk [tilespmem:v27+s9+$0x0], $0xffff  }
0x1f7: {  	v9 =	vcvt.f32.s32 v33;
	[tilespmem:s15+$0x6510] =	vst v5;
	v30 =	vld.idx.msk [tilespmem:v10+s9+$0x0], $0xffff  }
0x1f8: {  	v10 =	vld.idx.msk [tilespmem:v31+s9+$0x0], $0xffff  }
0x1f9: {  	v35 =	vadd.s32 $0x1, v9;
	v36 =	vmax.f32 v32, $0.0e+00;
	v11 =	vld.idx.msk [tilespmem:v11+s9+$0x0], $0xffff  }
0x1fa: {  	vm10 =	vlt.s32 v35, $0x7CF;
	v5 =	vmin.f32 v36, $1.000000000e+03  }
0x1fb: {  	v8 =	vnsel vm10, $0x7CF, v35;
	v37 =	vmul.f32 $1.998999950e+00, v5  }
0x1fc: {  	v16 =	vadd.s32 $0x5DC0, v12;
	v4 =	vmul.f32 v4, v1;
	v34 =	vmul.f32 v30, v0  }
0x1fd: {  	v40 =	vadd.s32 $0x5DC0, v13;
	v17 =	vadd.s32 $0x5DC0, v14;
	v41 =	vtrunc.f32 v37  }
0x1fe: {  	v38 =	vmul.f32 v10, v3;
	v39 =	vmul.f32 v11, v2;
	v4 =	vadd.f32 v34, v4  }
0x1ff: {  	v20 =	vld.idx.msk [tilespmem:v9+s9+$0x0], $0xffff;
	v18 =	vadd.s32 $0x5DC0, v15;
	v19 =	vcvt.s32.f32 v9;
	v10 =	vcvt.f32.s32 v41  }
0x200: {  	v21 =	vld.idx.msk [tilespmem:v8+s9+$0x0], $0xffff;
	v5 =	vadd.f32 v39, v38;
	[tilespmem:s15+$0x6580] =	vst v4  }
0x201: {  	v42 =	vadd.s32 $0x1, v10;
	v4 =	vsub.f32 v7, v19;
	v16 =	vld.idx.msk [tilespmem:v16+s9+$0x0], $0xffff  }
0x202: {  	vm11 =	vlt.s32 v42, $0x7CF;
	[tilespmem:s15+$0x6590] =	vst v5;
	v17 =	vld.idx.msk [tilespmem:v17+s9+$0x0], $0xffff  }
0x203: {  	v11 =	vnsel vm11, $0x7CF, v42;
	v43 =	vld.idx.msk [tilespmem:v40+s9+$0x0], $0xffff;
	v5 =	vsub.f32 $1.000000000e+00, v4  }
0x204: {  	v18 =	vld.idx.msk [tilespmem:v18+s9+$0x0], $0xffff  }
0x205: {  	v22 =	vadd.s32 $0x7D0, v9;
	v21 =	vmul.f32 v4, v21;
	v20 =	vmul.f32 v5, v20  }
0x206: {  	v46 =	vadd.s32 $0x6590, v12;
	v47 =	vadd.s32 $0x7D0, v8;
	v48 =	vcvt.s32.f32 v10  }
0x207: {  	v24 =	vld.idx.msk [tilespmem:v10+s9+$0x0], $0xffff;
	v44 =	vmul.f32 v16, v1;
	v45 =	vmul.f32 v17, v0;
	v20 =	vadd.f32 v20, v21  }
0x208: {  	v23 =	vadd.s32 $0x6590, v14;
	v25 =	vadd.s32 $0x6590, v13;
	v6 =	vsub.f32 v37, v48;
	v50 =	vld.idx.msk [tilespmem:v11+s9+$0x0], $0xffff  }
0x209: {  	v49 =	vmul.f32 v43, v3;
	v18 =	vmul.f32 v18, v2;
	v7 =	vadd.f32 v45, v44;
	[tilespmem:s15+$0x20] =	vst v20  }
0x20a: {  	v51 =	vadd.s32 $0x6590, v15;
	v52 =	vld.idx.msk [tilespmem:v22+s9+$0x0], $0xffff  }
0x20b: {  	v18 =	vadd.f32 v18, v49;
	v16 =	vld.idx.msk [tilespmem:v47+s9+$0x0], $0xffff;
	[tilespmem:s15+$0x6600] =	vst v7;
	v7 =	vsub.f32 $1.000000000e+00, v6  }
0x20c: {  	v17 =	vld.idx.msk [tilespmem:v46+s9+$0x0], $0xffff  }
0x20d: {  	v55 =	vadd.s32 $0x7D0, v10;
	[tilespmem:s15+$0x6610] =	vst v18;
	v19 =	vmul.f32 v6, v50;
	v53 =	vld.idx.msk [tilespmem:v23+s9+$0x0], $0xffff;
	v54 =	vmul.f32 v7, v24  }
0x20e: {  	v57 =	vadd.s32 $0x7D0, v11;
	v56 =	vld.idx.msk [tilespmem:v25+s9+$0x0], $0xffff  }
0x20f: {  	v20 =	vld.idx.msk [tilespmem:v51+s9+$0x0], $0xffff;
	v18 =	vadd.f32 v54, v19;
	_ =	sdelay $0x1  }
0x210: {  	v59 =	vadd.s32 $0xFA0, v9;
	v39 =	vld [tilespmem:s17+$0x0];
	v58 =	vmul.f32 v5, v52;
	v16 =	vmul.f32 v4, v16;
	[tilespmem:s15+$0x30] =	vst v18  }
0x211: {  	v60 =	vadd.s32 $0x6D60, v12;
	v26 =	vadd.s32 $0xFA0, v8;
	v61 =	vld.idx.msk [tilespmem:v55+s9+$0x0], $0xffff  }
0x212: {  	v17 =	vmul.f32 v17, v1;
	v22 =	vmul.f32 v53, v0;
	v16 =	vadd.f32 v58, v16;
	v63 =	vld.idx.msk [tilespmem:v57+s9+$0x0], $0xffff  }
0x213: {  	v28 =	vadd.s32 $0x6D60, v13;
	v44 =	vld [tilespmem:s17+$0x10];
	v24 =	vmul.f32 v56, v3;
	v20 =	vmul.f32 v20, v2  }
0x214: {  	v29 =	vadd.s32 $0x6D60, v15;
	v50 =	vld [tilespmem:s17+$0x20];
	v17 =	vadd.f32 v22, v17;
	[tilespmem:s15+$0xA0] =	vst v16  }
0x215: {  	v62 =	vadd.s32 $0x6D60, v14;
	v30 =	vadd.f32 v20, v24;
	v21 =	vld.idx.msk [tilespmem:v59+s9+$0x0], $0xffff  }
0x216: {  	v31 =	vld.idx.msk [tilespmem:v26+s9+$0x0], $0xffff;
	[tilespmem:s15+$0x6680] =	vst v17  }
0x217: {  	v34 =	vadd.s32 $0xFA0, v10;
	[tilespmem:s15+$0x6690] =	vst v30;
	v18 =	vld.idx.msk [tilespmem:v60+s9+$0x0], $0xffff;
	v32 =	vmul.f32 v7, v61;
	v33 =	vmul.f32 v6, v63  }
0x218: {  	v36 =	vadd.s32 $0xFA0, v11;
	v35 =	vld.idx.msk [tilespmem:v28+s9+$0x0], $0xffff  }
0x219: {  	v12 =	vadd.s32 $0x7530, v12;
	v46 =	vmax.f32 v39, $0.0e+00;
	v16 =	vld.idx.msk [tilespmem:v29+s9+$0x0], $0xffff;
	v17 =	vadd.f32 v32, v33  }
0x21a: {  	v14 =	vadd.s32 $0x7530, v14;
	v27 =	vadd.s32 $0x1770, v8;
	v23 =	vmin.f32 v46, $1.000000000e+03;
	v22 =	vld.idx.msk [tilespmem:v62+s9+$0x0], $0xffff  }
0x21b: {  	v38 =	vadd.s32 $0x1770, v9;
	v48 =	vadd.s32 $0x7530, v13;
	v49 =	vmul.f32 $1.998999950e+00, v23;
	v53 =	vld [tilespmem:s17+$0x30];
	[tilespmem:s15+$0xB0] =	vst v17  }
0x21c: {  	v13 =	vmax.f32 v50, $0.0e+00;
	v37 =	vmul.f32 v5, v21;
	v20 =	vmul.f32 v31, v4;
	v42 =	vld.idx.msk [tilespmem:v34+s9+$0x0], $0xffff  }
0x21d: {  	v51 =	vadd.s32 $0x1770, v10;
	v52 =	vtrunc.f32 v49;
	v13 =	vmin.f32 v13, $1.000000000e+03;
	v43 =	vld.idx.msk [tilespmem:v36+s9+$0x0], $0xffff  }
0x21e: {  	v19 =	vadd.f32 v20, v37;
	v45 =	vmul.f32 v35, v3;
	v16 =	vmul.f32 v16, v2  }
0x21f: {  	v28 =	vadd.s32 $0x1770, v11;
	v40 =	vmul.f32 v18, v1;
	v41 =	vmul.f32 v22, v0  }
0x220: {  	v18 =	vmax.f32 v44, $0.0e+00;
	[tilespmem:s15+$0x120] =	vst v19;
	v19 =	vadd.f32 v16, v45;
	v16 =	vcvt.f32.s32 v52  }
0x221: {  	v59 =	vmax.f32 v53, $0.0e+00;
	v18 =	vmin.f32 v18, $1.000000000e+03;
	v17 =	vadd.f32 v41, v40;
	v21 =	vld.idx.msk [tilespmem:v38+s9+$0x0], $0xffff  }
0x222: {  	v47 =	vld.idx.msk [tilespmem:v27+s9+$0x0], $0xffff;
	v55 =	vadd.s32 $0x1, v16;
	v20 =	vmul.f32 v7, v42;
	v22 =	vmul.f32 v43, v6  }
0x223: {  	v26 =	vmin.f32 v59, $1.000000000e+03;
	v30 =	vmul.f32 $1.998999950e+00, v18;
	[tilespmem:s15+$0x6700] =	vst v17;
	vm12 =	vlt.s32 v55, $0x7CF  }
0x224: {  	v31 =	vmul.f32 $1.998999950e+00, v13;
	v12 =	vld.idx.msk [tilespmem:v12+s9+$0x0], $0xffff;
	v20 =	vadd.f32 v22, v20;
	v22 =	vnsel vm12, $0x7CF, v55  }
0x225: {  	v15 =	vadd.s32 $0x7530, v15;
	v63 =	vmul.f32 $1.998999950e+00, v26;
	v56 =	vtrunc.f32 v30;
	v13 =	vld.idx.msk [tilespmem:v14+s9+$0x0], $0xffff  }
0x226: {  	v58 =	vadd.s32 $0x1F40, v9;
	v62 =	vtrunc.f32 v31;
	v33 =	vld.idx.msk [tilespmem:v16+s9+$0x0], $0xffff;
	[tilespmem:s15+$0x130] =	vst v20;
	v20 =	vcvt.f32.s32 v56  }
0x227: {  	v32 =	vadd.s32 $0x1F40, v8;
	v21 =	vmul.f32 v21, v5;
	v54 =	vmul.f32 v47, v4;
	v57 =	vld.idx.msk [tilespmem:v51+s9+$0x0], $0xffff  }
0x228: {  	v23 =	vcvt.f32.s32 v62;
	v45 =	vcvt.s32.f32 v16;
	v60 =	vld.idx.msk [tilespmem:v28+s9+$0x0], $0xffff;
	v61 =	vadd.s32 $0x1, v20  }
0x229: {  	v35 =	vtrunc.f32 v63;
	[tilespmem:s15+$0x6710] =	vst v19;
	v17 =	vadd.f32 v54, v21;
	vm13 =	vlt.s32 v61, $0x7CF;
	v34 =	vld.idx.msk [tilespmem:v22+s9+$0x0], $0xffff  }
0x22a: {  	v29 =	vadd.s32 $0x1, v23;
	v19 =	vld.idx.msk [tilespmem:v15+s9+$0x0], $0xffff;
	v15 =	vsub.f32 v49, v45;
	v26 =	vnsel vm13, $0x7CF, v61  }
0x22b: {  	v25 =	vcvt.f32.s32 v35;
	v39 =	vcvt.s32.f32 v23;
	vm14 =	vlt.s32 v29, $0x7CF;
	v14 =	vld.idx.msk [tilespmem:v48+s9+$0x0], $0xffff;
	[tilespmem:s15+$0x1A0] =	vst v17  }
0x22c: {  	v29 =	vnsel vm14, $0x7CF, v29;
	v18 =	vsub.f32 $1.000000000e+00, v15;
	v48 =	vcvt.s32.f32 v20;
	v46 =	vld.idx.msk [tilespmem:v58+s9+$0x0], $0xffff  }
0x22d: {  	v37 =	vadd.s32 $0x1, v25;
	v32 =	vld.idx.msk [tilespmem:v32+s9+$0x0], $0xffff;
	v24 =	vmul.f32 v57, v7;
	v47 =	vmul.f32 v60, v6  }
0x22e: {  	v50 =	vadd.s32 $0x7D0, v16;
	v33 =	vmul.f32 v18, v33;
	v36 =	vld.idx.msk [tilespmem:v20+s9+$0x0], $0xffff;
	v34 =	vmul.f32 v15, v34  }
0x22f: {  	vm15 =	vlt.s32 v37, $0x7CF;
	v43 =	vadd.s32 $0x7D0, v22;
	v24 =	vadd.f32 v47, v24;
	v38 =	vld.idx.msk [tilespmem:v26+s9+$0x0], $0xffff  }
0x230: {  	v49 =	vadd.s32 $0x1F40, v10;
	v40 =	vld.idx.msk [tilespmem:v23+s9+$0x0], $0xffff;
	v17 =	vsub.f32 v30, v48;
	v51 =	vadd.f32 v33, v34  }
0x231: {  	v42 =	vadd.s32 $0x1F40, v11;
	v55 =	vcvt.s32.f32 v25;
	v44 =	vld.idx.msk [tilespmem:v29+s9+$0x0], $0xffff;
	v54 =	vadd.s32 $0x7D0, v20;
	[tilespmem:s15+$0x1B0] =	vst v24  }
0x232: {  	v56 =	vld.idx.msk [tilespmem:v25+s9+$0x0], $0xffff;
	v30 =	vnsel vm15, $0x7CF, v37;
	v21 =	vsub.f32 $1.000000000e+00, v17;
	v24 =	vsub.f32 v31, v39;
	[tilespmem:s15+$0x40] =	vst v51  }
0x233: {  	v48 =	vadd.s32 $0x2710, v8;
	v41 =	vmul.f32 v46, v5;
	v32 =	vmul.f32 v32, v4;
	v37 =	vld.idx.msk [tilespmem:v50+s9+$0x0], $0xffff  }
0x234: {  	v52 =	vmul.f32 v21, v36;
	v27 =	vsub.f32 $1.000000000e+00, v24;
	v58 =	vld.idx.msk [tilespmem:v43+s9+$0x0], $0xffff;
	v53 =	vmul.f32 v17, v38  }
0x235: {  	v61 =	vadd.s32 $0x7D0, v23;
	v57 =	vadd.s32 $0x7D0, v26;
	v32 =	vadd.f32 v32, v41;
	v35 =	vld.idx.msk [tilespmem:v49+s9+$0x0], $0xffff  }
0x236: {  	v62 =	vld.idx.msk [tilespmem:v42+s9+$0x0], $0xffff;
	v60 =	vmul.f32 v24, v44;
	v59 =	vmul.f32 v27, v40;
	v31 =	vadd.f32 v52, v53  }
0x237: {  	v28 =	vsub.f32 v63, v55;
	v63 =	vadd.s32 $0x7D0, v29;
	v45 =	vld.idx.msk [tilespmem:v30+s9+$0x0], $0xffff;
	[tilespmem:s15+$0x220] =	vst v32  }
0x238: {  	v46 =	vadd.s32 $0x2710, v9;
	v44 =	vld.idx.msk [tilespmem:v48+s9+$0x0], $0xffff;
	v36 =	vadd.f32 v59, v60;
	[tilespmem:s15+$0x50] =	vst v31  }
0x239: {  	v55 =	vadd.s32 $0xFA0, v22;
	v37 =	vmul.f32 v18, v37;
	v33 =	vmul.f32 v15, v58;
	v34 =	vld.idx.msk [tilespmem:v54+s9+$0x0], $0xffff  }
0x23a: {  	v35 =	vmul.f32 v35, v7;
	v31 =	vsub.f32 $1.000000000e+00, v28;
	[tilespmem:s15+$0x60] =	vst v36;
	v49 =	vld.idx.msk [tilespmem:v57+s9+$0x0], $0xffff;
	v54 =	vadd.s32 $0xFA0, v16  }
0x23b: {  	v41 =	vmul.f32 v62, v6;
	v59 =	vadd.s32 $0x2710, v11;
	v43 =	vld.idx.msk [tilespmem:v61+s9+$0x0], $0xffff;
	v33 =	vadd.f32 v37, v33  }
0x23c: {  	v51 =	vadd.s32 $0x7D0, v25;
	v50 =	vmul.f32 v28, v45;
	v42 =	vld.idx.msk [tilespmem:v63+s9+$0x0], $0xffff;
	v38 =	vmul.f32 v31, v56  }
0x23d: {  	v52 =	vld.idx.msk [tilespmem:v46+s9+$0x0], $0xffff;
	v53 =	vadd.s32 $0x7D0, v30;
	v35 =	vadd.f32 v41, v35;
	[tilespmem:s15+$0xC0] =	vst v33  }
0x23e: {  	v56 =	vadd.s32 $0x2710, v10;
	v38 =	vadd.f32 v38, v50;
	v60 =	vld.idx.msk [tilespmem:v55+s9+$0x0], $0xffff  }
0x23f: {  	v57 =	vadd.s32 $0xFA0, v20;
	[tilespmem:s15+$0x230] =	vst v35;
	v34 =	vmul.f32 v21, v34;
	v32 =	vmul.f32 v17, v49;
	v46 =	vld.idx.msk [tilespmem:v54+s9+$0x0], $0xffff  }
0x240: {  	v58 =	vadd.s32 $0xFA0, v26;
	v63 =	vadd.s32 $0xFA0, v23;
	v41 =	vld.idx.msk [tilespmem:v59+s9+$0x0], $0xffff;
	[tilespmem:s15+$0x70] =	vst v38  }
0x241: {  	v61 =	vmul.f32 v27, v43;
	v62 =	vmul.f32 v24, v42;
	v40 =	vld.idx.msk [tilespmem:v51+s9+$0x0], $0xffff;
	v32 =	vadd.f32 v34, v32  }
0x242: {  	v44 =	vmul.f32 v44, v4;
	v49 =	vadd.s32 $0xFA0, v29;
	v36 =	vld.idx.msk [tilespmem:v53+s9+$0x0], $0xffff  }
0x243: {  	v48 =	vmul.f32 v52, v5;
	v50 =	vadd.s32 $0x2EE0, v9;
	v37 =	vld.idx.msk [tilespmem:v56+s9+$0x0], $0xffff;
	v35 =	vadd.f32 v61, v62;
	[tilespmem:s15+$0xD0] =	vst v32  }
0x244: {  	v55 =	vadd.s32 $0x1770, v16;
	v34 =	vmul.f32 v60, v15;
	v38 =	vld.idx.msk [tilespmem:v57+s9+$0x0], $0xffff;
	v53 =	vmul.f32 v18, v46  }
0x245: {  	v43 =	vadd.f32 v44, v48;
	v56 =	vadd.s32 $0x1770, v22;
	[tilespmem:s15+$0xE0] =	vst v35;
	v33 =	vld.idx.msk [tilespmem:v58+s9+$0x0], $0xffff  }
0x246: {  	v42 =	vld.idx.msk [tilespmem:v63+s9+$0x0], $0xffff;
	v57 =	vadd.s32 $0x2EE0, v8;
	v34 =	vadd.f32 v34, v53  }
0x247: {  	v52 =	vadd.s32 $0xFA0, v25;
	[tilespmem:s15+$0x2A0] =	vst v43;
	v32 =	vld.idx.msk [tilespmem:v49+s9+$0x0], $0xffff;
	v51 =	vmul.f32 v31, v40;
	v36 =	vmul.f32 v28, v36  }
0x248: {  	v54 =	vadd.s32 $0xFA0, v30;
	v41 =	vmul.f32 v41, v6;
	v43 =	vld.idx.msk [tilespmem:v50+s9+$0x0], $0xffff;
	[tilespmem:s15+$0x140] =	vst v34  }
0x249: {  	v61 =	vadd.s32 $0x2EE0, v10;
	v37 =	vmul.f32 v37, v7;
	v36 =	vadd.f32 v51, v36;
	v46 =	vld.idx.msk [tilespmem:v55+s9+$0x0], $0xffff  }
0x24a: {  	v59 =	vadd.s32 $0x1770, v20;
	v58 =	vmul.f32 v21, v38;
	v33 =	vmul.f32 v33, v17;
	v62 =	vld.idx.msk [tilespmem:v56+s9+$0x0], $0xffff  }
0x24b: {  	v48 =	vadd.s32 $0x1770, v23;
	v60 =	vadd.s32 $0x1770, v26;
	v37 =	vadd.f32 v41, v37;
	[tilespmem:s15+$0xF0] =	vst v36;
	v45 =	vld.idx.msk [tilespmem:v57+s9+$0x0], $0xffff  }
0x24c: {  	v63 =	vmul.f32 v27, v42;
	v32 =	vmul.f32 v32, v24;
	v40 =	vld.idx.msk [tilespmem:v52+s9+$0x0], $0xffff;
	v33 =	vadd.f32 v33, v58  }
0x24d: {  	v49 =	vadd.s32 $0x1770, v29;
	[tilespmem:s15+$0x2B0] =	vst v37;
	v35 =	vld.idx.msk [tilespmem:v54+s9+$0x0], $0xffff  }
0x24e: {  	v50 =	vadd.s32 $0x2EE0, v11;
	v53 =	vld.idx.msk [tilespmem:v61+s9+$0x0], $0xffff;
	v32 =	vadd.f32 v32, v63;
	[tilespmem:s15+$0x150] =	vst v33  }
0x24f: {  	v56 =	vadd.s32 $0x1F40, v16;
	v38 =	vld.idx.msk [tilespmem:v59+s9+$0x0], $0xffff;
	v54 =	vmul.f32 v46, v18;
	v36 =	vmul.f32 v62, v15  }
0x250: {  	v57 =	vmul.f32 v43, v5;
	v58 =	vadd.s32 $0x1F40, v22;
	[tilespmem:s15+$0x160] =	vst v32;
	v34 =	vld.idx.msk [tilespmem:v60+s9+$0x0], $0xffff  }
0x251: {  	v42 =	vld.idx.msk [tilespmem:v48+s9+$0x0], $0xffff;
	v45 =	vmul.f32 v45, v4;
	v59 =	vadd.s32 $0x36B0, v9;
	v36 =	vadd.f32 v36, v54  }
0x252: {  	v52 =	vadd.s32 $0x1770, v25;
	v33 =	vld.idx.msk [tilespmem:v49+s9+$0x0], $0xffff;
	v51 =	vmul.f32 v31, v40;
	v35 =	vmul.f32 v35, v28  }
0x253: {  	v55 =	vadd.s32 $0x1770, v30;
	v41 =	vld.idx.msk [tilespmem:v50+s9+$0x0], $0xffff;
	v37 =	vadd.f32 v45, v57;
	[tilespmem:s15+$0x1C0] =	vst v36  }
0x254: {  	v63 =	vadd.s32 $0x36B0, v8;
	v35 =	vadd.f32 v35, v51;
	v46 =	vld.idx.msk [tilespmem:v56+s9+$0x0], $0xffff  }
0x255: {  	v61 =	vadd.s32 $0x1F40, v20;
	[tilespmem:s15+$0x320] =	vst v37;
	v60 =	vmul.f32 v38, v21;
	v34 =	vmul.f32 v34, v17;
	v48 =	vld.idx.msk [tilespmem:v58+s9+$0x0], $0xffff  }
0x256: {  	v50 =	vadd.s32 $0x1F40, v23;
	v62 =	vadd.s32 $0x1F40, v26;
	[tilespmem:s15+$0x170] =	vst v35;
	v51 =	vld.idx.msk [tilespmem:v59+s9+$0x0], $0xffff  }
0x257: {  	v49 =	vmul.f32 v42, v27;
	v33 =	vmul.f32 v33, v24;
	v39 =	vld.idx.msk [tilespmem:v52+s9+$0x0], $0xffff;
	v34 =	vadd.f32 v34, v60  }
0x258: {  	v40 =	vmul.f32 v53, v7;
	v32 =	vld.idx.msk [tilespmem:v55+s9+$0x0], $0xffff;
	v52 =	vadd.s32 $0x1F40, v29  }
0x259: {  	v41 =	vmul.f32 v41, v6;
	v53 =	vadd.s32 $0x36B0, v10;
	v45 =	vld.idx.msk [tilespmem:v63+s9+$0x0], $0xffff;
	v33 =	vadd.f32 v33, v49;
	[tilespmem:s15+$0x1D0] =	vst v34  }
0x25a: {  	v58 =	vadd.s32 $0x2710, v16;
	v38 =	vld.idx.msk [tilespmem:v61+s9+$0x0], $0xffff;
	v56 =	vmul.f32 v46, v18;
	v35 =	vmul.f32 v48, v15  }
0x25b: {  	v40 =	vadd.f32 v41, v40;
	v59 =	vadd.s32 $0x2710, v22;
	[tilespmem:s15+$0x1E0] =	vst v33;
	v36 =	vld.idx.msk [tilespmem:v62+s9+$0x0], $0xffff  }
0x25c: {  	v60 =	vadd.s32 $0x36B0, v11;
	v42 =	vld.idx.msk [tilespmem:v50+s9+$0x0], $0xffff;
	v35 =	vadd.f32 v35, v56  }
0x25d: {  	[tilespmem:s15+$0x330] =	vst v40;
	v55 =	vadd.s32 $0x1F40, v25;
	v54 =	vmul.f32 v39, v31;
	v32 =	vmul.f32 v32, v28;
	v34 =	vld.idx.msk [tilespmem:v52+s9+$0x0], $0xffff  }
0x25e: {  	v57 =	vadd.s32 $0x1F40, v30;
	v40 =	vld.idx.msk [tilespmem:v53+s9+$0x0], $0xffff;
	v63 =	vmul.f32 v51, v5;
	[tilespmem:s15+$0x240] =	vst v35  }
0x25f: {  	v49 =	vmul.f32 v45, v4;
	v50 =	vadd.s32 $0x3E80, v9;
	v32 =	vadd.f32 v32, v54;
	v46 =	vld.idx.msk [tilespmem:v58+s9+$0x0], $0xffff  }
0x260: {  	v62 =	vadd.s32 $0x2710, v20;
	v61 =	vmul.f32 v38, v21;
	v36 =	vmul.f32 v36, v17;
	v51 =	vld.idx.msk [tilespmem:v59+s9+$0x0], $0xffff  }
0x261: {  	v53 =	vadd.s32 $0x2710, v23;
	v48 =	vadd.s32 $0x2710, v26;
	v41 =	vadd.f32 v49, v63;
	v54 =	vld.idx.msk [tilespmem:v60+s9+$0x0], $0xffff;
	[tilespmem:s15+$0x1F0] =	vst v32  }
0x262: {  	v52 =	vmul.f32 v42, v27;
	v39 =	vld.idx.msk [tilespmem:v55+s9+$0x0], $0xffff;
	v34 =	vmul.f32 v34, v24;
	v32 =	vadd.f32 v36, v61  }
0x263: {  	[tilespmem:s15+$0x3A0] =	vst v41;
	v33 =	vld.idx.msk [tilespmem:v57+s9+$0x0], $0xffff;
	v55 =	vadd.s32 $0x2710, v29  }
0x264: {  	v56 =	vadd.s32 $0x3E80, v8;
	v41 =	vld.idx.msk [tilespmem:v50+s9+$0x0], $0xffff;
	v34 =	vadd.f32 v34, v52;
	[tilespmem:s15+$0x250] =	vst v32  }
0x265: {  	v61 =	vadd.s32 $0x2EE0, v16;
	v38 =	vld.idx.msk [tilespmem:v62+s9+$0x0], $0xffff;
	v59 =	vmul.f32 v46, v18;
	v36 =	vmul.f32 v51, v15  }
0x266: {  	v63 =	vadd.s32 $0x2EE0, v22;
	v43 =	vmul.f32 v54, v6;
	v35 =	vld.idx.msk [tilespmem:v48+s9+$0x0], $0xffff;
	[tilespmem:s15+$0x260] =	vst v34  }
0x267: {  	v62 =	vmul.f32 v40, v7;
	v48 =	vadd.s32 $0x3E80, v10;
	v42 =	vld.idx.msk [tilespmem:v53+s9+$0x0], $0xffff;
	v36 =	vadd.f32 v36, v59  }
0x268: {  	v58 =	vadd.s32 $0x2710, v25;
	v57 =	vmul.f32 v39, v31;
	v33 =	vmul.f32 v33, v28;
	v32 =	vld.idx.msk [tilespmem:v55+s9+$0x0], $0xffff  }
0x269: {  	v60 =	vadd.s32 $0x2710, v30;
	v44 =	vld.idx.msk [tilespmem:v56+s9+$0x0], $0xffff;
	v37 =	vadd.f32 v43, v62;
	[tilespmem:s15+$0x2C0] =	vst v36  }
0x26a: {  	v52 =	vadd.s32 $0x3E80, v11;
	v33 =	vadd.f32 v33, v57;
	v46 =	vld.idx.msk [tilespmem:v61+s9+$0x0], $0xffff  }
0x26b: {  	v50 =	vadd.s32 $0x2EE0, v20;
	[tilespmem:s15+$0x3B0] =	vst v37;
	v49 =	vmul.f32 v38, v21;
	v35 =	vmul.f32 v35, v17;
	v53 =	vld.idx.msk [tilespmem:v63+s9+$0x0], $0xffff  }
0x26c: {  	v51 =	vadd.s32 $0x2EE0, v26;
	v55 =	vadd.s32 $0x2EE0, v23;
	[tilespmem:s15+$0x270] =	vst v33;
	v56 =	vld.idx.msk [tilespmem:v48+s9+$0x0], $0xffff  }
0x26d: {  	v39 =	vld.idx.msk [tilespmem:v58+s9+$0x0], $0xffff;
	v54 =	vmul.f32 v42, v27;
	v32 =	vmul.f32 v32, v24;
	v33 =	vadd.f32 v35, v49  }
0x26e: {  	v41 =	vmul.f32 v41, v5;
	v44 =	vmul.f32 v44, v4;
	v57 =	vadd.s32 $0x2EE0, v29;
	v34 =	vld.idx.msk [tilespmem:v60+s9+$0x0], $0xffff  }
0x26f: {  	v43 =	vld.idx.msk [tilespmem:v52+s9+$0x0], $0xffff;
	v58 =	vadd.s32 $0x4650, v9;
	v32 =	vadd.f32 v32, v54;
	[tilespmem:s15+$0x2D0] =	vst v33  }
0x270: {  	v41 =	vadd.f32 v44, v41;
	v49 =	vadd.s32 $0x4650, v8;
	v38 =	vld.idx.msk [tilespmem:v50+s9+$0x0], $0xffff  }
0x271: {  	v63 =	vadd.s32 $0x36B0, v16;
	v36 =	vld.idx.msk [tilespmem:v51+s9+$0x0], $0xffff;
	v61 =	vmul.f32 v46, v18;
	[tilespmem:s15+$0x2E0] =	vst v32;
	v35 =	vmul.f32 v53, v15  }
0x272: {  	v48 =	vadd.s32 $0x36B0, v22;
	v60 =	vadd.s32 $0x2EE0, v25;
	[tilespmem:s15+$0x6420] =	vst v41;
	v40 =	vld.idx.msk [tilespmem:v55+s9+$0x0], $0xffff  }
0x273: {  	v59 =	vmul.f32 v39, v31;
	v34 =	vmul.f32 v34, v28;
	v33 =	vld.idx.msk [tilespmem:v57+s9+$0x0], $0xffff;
	v35 =	vadd.f32 v35, v61  }
0x274: {  	v62 =	vadd.s32 $0x2EE0, v30;
	v42 =	vmul.f32 v56, v7;
	v41 =	vld.idx.msk [tilespmem:v58+s9+$0x0], $0xffff  }
0x275: {  	v43 =	vmul.f32 v43, v6;
	v53 =	vadd.s32 $0x4650, v10;
	v45 =	vld.idx.msk [tilespmem:v49+s9+$0x0], $0xffff;
	v34 =	vadd.f32 v34, v59;
	[tilespmem:s15+$0x340] =	vst v35  }
0x276: {  	v51 =	vadd.s32 $0x36B0, v20;
	v50 =	vmul.f32 v38, v21;
	v36 =	vmul.f32 v36, v17;
	v46 =	vld.idx.msk [tilespmem:v63+s9+$0x0], $0xffff  }
0x277: {  	v52 =	vadd.s32 $0x36B0, v26;
	v56 =	vadd.s32 $0x36B0, v23;
	v42 =	vadd.f32 v43, v42;
	[tilespmem:s15+$0x2F0] =	vst v34;
	v54 =	vld.idx.msk [tilespmem:v48+s9+$0x0], $0xffff  }
0x278: {  	v39 =	vld.idx.msk [tilespmem:v60+s9+$0x0], $0xffff;
	v55 =	vmul.f32 v40, v27;
	v33 =	vmul.f32 v33, v24;
	v34 =	vadd.f32 v36, v50  }
0x279: {  	v57 =	vadd.s32 $0x36B0, v29;
	[tilespmem:s15+$0x6430] =	vst v42;
	v32 =	vld.idx.msk [tilespmem:v62+s9+$0x0], $0xffff  }
0x27a: {  	v58 =	vadd.s32 $0x4650, v11;
	v42 =	vld.idx.msk [tilespmem:v53+s9+$0x0], $0xffff;
	v33 =	vadd.f32 v33, v55;
	[tilespmem:s15+$0x350] =	vst v34  }
0x27b: {  	v48 =	vmul.f32 v41, v5;
	v45 =	vmul.f32 v45, v4;
	v50 =	vadd.s32 $0x4E20, v9;
	v38 =	vld.idx.msk [tilespmem:v51+s9+$0x0], $0xffff  }
0x27c: {  	v63 =	vadd.s32 $0x3E80, v16;
	v35 =	vld.idx.msk [tilespmem:v52+s9+$0x0], $0xffff;
	v61 =	vmul.f32 v46, v18;
	[tilespmem:s15+$0x360] =	vst v33;
	v36 =	vmul.f32 v54, v15  }
0x27d: {  	v49 =	vadd.s32 $0x3E80, v22;
	v60 =	vadd.s32 $0x36B0, v25;
	v37 =	vadd.f32 v45, v48;
	v40 =	vld.idx.msk [tilespmem:v56+s9+$0x0], $0xffff  }
0x27e: {  	v59 =	vmul.f32 v39, v31;
	v32 =	vmul.f32 v32, v28;
	v34 =	vld.idx.msk [tilespmem:v57+s9+$0x0], $0xffff;
	v36 =	vadd.f32 v36, v61  }
0x27f: {  	v62 =	vadd.s32 $0x36B0, v30;
	v43 =	vld.idx.msk [tilespmem:v58+s9+$0x0], $0xffff;
	[tilespmem:s15+$0x64A0] =	vst v37  }
0x280: {  	v54 =	vadd.s32 $0x4E20, v8;
	v58 =	vld.idx.msk [tilespmem:v50+s9+$0x0], $0xffff;
	v32 =	vadd.f32 v32, v59;
	[tilespmem:s15+$0x3C0] =	vst v36  }
0x281: {  	v52 =	vadd.s32 $0x3E80, v20;
	v51 =	vmul.f32 v38, v21;
	v35 =	vmul.f32 v35, v17;
	v46 =	vld.idx.msk [tilespmem:v63+s9+$0x0], $0xffff  }
0x282: {  	v53 =	vadd.s32 $0x3E80, v26;
	v57 =	vadd.s32 $0x3E80, v23;
	[tilespmem:s15+$0x370] =	vst v32;
	v55 =	vld.idx.msk [tilespmem:v49+s9+$0x0], $0xffff  }
0x283: {  	v39 =	vld.idx.msk [tilespmem:v60+s9+$0x0], $0xffff;
	v56 =	vmul.f32 v40, v27;
	v34 =	vmul.f32 v34, v24;
	v32 =	vadd.f32 v35, v51  }
0x284: {  	v42 =	vmul.f32 v42, v7;
	v43 =	vmul.f32 v43, v6;
	v59 =	vadd.s32 $0x3E80, v29;
	v33 =	vld.idx.msk [tilespmem:v62+s9+$0x0], $0xffff  }
0x285: {  	v45 =	vld.idx.msk [tilespmem:v54+s9+$0x0], $0xffff;
	v60 =	vadd.s32 $0x4E20, v10;
	v34 =	vadd.f32 v34, v56;
	[tilespmem:s15+$0x3D0] =	vst v32  }
0x286: {  	v42 =	vadd.f32 v43, v42;
	v51 =	vadd.s32 $0x4E20, v11;
	v38 =	vld.idx.msk [tilespmem:v52+s9+$0x0], $0xffff  }
0x287: {  	v49 =	vadd.s32 $0x4650, v16;
	v36 =	vld.idx.msk [tilespmem:v53+s9+$0x0], $0xffff;
	v63 =	vmul.f32 v46, v18;
	[tilespmem:s15+$0x3E0] =	vst v34;
	v35 =	vmul.f32 v55, v15  }
0x288: {  	v50 =	vadd.s32 $0x4650, v22;
	[tilespmem:s15+$0x64B0] =	vst v42;
	v62 =	vadd.s32 $0x3E80, v25;
	v40 =	vld.idx.msk [tilespmem:v57+s9+$0x0], $0xffff  }
0x289: {  	v61 =	vmul.f32 v39, v31;
	v33 =	vmul.f32 v33, v28;
	v32 =	vld.idx.msk [tilespmem:v59+s9+$0x0], $0xffff;
	v35 =	vadd.f32 v35, v63  }
0x28a: {  	v48 =	vadd.s32 $0x3E80, v30;
	v41 =	vmul.f32 v58, v5;
	v42 =	vld.idx.msk [tilespmem:v60+s9+$0x0], $0xffff  }
0x28b: {  	v56 =	vadd.s32 $0x55F0, v9;
	v55 =	vmul.f32 v45, v4;
	v60 =	vld.idx.msk [tilespmem:v51+s9+$0x0], $0xffff;
	v33 =	vadd.f32 v33, v61;
	[tilespmem:s15+$0x6440] =	vst v35  }
0x28c: {  	v53 =	vadd.s32 $0x4650, v20;
	v52 =	vmul.f32 v38, v21;
	v36 =	vmul.f32 v36, v17;
	v46 =	vld.idx.msk [tilespmem:v49+s9+$0x0], $0xffff  }
0x28d: {  	v54 =	vadd.s32 $0x4650, v26;
	v59 =	vadd.s32 $0x4650, v23;
	v41 =	vadd.f32 v55, v41;
	[tilespmem:s15+$0x3F0] =	vst v33;
	v57 =	vld.idx.msk [tilespmem:v50+s9+$0x0], $0xffff  }
0x28e: {  	v39 =	vld.idx.msk [tilespmem:v62+s9+$0x0], $0xffff;
	v58 =	vmul.f32 v40, v27;
	v32 =	vmul.f32 v32, v24;
	v33 =	vadd.f32 v36, v52  }
0x28f: {  	v61 =	vadd.s32 $0x4650, v29;
	[tilespmem:s15+$0x6520] =	vst v41;
	v34 =	vld.idx.msk [tilespmem:v48+s9+$0x0], $0xffff  }
0x290: {  	v41 =	vld.idx.msk [tilespmem:v56+s9+$0x0], $0xffff;
	v62 =	vadd.s32 $0x55F0, v8;
	v32 =	vadd.f32 v32, v58;
	[tilespmem:s15+$0x6450] =	vst v33  }
0x291: {  	v52 =	vmul.f32 v42, v7;
	v43 =	vmul.f32 v60, v6;
	v58 =	vadd.s32 $0x55F0, v11;
	v38 =	vld.idx.msk [tilespmem:v53+s9+$0x0], $0xffff  }
0x292: {  	v51 =	vadd.s32 $0x4E20, v16;
	v35 =	vld.idx.msk [tilespmem:v54+s9+$0x0], $0xffff;
	v49 =	vmul.f32 v46, v18;
	[tilespmem:s15+$0x6460] =	vst v32;
	v36 =	vmul.f32 v57, v15  }
0x293: {  	v48 =	vadd.s32 $0x4650, v25;
	v37 =	vadd.f32 v43, v52;
	v53 =	vadd.s32 $0x4E20, v22;
	v40 =	vld.idx.msk [tilespmem:v59+s9+$0x0], $0xffff  }
0x294: {  	v63 =	vmul.f32 v39, v31;
	v34 =	vmul.f32 v34, v28;
	v33 =	vld.idx.msk [tilespmem:v61+s9+$0x0], $0xffff;
	v36 =	vadd.f32 v36, v49  }
0x295: {  	v50 =	vadd.s32 $0x4650, v30;
	v44 =	vld.idx.msk [tilespmem:v62+s9+$0x0], $0xffff;
	[tilespmem:s15+$0x6530] =	vst v37  }
0x296: {  	v54 =	vadd.s32 $0x55F0, v10;
	v34 =	vadd.f32 v34, v63;
	v43 =	vld.idx.msk [tilespmem:v58+s9+$0x0], $0xffff;
	[tilespmem:s15+$0x64C0] =	vst v36  }
0x297: {  	v56 =	vadd.s32 $0x4E20, v20;
	v55 =	vmul.f32 v38, v21;
	v35 =	vmul.f32 v35, v17;
	v46 =	vld.idx.msk [tilespmem:v51+s9+$0x0], $0xffff  }
0x298: {  	v57 =	vadd.s32 $0x4E20, v26;
	v61 =	vadd.s32 $0x4E20, v23;
	[tilespmem:s15+$0x6470] =	vst v34;
	v59 =	vld.idx.msk [tilespmem:v53+s9+$0x0], $0xffff  }
0x299: {  	v39 =	vld.idx.msk [tilespmem:v48+s9+$0x0], $0xffff;
	v60 =	vmul.f32 v40, v27;
	v33 =	vmul.f32 v33, v24;
	v34 =	vadd.f32 v35, v55  }
0x29a: {  	v41 =	vmul.f32 v41, v5;
	v63 =	vadd.s32 $0x4E20, v29;
	v32 =	vld.idx.msk [tilespmem:v50+s9+$0x0], $0xffff;
	v44 =	vmul.f32 v44, v4  }
0x29b: {  	v62 =	vld.idx.msk [tilespmem:v54+s9+$0x0], $0xffff;
	v48 =	vadd.s32 $0x5DC0, v9;
	v33 =	vadd.f32 v33, v60;
	[tilespmem:s15+$0x64D0] =	vst v34  }
0x29c: {  	v55 =	vadd.s32 $0x5DC0, v8;
	v41 =	vadd.f32 v44, v41;
	v38 =	vld.idx.msk [tilespmem:v56+s9+$0x0], $0xffff  }
0x29d: {  	v53 =	vadd.s32 $0x55F0, v16;
	v36 =	vld.idx.msk [tilespmem:v57+s9+$0x0], $0xffff;
	v51 =	vmul.f32 v46, v18;
	[tilespmem:s15+$0x64E0] =	vst v33;
	v35 =	vmul.f32 v59, v15  }
0x29e: {  	v54 =	vadd.s32 $0x55F0, v22;
	v50 =	vadd.s32 $0x4E20, v25;
	[tilespmem:s15+$0x65A0] =	vst v41;
	v40 =	vld.idx.msk [tilespmem:v61+s9+$0x0], $0xffff  }
0x29f: {  	v49 =	vmul.f32 v39, v31;
	v32 =	vmul.f32 v32, v28;
	v34 =	vld.idx.msk [tilespmem:v63+s9+$0x0], $0xffff;
	v35 =	vadd.f32 v35, v51  }
0x2a0: {  	v52 =	vadd.s32 $0x4E20, v30;
	v43 =	vmul.f32 v43, v6;
	v42 =	vmul.f32 v62, v7;
	v41 =	vld.idx.msk [tilespmem:v48+s9+$0x0], $0xffff  }
0x2a1: {  	v59 =	vadd.s32 $0x5DC0, v10;
	v45 =	vld.idx.msk [tilespmem:v55+s9+$0x0], $0xffff;
	v32 =	vadd.f32 v32, v49;
	[tilespmem:s15+$0x6540] =	vst v35  }
0x2a2: {  	v48 =	vadd.s32 $0x5DC0, v11;
	v42 =	vadd.f32 v43, v42;
	v46 =	vld.idx.msk [tilespmem:v53+s9+$0x0], $0xffff  }
0x2a3: {  	v57 =	vadd.s32 $0x55F0, v20;
	[tilespmem:s15+$0x64F0] =	vst v32;
	v56 =	vmul.f32 v38, v21;
	v36 =	vmul.f32 v36, v17;
	v60 =	vld.idx.msk [tilespmem:v54+s9+$0x0], $0xffff  }
0x2a4: {  	v58 =	vadd.s32 $0x55F0, v26;
	v39 =	vld.idx.msk [tilespmem:v50+s9+$0x0], $0xffff  }
0x2a5: {  	[tilespmem:s15+$0x65B0] =	vst v42;
	v33 =	vld.idx.msk [tilespmem:v52+s9+$0x0], $0xffff;
	v32 =	vadd.f32 v36, v56  }
0x2a6: {  	v62 =	vadd.s32 $0x55F0, v23;
	v42 =	vld.idx.msk [tilespmem:v59+s9+$0x0], $0xffff;
	v61 =	vmul.f32 v40, v27;
	v34 =	vmul.f32 v34, v24  }
0x2a7: {  	v63 =	vadd.s32 $0x55F0, v29;
	v53 =	vadd.s32 $0x5DC0, v16;
	v43 =	vld.idx.msk [tilespmem:v48+s9+$0x0], $0xffff;
	[tilespmem:s15+$0x6550] =	vst v32  }
0x2a8: {  	v34 =	vadd.f32 v34, v61;
	v38 =	vld.idx.msk [tilespmem:v57+s9+$0x0], $0xffff;
	v51 =	vmul.f32 v46, v18;
	v36 =	vmul.f32 v60, v15  }
0x2a9: {  	v55 =	vadd.s32 $0x5DC0, v22;
	v50 =	vadd.s32 $0x55F0, v25;
	v35 =	vld.idx.msk [tilespmem:v58+s9+$0x0], $0xffff  }
0x2aa: {  	[tilespmem:s15+$0x6560] =	vst v34;
	v49 =	vmul.f32 v39, v31;
	v33 =	vmul.f32 v33, v28;
	v36 =	vadd.f32 v36, v51  }
0x2ab: {  	v52 =	vadd.s32 $0x55F0, v30;
	v54 =	vmul.f32 v41, v5;
	v45 =	vmul.f32 v45, v4;
	v40 =	vld.idx.msk [tilespmem:v62+s9+$0x0], $0xffff  }
0x2ac: {  	v56 =	vadd.s32 $0x6590, v9;
	v32 =	vld.idx.msk [tilespmem:v63+s9+$0x0], $0xffff;
	v33 =	vadd.f32 v33, v49;
	[tilespmem:s15+$0x65C0] =	vst v36  }
0x2ad: {  	v37 =	vadd.f32 v45, v54;
	v60 =	vadd.s32 $0x6590, v8;
	v46 =	vld.idx.msk [tilespmem:v53+s9+$0x0], $0xffff  }
0x2ae: {  	v58 =	vadd.s32 $0x5DC0, v20;
	[tilespmem:s15+$0x6570] =	vst v33;
	v57 =	vmul.f32 v38, v21;
	v35 =	vmul.f32 v35, v17;
	v61 =	vld.idx.msk [tilespmem:v55+s9+$0x0], $0xffff  }
0x2af: {  	v59 =	vadd.s32 $0x5DC0, v26;
	v42 =	vmul.f32 v42, v7;
	v39 =	vld.idx.msk [tilespmem:v50+s9+$0x0], $0xffff  }
0x2b0: {  	[tilespmem:s15+$0x6620] =	vst v37;
	v43 =	vmul.f32 v43, v6;
	v53 =	vadd.s32 $0x6590, v11;
	v34 =	vld.idx.msk [tilespmem:v52+s9+$0x0], $0xffff;
	v33 =	vadd.f32 v35, v57  }
0x2b1: {  	v63 =	vadd.s32 $0x5DC0, v23;
	v48 =	vld.idx.msk [tilespmem:v56+s9+$0x0], $0xffff;
	v62 =	vmul.f32 v40, v27;
	v32 =	vmul.f32 v32, v24  }
0x2b2: {  	v49 =	vadd.s32 $0x5DC0, v29;
	v42 =	vadd.f32 v43, v42;
	v45 =	vld.idx.msk [tilespmem:v60+s9+$0x0], $0xffff;
	[tilespmem:s15+$0x65D0] =	vst v33  }
0x2b3: {  	v50 =	vadd.s32 $0x6590, v10;
	v32 =	vadd.f32 v32, v62;
	v38 =	vld.idx.msk [tilespmem:v58+s9+$0x0], $0xffff  }
0x2b4: {  	[tilespmem:s15+$0x6630] =	vst v42;
	v55 =	vadd.s32 $0x6590, v16;
	v36 =	vld.idx.msk [tilespmem:v59+s9+$0x0], $0xffff;
	v46 =	vmul.f32 v46, v18;
	v35 =	vmul.f32 v61, v15  }
0x2b5: {  	v52 =	vadd.s32 $0x5DC0, v25;
	[tilespmem:s15+$0x65E0] =	vst v32;
	v43 =	vld.idx.msk [tilespmem:v53+s9+$0x0], $0xffff;
	v51 =	vmul.f32 v39, v31;
	v34 =	vmul.f32 v34, v28  }
0x2b6: {  	v54 =	vadd.s32 $0x5DC0, v30;
	v56 =	vadd.s32 $0x6590, v22;
	v40 =	vld.idx.msk [tilespmem:v63+s9+$0x0], $0xffff;
	v35 =	vadd.f32 v35, v46  }
0x2b7: {  	v41 =	vmul.f32 v48, v5;
	v45 =	vmul.f32 v45, v4;
	v33 =	vld.idx.msk [tilespmem:v49+s9+$0x0], $0xffff;
	v34 =	vadd.f32 v34, v51  }
0x2b8: {  	v60 =	vadd.s32 $0x6D60, v9;
	v42 =	vld.idx.msk [tilespmem:v50+s9+$0x0], $0xffff;
	[tilespmem:s15+$0x6640] =	vst v35  }
0x2b9: {  	v49 =	vadd.s32 $0x6D60, v8;
	v41 =	vadd.f32 v45, v41;
	[tilespmem:s15+$0x65F0] =	vst v34;
	v61 =	vld.idx.msk [tilespmem:v55+s9+$0x0], $0xffff  }
0x2ba: {  	v58 =	vadd.s32 $0x6590, v20;
	v57 =	vmul.f32 v38, v21;
	v36 =	vmul.f32 v36, v17;
	v39 =	vld.idx.msk [tilespmem:v52+s9+$0x0], $0xffff  }
0x2bb: {  	v59 =	vadd.s32 $0x6590, v26;
	v63 =	vadd.s32 $0x6590, v23;
	[tilespmem:s15+$0x66A0] =	vst v41;
	v32 =	vld.idx.msk [tilespmem:v54+s9+$0x0], $0xffff  }
0x2bc: {  	v44 =	vld.idx.msk [tilespmem:v56+s9+$0x0], $0xffff;
	v62 =	vmul.f32 v40, v27;
	v33 =	vmul.f32 v33, v24;
	v34 =	vadd.f32 v36, v57  }
0x2bd: {  	v48 =	vadd.s32 $0x6590, v29;
	v35 =	vld.idx.msk [tilespmem:v60+s9+$0x0], $0xffff;
	v43 =	vmul.f32 v43, v6;
	v42 =	vmul.f32 v42, v7  }
0x2be: {  	v53 =	vadd.s32 $0x6D60, v10;
	v56 =	vld.idx.msk [tilespmem:v49+s9+$0x0], $0xffff;
	v33 =	vadd.f32 v33, v62;
	[tilespmem:s15+$0x6650] =	vst v34  }
0x2bf: {  	v55 =	vadd.s32 $0x6D60, v11;
	v54 =	vadd.f32 v43, v42;
	v38 =	vld.idx.msk [tilespmem:v58+s9+$0x0], $0xffff  }
0x2c0: {  	v51 =	vadd.s32 $0x6590, v25;
	v50 =	vld.idx.msk [tilespmem:v59+s9+$0x0], $0xffff;
	[tilespmem:s15+$0x6660] =	vst v33;
	v39 =	vmul.f32 v39, v31;
	v32 =	vmul.f32 v32, v28  }
0x2c1: {  	v52 =	vadd.s32 $0x6590, v30;
	v36 =	vmul.f32 v61, v18;
	v40 =	vld.idx.msk [tilespmem:v63+s9+$0x0], $0xffff  }
0x2c2: {  	v57 =	vadd.s32 $0x6D60, v16;
	v44 =	vmul.f32 v44, v15;
	[tilespmem:s15+$0x66B0] =	vst v54;
	v34 =	vld.idx.msk [tilespmem:v48+s9+$0x0], $0xffff;
	v32 =	vadd.f32 v32, v39  }
0x2c3: {  	v58 =	vadd.s32 $0x6D60, v22;
	v35 =	vmul.f32 v35, v5;
	v60 =	vld.idx.msk [tilespmem:v53+s9+$0x0], $0xffff  }
0x2c4: {  	v9 =	vadd.s32 $0x7530, v9;
	v42 =	vld.idx.msk [tilespmem:v55+s9+$0x0], $0xffff;
	v49 =	vmul.f32 v56, v4;
	v36 =	vadd.f32 v44, v36;
	[tilespmem:s15+$0x6670] =	vst v32  }
0x2c5: {  	v8 =	vadd.s32 $0x7530, v8;
	v41 =	vld.idx.msk [tilespmem:v51+s9+$0x0], $0xffff  }
0x2c6: {  	v35 =	vadd.f32 v49, v35;
	[tilespmem:s15+$0x66C0] =	vst v36;
	v33 =	vld.idx.msk [tilespmem:v52+s9+$0x0], $0xffff  }
0x2c7: {  	v59 =	vadd.s32 $0x6D60, v20;
	v38 =	vmul.f32 v38, v21;
	v37 =	vmul.f32 v50, v17;
	v45 =	vld.idx.msk [tilespmem:v57+s9+$0x0], $0xffff  }
0x2c8: {  	v61 =	vadd.s32 $0x6D60, v26;
	v63 =	vadd.s32 $0x6D60, v23;
	v32 =	vld.idx.msk [tilespmem:v58+s9+$0x0], $0xffff;
	[tilespmem:s15+$0x6720] =	vst v35  }
0x2c9: {  	v62 =	vmul.f32 v40, v27;
	v34 =	vmul.f32 v34, v24;
	v9 =	vld.idx.msk [tilespmem:v9+s9+$0x0], $0xffff;
	v37 =	vadd.f32 v37, v38  }
0x2ca: {  	v48 =	vadd.s32 $0x6D60, v29;
	v52 =	vadd.s32 $0x6D60, v25;
	v8 =	vld.idx.msk [tilespmem:v8+s9+$0x0], $0xffff  }
0x2cb: {  	v34 =	vadd.f32 v34, v62;
	[tilespmem:s15+$0x66D0] =	vst v37;
	v51 =	vmul.f32 v41, v31;
	v33 =	vmul.f32 v33, v28  }
0x2cc: {  	v54 =	vadd.s32 $0x6D60, v30;
	v56 =	vmul.f32 v60, v7;
	v57 =	vmul.f32 v42, v6;
	v50 =	vld.idx.msk [tilespmem:v59+s9+$0x0], $0xffff  }
0x2cd: {  	v10 =	vadd.s32 $0x7530, v10;
	v53 =	vld.idx.msk [tilespmem:v61+s9+$0x0], $0xffff;
	[tilespmem:s15+$0x66E0] =	vst v34;
	v33 =	vadd.f32 v33, v51  }
0x2ce: {  	v11 =	vadd.s32 $0x7530, v11;
	v35 =	vadd.f32 v57, v56;
	v55 =	vld.idx.msk [tilespmem:v63+s9+$0x0], $0xffff  }
0x2cf: {  	v16 =	vadd.s32 $0x7530, v16;
	v59 =	vmul.f32 v45, v18;
	v32 =	vmul.f32 v32, v15;
	v58 =	vld.idx.msk [tilespmem:v48+s9+$0x0], $0xffff;
	[tilespmem:s15+$0x66F0] =	vst v33  }
0x2d0: {  	v22 =	vadd.s32 $0x7530, v22;
	v60 =	vld.idx.msk [tilespmem:v52+s9+$0x0], $0xffff  }
0x2d1: {  	[tilespmem:s15+$0x6730] =	vst v35;
	v32 =	vadd.f32 v32, v59;
	v61 =	vld.idx.msk [tilespmem:v54+s9+$0x0], $0xffff  }
0x2d2: {  	v20 =	vadd.s32 $0x7530, v20;
	v10 =	vld.idx.msk [tilespmem:v10+s9+$0x0], $0xffff;
	v62 =	vmul.f32 v50, v21;
	v63 =	vmul.f32 v53, v17  }
0x2d3: {  	v26 =	vadd.s32 $0x7530, v26;
	v23 =	vadd.s32 $0x7530, v23;
	v11 =	vld.idx.msk [tilespmem:v11+s9+$0x0], $0xffff;
	[tilespmem:s15+$0x6740] =	vst v32  }
0x2d4: {  	v16 =	vld.idx.msk [tilespmem:v16+s9+$0x0], $0xffff;
	v41 =	vmul.f32 v55, v27;
	v42 =	vmul.f32 v58, v24;
	v43 =	vadd.f32 v63, v62  }
0x2d5: {  	v29 =	vadd.s32 $0x7530, v29;
	v25 =	vadd.s32 $0x7530, v25;
	v22 =	vld.idx.msk [tilespmem:v22+s9+$0x0], $0xffff  }
0x2d6: {  	v44 =	vadd.f32 v42, v41;
	[tilespmem:s15+$0x6750] =	vst v43;
	v45 =	vmul.f32 v60, v31;
	v33 =	vmul.f32 v61, v28  }
0x2d7: {  	v30 =	vadd.s32 $0x7530, v30;
	v20 =	vld.idx.msk [tilespmem:v20+s9+$0x0], $0xffff  }
0x2d8: {  	[tilespmem:s15+$0x6760] =	vst v44;
	v26 =	vld.idx.msk [tilespmem:v26+s9+$0x0], $0xffff;
	v32 =	vadd.f32 v33, v45  }
0x2d9: {  	v23 =	vld.idx.msk [tilespmem:v23+s9+$0x0], $0xffff  }
0x2da: {  	v1 =	vmul.f32 v12, v1;
	v0 =	vmul.f32 v13, v0;
	v46 =	vld.idx.msk [tilespmem:v29+s9+$0x0], $0xffff;
	[tilespmem:s15+$0x6770] =	vst v32  }
0x2db: {  	v3 =	vmul.f32 v14, v3;
	v2 =	vmul.f32 v19, v2;
	v47 =	vld.idx.msk [tilespmem:v25+s9+$0x0], $0xffff  }
0x2dc: {  	v0 =	vadd.f32 v0, v1;
	v48 =	vmul.f32 v9, v5;
	v4 =	vmul.f32 v8, v4;
	v49 =	vld.idx.msk [tilespmem:v30+s9+$0x0], $0xffff  }
0x2dd: {  	v2 =	vadd.f32 v2, v3;
	v50 =	vmul.f32 v10, v7;
	v6 =	vmul.f32 v11, v6  }
0x2de: {  	[tilespmem:s15+$0x6780] =	vst v0;
	v51 =	vadd.f32 v4, v48;
	v52 =	vmul.f32 v16, v18;
	v53 =	vmul.f32 v22, v15  }
0x2df: {  	s16 =	sadd.s32 $0x8, s16;
	[tilespmem:s15+$0x6790] =	vst v2;
	v54 =	vadd.f32 v6, v50;
	v55 =	vmul.f32 v20, v21;
	v56 =	vmul.f32 v26, v17  }
0x2e0: {  	p0 =	slt.u32 s16, $0xC0;
	[tilespmem:s15+$0x67A0] =	vst v51;
	v57 =	vadd.f32 v53, v52;
	v58 =	vmul.f32 v23, v27;
	v59 =	vmul.f32 v46, v24  }
.Ltmp1:
0x2e1: {  	[tilespmem:s15+$0x67B0] =	vst v54;
	v60 =	vadd.f32 v56, v55;
	v61 =	vmul.f32 v47, v31;
	v5 =	vmul.f32 v49, v28;
	(pc) =	sbr.rel @p0 .LBB2_4-.Ltmp1, $4  }
0x2e2: {  	[tilespmem:s15+$0x67C0] =	vst v57;
	v62 =	vadd.f32 v59, v58  }
0x2e3: {  	[tilespmem:s15+$0x67D0] =	vst v60;
	v63 =	vadd.f32 v5, v61  }
0x2e4: {  	[tilespmem:s15+$0x67E0] =	vst v62  }
0x2e5: {  	s17 =	sadd.s32 $0x80, s17;
	[tilespmem:s15+$0x67F0] =	vst v63;
	s15 =	sadd.s32 $0x400, s15  }
0x2e6: {  	s14 =	sadd.s32 $0x1, s14  }
0x2e7: {  	p0 =	sne.s32 s14, s8  }
.Ltmp2:
0x2e8: {  	_ = 	snop;
	(pc) =	sbr.rel @p0 .LBB2_1-.Ltmp2, $4  }
0x2e9: {  	[hbm4b:s7+s11] =	stream.strided.scatter [tilespmem:s13], [sflag:$0x1], $0xC800, s12, s11, $0x38;
	[tilespmem:$0x15180] =	vst v63  }
0x2ea: {  	_ =	swait.ge [sflag:s10], $0xC800  }
0x2eb: {  	[sflag:s10] =	ssyncset.done $0x0  }
0x2ec: {  	[sflag:s10] =	ssyncadd.s32 $0xFFFF3800  }
0x2ed: {  	_ =	sfence.sel $0x180000  }
0x2ee: {  	[bflag:$0x0] =	sbarrier.arrive $0xFFFF  }
0x2ef: {  	p0 =	sne.s32 s1, $0x0;
	_ =	strace $0x90000047  }
0x2f0: {  	s0 =	sadd.s32 @!p0 $0x100000, s0;
	[bflag:$0x2] =	sbarrier.arrive $0xFFFF  }
0x2f1: {  	[sflag:s0] =	ssyncadd.tile.s32 @!p0 $0x1;
	_ =	shalt  }
.Lfunc_end2:
_tile_overlayer_lowered:
.L_overlay_start_2:
0x2f2: {  	(tag) =	ssettag $0x2  }
0x2f3: {  	s0 =	rddreg [dreg:$0x0];
	s2 =	stileid.u32  }
0x2f4: {  	s1 =	rddreg [dreg:$0x1];
	p0 =	sne.s32 s2, $0x0  }
0x2f5: {  	s3 =	rddreg [dreg:$0x2];
	[bflag:$0x3] =	sbarrier.arrive $0xFFFF;
	s2 =	simm.s32 @!p0 $0x1C01  }
0x2f6: {  	[timem:s3], [sflag:s2] =	dma.local @!p0 [hbm:s0], s1  }
0x2f7: {  	s0 =	simm.s32 @!p0 $0x1  }
0x2f8: {  	_ =	swait.ge @!p0 [sflag:s0], s1  }
0x2f9: {  	s1 =	ssub.s32 @!p0 $0x0, s1;
	[sflag:s0] =	ssyncset.done @!p0 $0x0  }
0x2fa: {  	[sflag:s0] =	ssyncadd.s32 @!p0 s1  }
0x2fb: {  	[bflag:$0x3] =	sbarrier.arrive $0xFFFF  }
0x2fc: {  	_ =	shalt  }

</sc_bundles>
